<compile_context>
chip_gen: v7x
topology: tpu7x:2x2x1
jax: 0.10.2.dev20260603
libtpu: 0.0.44.dev20260713+nightly
codegen_flags: <defaults>
</compile_context>

<pallas_src>
import functools

import jax
import jax.numpy as jnp
from jax import lax
from jax.experimental import pallas as pl
from jax.experimental.pallas import tpu as pltpu
from jax.experimental.pallas import tpu_sc as plsc

SEQ = 4096
HID = 1024
NUM_TILES = 32
ROWS_PER_TILE = SEQ // NUM_TILES
CH = 16
NCHUNK = ROWS_PER_TILE // CH
NSLOT = 6
ZCH = 16


def _body(hidden_hbm, ids_hbm, t_hbm, q_hbm, out_hbm,
          ids_v, t_v, q_v, dest_v, rows_v, zero_v,
          sems_in, sems_out, sem_z, sem_ids):
    info = plsc.get_sparse_core_info()
    nc = info.num_cores
    wid = lax.axis_index("s") * nc + lax.axis_index("c")
    base_row = wid * ROWS_PER_TILE

    for b in range(NSLOT):
        pltpu.async_copy(hidden_hbm.at[pl.ds(base_row + b * CH, CH)],
                         rows_v.at[b], sems_in[b])
    ids_cp = pltpu.make_async_copy(ids_hbm, ids_v, sem_ids)
    ids_cp.start()
    pltpu.sync_copy(t_hbm, t_v)
    pltpu.sync_copy(q_hbm, q_v)

    zvec = jnp.zeros((16,), jnp.float32)
    for r in range(ZCH):
        def zinit(cb, _, r=r):
            zero_v[r, pl.ds(cb * 16, 16)] = zvec
            return 0
        lax.fori_loop(0, HID // 16, zinit, 0)

    ids_cp.wait()
    tv = t_v[pl.ds(0, 16)]
    qv = q_v[pl.ds(0, 16)]
    zv16 = jnp.zeros((16,), jnp.int32)

    def count_body(i, carry):
        c0v, c1v = carry
        for u in range(8):
            v = ids_v[pl.ds((i * 8 + u) * 16, 16)]
            c0v = c0v + (v == tv).astype(jnp.int32)
            c1v = c1v + (v == qv).astype(jnp.int32)
        return c0v, c1v

    b0v, b1v = lax.fori_loop(0, wid, count_body, (zv16, zv16))
    o0v, o1v = count_body(wid, (zv16, zv16))
    r0v, r1v = lax.fori_loop(wid + 1, NUM_TILES, count_body, (zv16, zv16))

    base0 = jnp.sum(b0v)
    base1 = jnp.sum(b1v)
    count0 = base0 + jnp.sum(o0v) + jnp.sum(r0v)
    count1 = base1 + jnp.sum(o1v) + jnp.sum(r1v)

    ntrips = []
    rems = []
    for (cnt, end) in ((count0, SEQ), (count1, 2 * SEQ)):
        length = SEQ - cnt
        nch = length // ZCH
        rem = length - nch * ZCH

        def zchunk(k, _, end=end):
            i = wid + k * NUM_TILES
            start = end - (i + 1) * ZCH
            pltpu.async_copy(zero_v, out_hbm.at[pl.ds(start, ZCH)], sem_z)
            return 0

        nt = (nch - wid + NUM_TILES - 1) // NUM_TILES
        lax.fori_loop(0, nt, zchunk, 0)
        ntrips.append(nt)
        rems.append(rem)

        @pl.when(wid < rem)
        def _(cnt=cnt, end=end):
            row = (end - SEQ) + cnt + wid
            pltpu.async_copy(zero_v.at[pl.ds(0, 1)],
                             out_hbm.at[pl.ds(row, 1)], sem_z)

    c0 = base0
    c1 = base1
    for j in range(8):
        v = ids_v[pl.ds((wid * 8 + j) * 16, 16)]
        m0 = v == tv
        m1 = v == qv
        m0i = m0.astype(jnp.int32)
        m1i = m1.astype(jnp.int32)
        cum0 = plsc.cumsum(m0i)
        cum1 = plsc.cumsum(m1i)
        d0 = cum0 + jnp.broadcast_to(c0 - 1, (16,))
        d1 = cum1 + jnp.broadcast_to(SEQ + c1 - 1, (16,))
        dest_v[j, pl.ds(0, 16)] = jnp.where(m0, d0, d1)
        c0 = c0 + jnp.sum(m0i)
        c1 = c1 + jnp.sum(m1i)

    for c in range(NCHUNK):
        b = c % NSLOT
        pltpu.make_async_copy(hidden_hbm.at[pl.ds(base_row + c * CH, CH)],
                              rows_v.at[b], sems_in[b]).wait()
        pltpu.async_copy(rows_v.at[b], out_hbm.at[dest_v.at[c]], sems_out[b])
        if c + NSLOT < NCHUNK:
            pltpu.make_async_copy(rows_v.at[b], out_hbm.at[pl.ds(0, CH)],
                                  sems_out[b]).wait()
            pltpu.async_copy(
                hidden_hbm.at[pl.ds(base_row + (c + NSLOT) * CH, CH)],
                rows_v.at[b], sems_in[b])

    for c in range(max(0, NCHUNK - NSLOT), NCHUNK):
        b = c % NSLOT
        pltpu.make_async_copy(rows_v.at[b], out_hbm.at[pl.ds(0, CH)],
                              sems_out[b]).wait()

    def zdrain(k, _):
        pltpu.make_async_copy(out_hbm.at[pl.ds(0, ZCH)], zero_v, sem_z).wait()
        return 0
    lax.fori_loop(0, ntrips[0] + ntrips[1], zdrain, 0)
    for rem in rems:
        @pl.when(wid < rem)
        def _(rem=rem):
            pltpu.make_async_copy(out_hbm.at[pl.ds(0, 1)],
                                  zero_v.at[pl.ds(0, 1)], sem_z).wait()


@jax.jit
def kernel(interaction_hidden, speaker_ids, target_speaker, interlocutor):
    t_arr = jnp.full((16,), target_speaker, jnp.int32)
    q_arr = jnp.full((16,), interlocutor, jnp.int32)
    run = functools.partial(
        pl.kernel,
        mesh=plsc.VectorSubcoreMesh(core_axis_name="c", subcore_axis_name="s"),
        out_type=jax.ShapeDtypeStruct((2 * SEQ, HID), jnp.float32),
        compiler_params=pltpu.CompilerParams(needs_layout_passes=False),
        scratch_types=[
            pltpu.VMEM((SEQ,), jnp.int32),
            pltpu.VMEM((16,), jnp.int32),
            pltpu.VMEM((16,), jnp.int32),
            pltpu.VMEM((NCHUNK, CH), jnp.int32),
            pltpu.VMEM((NSLOT, CH, HID), jnp.float32),
            pltpu.VMEM((ZCH, HID), jnp.float32),
            [pltpu.SemaphoreType.DMA] * NSLOT,
            [pltpu.SemaphoreType.DMA] * NSLOT,
            pltpu.SemaphoreType.DMA,
            pltpu.SemaphoreType.DMA,
        ],
    )(_body)
    flat = run(interaction_hidden, speaker_ids.astype(jnp.int32), t_arr, q_arr)
    return flat.reshape(2, SEQ, HID)

# --- scband reference (transcript-rebuilt; emitter-appended) ---
"""Pipeline reference for scband-dialog-management-unit-4346506903829 (READ-ONLY COPY).

The authoritative reference and input builder live on the scoring server;
editing this copy changes nothing except your own understanding.
"""

import jax, jax.numpy as jnp
import numpy as np

SEQ_LEN = 4096
HIDDEN = 1024


def setup_inputs(seed: int = 0) -> dict:
    key = jax.random.key(seed)
    k1, k2 = jax.random.split(key)
    interaction_hidden = jax.random.normal(k1, (SEQ_LEN, HIDDEN), dtype=jnp.float32)
    speaker_ids = jax.random.randint(k2, (SEQ_LEN,), 0, 2, dtype=jnp.int32)
    return {
        "interaction_hidden": interaction_hidden,
        "speaker_ids": speaker_ids,
        "target_speaker": 0,
        "interlocutor": 1,
    }


def _pack_rows(interaction_hidden, mask):
    # Stable compaction: rows where mask is True are packed to the front
    # (preserving timestep order, same as the torch append-in-order loop).
    # Non-selected rows are routed to an overflow slot which is sliced off,
    # so the output is the torch result zero-padded to fixed shape [SEQ_LEN, HIDDEN].
    seq_len = interaction_hidden.shape[0]
    pos = jnp.cumsum(mask.astype(jnp.int32)) - 1
    pos = jnp.where(mask, pos, seq_len)
    buf = jnp.zeros((seq_len + 1, interaction_hidden.shape[1]), dtype=interaction_hidden.dtype)
    buf = buf.at[pos].set(interaction_hidden)
    return buf[:seq_len]


def reference(interaction_hidden, speaker_ids, target_speaker, interlocutor):
    mask_speaker = speaker_ids == target_speaker
    mask_interloc = speaker_ids == interlocutor
    speaker_out = _pack_rows(interaction_hidden, mask_speaker)
    interloc_out = _pack_rows(interaction_hidden, mask_interloc)
    # dict values stacked: out[0] = 'speaker' (zero-padded), out[1] = 'interlocutor'
    return jnp.stack([speaker_out, interloc_out], axis=0)

if __name__ == "__main__":
    import jax
    _d = setup_inputs()
    print(jax.jit(kernel)(*tuple(_d.values())))

</pallas_src>

<mosaic_0001>
#map = affine_map<(d0, d1) -> (0, 0)>
#map1 = affine_map<(d0, d1) -> (0)>
module attributes {stable_mosaic.version = 14 : i64} {
  func.func @_body(%arg0: i32, %arg1: i32, %arg2: memref<4096x1024xf32, #tpu.memory_space<hbm>>, %arg3: memref<4096xi32, #tpu.memory_space<hbm>>, %arg4: memref<16xi32, #tpu.memory_space<hbm>>, %arg5: memref<16xi32, #tpu.memory_space<hbm>>, %arg6: memref<8192x1024xf32, #tpu.memory_space<hbm>>, %arg7: memref<4096xi32, #tpu.memory_space<vmem>>, %arg8: memref<16xi32, #tpu.memory_space<vmem>>, %arg9: memref<16xi32, #tpu.memory_space<vmem>>, %arg10: memref<8x16xi32, #tpu.memory_space<vmem>>, %arg11: memref<6x16x1024xf32, #tpu.memory_space<vmem>>, %arg12: memref<16x1024xf32, #tpu.memory_space<vmem>>, %arg13: memref<!tpu.dma_semaphore, #tpu.memory_space<semaphore_mem>>, %arg14: memref<!tpu.dma_semaphore, #tpu.memory_space<semaphore_mem>>, %arg15: memref<!tpu.dma_semaphore, #tpu.memory_space<semaphore_mem>>, %arg16: memref<!tpu.dma_semaphore, #tpu.memory_space<semaphore_mem>>, %arg17: memref<!tpu.dma_semaphore, #tpu.memory_space<semaphore_mem>>, %arg18: memref<!tpu.dma_semaphore, #tpu.memory_space<semaphore_mem>>, %arg19: memref<!tpu.dma_semaphore, #tpu.memory_space<semaphore_mem>>, %arg20: memref<!tpu.dma_semaphore, #tpu.memory_space<semaphore_mem>>, %arg21: memref<!tpu.dma_semaphore, #tpu.memory_space<semaphore_mem>>, %arg22: memref<!tpu.dma_semaphore, #tpu.memory_space<semaphore_mem>>, %arg23: memref<!tpu.dma_semaphore, #tpu.memory_space<semaphore_mem>>, %arg24: memref<!tpu.dma_semaphore, #tpu.memory_space<semaphore_mem>>, %arg25: memref<!tpu.dma_semaphore, #tpu.memory_space<semaphore_mem>>, %arg26: memref<!tpu.dma_semaphore, #tpu.memory_space<semaphore_mem>>) attributes {dimension_semantics = [#tpu.dimension_semantics<core_parallel>, #tpu.dimension_semantics<subcore_parallel>], iteration_bounds = array<i64: 2, 16>, scalar_prefetch = 0 : i64, scratch_operands = 20 : i64, tpu.core_type = #tpu.core_type<sc_vector_subcore>, window_params = [{transform_indices = #map}, {transform_indices = #map1}, {transform_indices = #map1}, {transform_indices = #map1}, {transform_indices = #map}]} {
    %mul3A = arith.constant 2 : i32
    %mul3A_0 = arith.muli %arg1, %mul3A : i32
    %add3A = arith.addi %mul3A_0, %arg0 : i32
    %mul3A_1 = arith.constant 128 : i32
    %mul3A_2 = arith.muli %add3A, %mul3A_1 : i32
    %add3A_3 = arith.constant 0 : i32
    %add3A_4 = arith.addi %mul3A_2, %add3A_3 : i32
    %dma_start3A = arith.constant 0 : i32
    %dma_start3A_5 = arith.constant 0 : i32
    %dma_start3A_6 = arith.constant 0 : i32
    %dma_start3A_7 = tpu.memref_slice %arg11[%dma_start3A, %dma_start3A_5, %dma_start3A_6] : memref<6x16x1024xf32, #tpu.memory_space<vmem>> -> memref<1x16x1024xf32, #tpu.memory_space<vmem>>
    %dma_start3A_8 = tpu.memref_squeeze %dma_start3A_7 : memref<1x16x1024xf32, #tpu.memory_space<vmem>> -> memref<16x1024xf32, #tpu.memory_space<vmem>>
    %dma_start3A_9 = arith.constant 0 : i32
    %dma_start3A_10 = tpu.memref_slice %arg2[%add3A_4, %dma_start3A_9] : memref<4096x1024xf32, #tpu.memory_space<hbm>> -> memref<16x1024xf32, #tpu.memory_space<hbm>>
    %dma_start3A_11 = arith.constant 0 : i32
    %dma_start3A_12 = arith.constant 0 : i32
    %dma_start3A_13 = tpu.memref_slice %arg11[%dma_start3A, %dma_start3A_11, %dma_start3A_12] : memref<6x16x1024xf32, #tpu.memory_space<vmem>> -> memref<1x16x1024xf32, #tpu.memory_space<vmem>>
    %dma_start3A_14 = tpu.memref_squeeze %dma_start3A_13 : memref<1x16x1024xf32, #tpu.memory_space<vmem>> -> memref<16x1024xf32, #tpu.memory_space<vmem>>
    %dma_start3A_15 = arith.constant 0 : i32
    %dma_start3A_16 = tpu.memref_slice %arg2[%add3A_4, %dma_start3A_15] : memref<4096x1024xf32, #tpu.memory_space<hbm>> -> memref<16x1024xf32, #tpu.memory_space<hbm>>
    tpu.enqueue_dma source(%dma_start3A_16 : memref<16x1024xf32, #tpu.memory_space<hbm>>) target(%dma_start3A_14 : memref<16x1024xf32, #tpu.memory_space<vmem>>) target_semaphore(%arg13 : memref<!tpu.dma_semaphore, #tpu.memory_space<semaphore_mem>>)
    %add3A_17 = arith.constant 16 : i32
    %add3A_18 = arith.addi %mul3A_2, %add3A_17 : i32
    %dma_start3A_19 = arith.constant 1 : i32
    %dma_start3A_20 = arith.constant 0 : i32
    %dma_start3A_21 = arith.constant 0 : i32
    %dma_start3A_22 = tpu.memref_slice %arg11[%dma_start3A_19, %dma_start3A_20, %dma_start3A_21] : memref<6x16x1024xf32, #tpu.memory_space<vmem>> -> memref<1x16x1024xf32, #tpu.memory_space<vmem>>
    %dma_start3A_23 = tpu.memref_squeeze %dma_start3A_22 : memref<1x16x1024xf32, #tpu.memory_space<vmem>> -> memref<16x1024xf32, #tpu.memory_space<vmem>>
    %dma_start3A_24 = arith.constant 0 : i32
    %dma_start3A_25 = tpu.memref_slice %arg2[%add3A_18, %dma_start3A_24] : memref<4096x1024xf32, #tpu.memory_space<hbm>> -> memref<16x1024xf32, #tpu.memory_space<hbm>>
    %dma_start3A_26 = arith.constant 0 : i32
    %dma_start3A_27 = arith.constant 0 : i32
    %dma_start3A_28 = tpu.memref_slice %arg11[%dma_start3A_19, %dma_start3A_26, %dma_start3A_27] : memref<6x16x1024xf32, #tpu.memory_space<vmem>> -> memref<1x16x1024xf32, #tpu.memory_space<vmem>>
    %dma_start3A_29 = tpu.memref_squeeze %dma_start3A_28 : memref<1x16x1024xf32, #tpu.memory_space<vmem>> -> memref<16x1024xf32, #tpu.memory_space<vmem>>
    %dma_start3A_30 = arith.constant 0 : i32
    %dma_start3A_31 = tpu.memref_slice %arg2[%add3A_18, %dma_start3A_30] : memref<4096x1024xf32, #tpu.memory_space<hbm>> -> memref<16x1024xf32, #tpu.memory_space<hbm>>
    tpu.enqueue_dma source(%dma_start3A_31 : memref<16x1024xf32, #tpu.memory_space<hbm>>) target(%dma_start3A_29 : memref<16x1024xf32, #tpu.memory_space<vmem>>) target_semaphore(%arg14 : memref<!tpu.dma_semaphore, #tpu.memory_space<semaphore_mem>>)
    %add3A_32 = arith.constant 32 : i32
    %add3A_33 = arith.addi %mul3A_2, %add3A_32 : i32
    %dma_start3A_34 = arith.constant 2 : i32
    %dma_start3A_35 = arith.constant 0 : i32
    %dma_start3A_36 = arith.constant 0 : i32
    %dma_start3A_37 = tpu.memref_slice %arg11[%dma_start3A_34, %dma_start3A_35, %dma_start3A_36] : memref<6x16x1024xf32, #tpu.memory_space<vmem>> -> memref<1x16x1024xf32, #tpu.memory_space<vmem>>
    %dma_start3A_38 = tpu.memref_squeeze %dma_start3A_37 : memref<1x16x1024xf32, #tpu.memory_space<vmem>> -> memref<16x1024xf32, #tpu.memory_space<vmem>>
    %dma_start3A_39 = arith.constant 0 : i32
    %dma_start3A_40 = tpu.memref_slice %arg2[%add3A_33, %dma_start3A_39] : memref<4096x1024xf32, #tpu.memory_space<hbm>> -> memref<16x1024xf32, #tpu.memory_space<hbm>>
    %dma_start3A_41 = arith.constant 0 : i32
    %dma_start3A_42 = arith.constant 0 : i32
    %dma_start3A_43 = tpu.memref_slice %arg11[%dma_start3A_34, %dma_start3A_41, %dma_start3A_42] : memref<6x16x1024xf32, #tpu.memory_space<vmem>> -> memref<1x16x1024xf32, #tpu.memory_space<vmem>>
    %dma_start3A_44 = tpu.memref_squeeze %dma_start3A_43 : memref<1x16x1024xf32, #tpu.memory_space<vmem>> -> memref<16x1024xf32, #tpu.memory_space<vmem>>
    %dma_start3A_45 = arith.constant 0 : i32
    %dma_start3A_46 = tpu.memref_slice %arg2[%add3A_33, %dma_start3A_45] : memref<4096x1024xf32, #tpu.memory_space<hbm>> -> memref<16x1024xf32, #tpu.memory_space<hbm>>
    tpu.enqueue_dma source(%dma_start3A_46 : memref<16x1024xf32, #tpu.memory_space<hbm>>) target(%dma_start3A_44 : memref<16x1024xf32, #tpu.memory_space<vmem>>) target_semaphore(%arg15 : memref<!tpu.dma_semaphore, #tpu.memory_space<semaphore_mem>>)
    %add3A_47 = arith.constant 48 : i32
    %add3A_48 = arith.addi %mul3A_2, %add3A_47 : i32
    %dma_start3A_49 = arith.constant 3 : i32
    %dma_start3A_50 = arith.constant 0 : i32
    %dma_start3A_51 = arith.constant 0 : i32
    %dma_start3A_52 = tpu.memref_slice %arg11[%dma_start3A_49, %dma_start3A_50, %dma_start3A_51] : memref<6x16x1024xf32, #tpu.memory_space<vmem>> -> memref<1x16x1024xf32, #tpu.memory_space<vmem>>
    %dma_start3A_53 = tpu.memref_squeeze %dma_start3A_52 : memref<1x16x1024xf32, #tpu.memory_space<vmem>> -> memref<16x1024xf32, #tpu.memory_space<vmem>>
    %dma_start3A_54 = arith.constant 0 : i32
    %dma_start3A_55 = tpu.memref_slice %arg2[%add3A_48, %dma_start3A_54] : memref<4096x1024xf32, #tpu.memory_space<hbm>> -> memref<16x1024xf32, #tpu.memory_space<hbm>>
    %dma_start3A_56 = arith.constant 0 : i32
    %dma_start3A_57 = arith.constant 0 : i32
    %dma_start3A_58 = tpu.memref_slice %arg11[%dma_start3A_49, %dma_start3A_56, %dma_start3A_57] : memref<6x16x1024xf32, #tpu.memory_space<vmem>> -> memref<1x16x1024xf32, #tpu.memory_space<vmem>>
    %dma_start3A_59 = tpu.memref_squeeze %dma_start3A_58 : memref<1x16x1024xf32, #tpu.memory_space<vmem>> -> memref<16x1024xf32, #tpu.memory_space<vmem>>
    %dma_start3A_60 = arith.constant 0 : i32
    %dma_start3A_61 = tpu.memref_slice %arg2[%add3A_48, %dma_start3A_60] : memref<4096x1024xf32, #tpu.memory_space<hbm>> -> memref<16x1024xf32, #tpu.memory_space<hbm>>
    tpu.enqueue_dma source(%dma_start3A_61 : memref<16x1024xf32, #tpu.memory_space<hbm>>) target(%dma_start3A_59 : memref<16x1024xf32, #tpu.memory_space<vmem>>) target_semaphore(%arg16 : memref<!tpu.dma_semaphore, #tpu.memory_space<semaphore_mem>>)
    %add3A_62 = arith.constant 64 : i32
    %add3A_63 = arith.addi %mul3A_2, %add3A_62 : i32
    %dma_start3A_64 = arith.constant 4 : i32
    %dma_start3A_65 = arith.constant 0 : i32
    %dma_start3A_66 = arith.constant 0 : i32
    %dma_start3A_67 = tpu.memref_slice %arg11[%dma_start3A_64, %dma_start3A_65, %dma_start3A_66] : memref<6x16x1024xf32, #tpu.memory_space<vmem>> -> memref<1x16x1024xf32, #tpu.memory_space<vmem>>
    %dma_start3A_68 = tpu.memref_squeeze %dma_start3A_67 : memref<1x16x1024xf32, #tpu.memory_space<vmem>> -> memref<16x1024xf32, #tpu.memory_space<vmem>>
    %dma_start3A_69 = arith.constant 0 : i32
    %dma_start3A_70 = tpu.memref_slice %arg2[%add3A_63, %dma_start3A_69] : memref<4096x1024xf32, #tpu.memory_space<hbm>> -> memref<16x1024xf32, #tpu.memory_space<hbm>>
    %dma_start3A_71 = arith.constant 0 : i32
    %dma_start3A_72 = arith.constant 0 : i32
    %dma_start3A_73 = tpu.memref_slice %arg11[%dma_start3A_64, %dma_start3A_71, %dma_start3A_72] : memref<6x16x1024xf32, #tpu.memory_space<vmem>> -> memref<1x16x1024xf32, #tpu.memory_space<vmem>>
    %dma_start3A_74 = tpu.memref_squeeze %dma_start3A_73 : memref<1x16x1024xf32, #tpu.memory_space<vmem>> -> memref<16x1024xf32, #tpu.memory_space<vmem>>
    %dma_start3A_75 = arith.constant 0 : i32
    %dma_start3A_76 = tpu.memref_slice %arg2[%add3A_63, %dma_start3A_75] : memref<4096x1024xf32, #tpu.memory_space<hbm>> -> memref<16x1024xf32, #tpu.memory_space<hbm>>
    tpu.enqueue_dma source(%dma_start3A_76 : memref<16x1024xf32, #tpu.memory_space<hbm>>) target(%dma_start3A_74 : memref<16x1024xf32, #tpu.memory_space<vmem>>) target_semaphore(%arg17 : memref<!tpu.dma_semaphore, #tpu.memory_space<semaphore_mem>>)
    %add3A_77 = arith.constant 80 : i32
    %add3A_78 = arith.addi %mul3A_2, %add3A_77 : i32
    %dma_start3A_79 = arith.constant 5 : i32
    %dma_start3A_80 = arith.constant 0 : i32
    %dma_start3A_81 = arith.constant 0 : i32
    %dma_start3A_82 = tpu.memref_slice %arg11[%dma_start3A_79, %dma_start3A_80, %dma_start3A_81] : memref<6x16x1024xf32, #tpu.memory_space<vmem>> -> memref<1x16x1024xf32, #tpu.memory_space<vmem>>
    %dma_start3A_83 = tpu.memref_squeeze %dma_start3A_82 : memref<1x16x1024xf32, #tpu.memory_space<vmem>> -> memref<16x1024xf32, #tpu.memory_space<vmem>>
    %dma_start3A_84 = arith.constant 0 : i32
    %dma_start3A_85 = tpu.memref_slice %arg2[%add3A_78, %dma_start3A_84] : memref<4096x1024xf32, #tpu.memory_space<hbm>> -> memref<16x1024xf32, #tpu.memory_space<hbm>>
    %dma_start3A_86 = arith.constant 0 : i32
    %dma_start3A_87 = arith.constant 0 : i32
    %dma_start3A_88 = tpu.memref_slice %arg11[%dma_start3A_79, %dma_start3A_86, %dma_start3A_87] : memref<6x16x1024xf32, #tpu.memory_space<vmem>> -> memref<1x16x1024xf32, #tpu.memory_space<vmem>>
    %dma_start3A_89 = tpu.memref_squeeze %dma_start3A_88 : memref<1x16x1024xf32, #tpu.memory_space<vmem>> -> memref<16x1024xf32, #tpu.memory_space<vmem>>
    %dma_start3A_90 = arith.constant 0 : i32
    %dma_start3A_91 = tpu.memref_slice %arg2[%add3A_78, %dma_start3A_90] : memref<4096x1024xf32, #tpu.memory_space<hbm>> -> memref<16x1024xf32, #tpu.memory_space<hbm>>
    tpu.enqueue_dma source(%dma_start3A_91 : memref<16x1024xf32, #tpu.memory_space<hbm>>) target(%dma_start3A_89 : memref<16x1024xf32, #tpu.memory_space<vmem>>) target_semaphore(%arg18 : memref<!tpu.dma_semaphore, #tpu.memory_space<semaphore_mem>>)
    tpu.enqueue_dma source(%arg3 : memref<4096xi32, #tpu.memory_space<hbm>>) target(%arg7 : memref<4096xi32, #tpu.memory_space<vmem>>) target_semaphore(%arg26 : memref<!tpu.dma_semaphore, #tpu.memory_space<semaphore_mem>>)
    "tpu.region"() ({
      %run_scoped3A = tpu.sem_alloc : memref<!tpu.dma_semaphore, #tpu.memory_space<semaphore_mem>>
      tpu.enqueue_dma source(%arg4 : memref<16xi32, #tpu.memory_space<hbm>>) target(%arg8 : memref<16xi32, #tpu.memory_space<vmem>>) target_semaphore(%run_scoped3A : memref<!tpu.dma_semaphore, #tpu.memory_space<semaphore_mem>>)
      tpu.wait_dma2 semaphore(%run_scoped3A : memref<!tpu.dma_semaphore, #tpu.memory_space<semaphore_mem>>) src(%arg4 : memref<16xi32, #tpu.memory_space<hbm>>) dst(%arg8 : memref<16xi32, #tpu.memory_space<vmem>>)
      tpu.yield
    }) : () -> ()
    "tpu.region"() ({
      %run_scoped3A = tpu.sem_alloc : memref<!tpu.dma_semaphore, #tpu.memory_space<semaphore_mem>>
      tpu.enqueue_dma source(%arg5 : memref<16xi32, #tpu.memory_space<hbm>>) target(%arg9 : memref<16xi32, #tpu.memory_space<vmem>>) target_semaphore(%run_scoped3A : memref<!tpu.dma_semaphore, #tpu.memory_space<semaphore_mem>>)
      tpu.wait_dma2 semaphore(%run_scoped3A : memref<!tpu.dma_semaphore, #tpu.memory_space<semaphore_mem>>) src(%arg5 : memref<16xi32, #tpu.memory_space<hbm>>) dst(%arg9 : memref<16xi32, #tpu.memory_space<vmem>>)
      tpu.yield
    }) : () -> ()
    %broadcast_in_dim3A = arith.constant 0.000000e+00 : f32
    %broadcast_in_dim3A_92 = vector.broadcast %broadcast_in_dim3A : f32 to vector<16xf32>
    %scan3A = arith.constant 0 : i32
    %scan3A_93 = arith.constant 0 : i32
    %scan3A_94 = arith.constant 64 : i32
    %scan3A_95 = arith.addi %scan3A_93, %scan3A_94 : i32
    %scan3A_96 = arith.constant 1 : i32
    %scan3A_97 = scf.for %scan3A_1235 = %scan3A_93 to %scan3A_95 step %scan3A_96 iter_args(%scan3A_1236 = %scan3A) -> (i32)  : i32 {
      %mul3A_1237 = arith.constant 16 : i32
      %mul3A_1238 = arith.muli %scan3A_1235, %mul3A_1237 : i32
      %swap3A_1239 = arith.constant 0 : i32
      %swap3A_1240 = arith.index_cast %swap3A_1239 : i32 to index
      %swap3A_1241 = arith.index_cast %mul3A_1238 : i32 to index
      %swap3A_1242 = tpu.vector_load %arg12[%swap3A_1240, %swap3A_1241] {strides = array<i32>} : memref<16x1024xf32, #tpu.memory_space<vmem>>, vector<16xf32>,
      tpu.vector_store %arg12[%swap3A_1240, %swap3A_1241], %broadcast_in_dim3A_92 {strides = array<i32>} : memref<16x1024xf32, #tpu.memory_space<vmem>>, vector<16xf32>,
      %scan3A_1243 = arith.constant 0 : i32
      scf.yield %scan3A_1243 : i32
    }
    %scan3A_98 = arith.constant 64 : i32
    %scan3A_99 = arith.constant 0 : i32
    %scan3A_100 = arith.constant 0 : i32
    %scan3A_101 = arith.constant 64 : i32
    %scan3A_102 = arith.addi %scan3A_100, %scan3A_101 : i32
    %scan3A_103 = arith.constant 1 : i32
    %scan3A_104 = scf.for %scan3A_1235 = %scan3A_100 to %scan3A_102 step %scan3A_103 iter_args(%scan3A_1236 = %scan3A_99) -> (i32)  : i32 {
      %mul3A_1237 = arith.constant 16 : i32
      %mul3A_1238 = arith.muli %scan3A_1235, %mul3A_1237 : i32
      %swap3A_1239 = arith.constant 1 : i32
      %swap3A_1240 = arith.index_cast %swap3A_1239 : i32 to index
      %swap3A_1241 = arith.index_cast %mul3A_1238 : i32 to index
      %swap3A_1242 = tpu.vector_load %arg12[%swap3A_1240, %swap3A_1241] {strides = array<i32>} : memref<16x1024xf32, #tpu.memory_space<vmem>>, vector<16xf32>,
      tpu.vector_store %arg12[%swap3A_1240, %swap3A_1241], %broadcast_in_dim3A_92 {strides = array<i32>} : memref<16x1024xf32, #tpu.memory_space<vmem>>, vector<16xf32>,
      %scan3A_1243 = arith.constant 0 : i32
      scf.yield %scan3A_1243 : i32
    }
    %scan3A_105 = arith.constant 64 : i32
    %scan3A_106 = arith.constant 0 : i32
    %scan3A_107 = arith.constant 0 : i32
    %scan3A_108 = arith.constant 64 : i32
    %scan3A_109 = arith.addi %scan3A_107, %scan3A_108 : i32
    %scan3A_110 = arith.constant 1 : i32
    %scan3A_111 = scf.for %scan3A_1235 = %scan3A_107 to %scan3A_109 step %scan3A_110 iter_args(%scan3A_1236 = %scan3A_106) -> (i32)  : i32 {
      %mul3A_1237 = arith.constant 16 : i32
      %mul3A_1238 = arith.muli %scan3A_1235, %mul3A_1237 : i32
      %swap3A_1239 = arith.constant 2 : i32
      %swap3A_1240 = arith.index_cast %swap3A_1239 : i32 to index
      %swap3A_1241 = arith.index_cast %mul3A_1238 : i32 to index
      %swap3A_1242 = tpu.vector_load %arg12[%swap3A_1240, %swap3A_1241] {strides = array<i32>} : memref<16x1024xf32, #tpu.memory_space<vmem>>, vector<16xf32>,
      tpu.vector_store %arg12[%swap3A_1240, %swap3A_1241], %broadcast_in_dim3A_92 {strides = array<i32>} : memref<16x1024xf32, #tpu.memory_space<vmem>>, vector<16xf32>,
      %scan3A_1243 = arith.constant 0 : i32
      scf.yield %scan3A_1243 : i32
    }
    %scan3A_112 = arith.constant 64 : i32
    %scan3A_113 = arith.constant 0 : i32
    %scan3A_114 = arith.constant 0 : i32
    %scan3A_115 = arith.constant 64 : i32
    %scan3A_116 = arith.addi %scan3A_114, %scan3A_115 : i32
    %scan3A_117 = arith.constant 1 : i32
    %scan3A_118 = scf.for %scan3A_1235 = %scan3A_114 to %scan3A_116 step %scan3A_117 iter_args(%scan3A_1236 = %scan3A_113) -> (i32)  : i32 {
      %mul3A_1237 = arith.constant 16 : i32
      %mul3A_1238 = arith.muli %scan3A_1235, %mul3A_1237 : i32
      %swap3A_1239 = arith.constant 3 : i32
      %swap3A_1240 = arith.index_cast %swap3A_1239 : i32 to index
      %swap3A_1241 = arith.index_cast %mul3A_1238 : i32 to index
      %swap3A_1242 = tpu.vector_load %arg12[%swap3A_1240, %swap3A_1241] {strides = array<i32>} : memref<16x1024xf32, #tpu.memory_space<vmem>>, vector<16xf32>,
      tpu.vector_store %arg12[%swap3A_1240, %swap3A_1241], %broadcast_in_dim3A_92 {strides = array<i32>} : memref<16x1024xf32, #tpu.memory_space<vmem>>, vector<16xf32>,
      %scan3A_1243 = arith.constant 0 : i32
      scf.yield %scan3A_1243 : i32
    }
    %scan3A_119 = arith.constant 64 : i32
    %scan3A_120 = arith.constant 0 : i32
    %scan3A_121 = arith.constant 0 : i32
    %scan3A_122 = arith.constant 64 : i32
    %scan3A_123 = arith.addi %scan3A_121, %scan3A_122 : i32
    %scan3A_124 = arith.constant 1 : i32
    %scan3A_125 = scf.for %scan3A_1235 = %scan3A_121 to %scan3A_123 step %scan3A_124 iter_args(%scan3A_1236 = %scan3A_120) -> (i32)  : i32 {
      %mul3A_1237 = arith.constant 16 : i32
      %mul3A_1238 = arith.muli %scan3A_1235, %mul3A_1237 : i32
      %swap3A_1239 = arith.constant 4 : i32
      %swap3A_1240 = arith.index_cast %swap3A_1239 : i32 to index
      %swap3A_1241 = arith.index_cast %mul3A_1238 : i32 to index
      %swap3A_1242 = tpu.vector_load %arg12[%swap3A_1240, %swap3A_1241] {strides = array<i32>} : memref<16x1024xf32, #tpu.memory_space<vmem>>, vector<16xf32>,
      tpu.vector_store %arg12[%swap3A_1240, %swap3A_1241], %broadcast_in_dim3A_92 {strides = array<i32>} : memref<16x1024xf32, #tpu.memory_space<vmem>>, vector<16xf32>,
      %scan3A_1243 = arith.constant 0 : i32
      scf.yield %scan3A_1243 : i32
    }
    %scan3A_126 = arith.constant 64 : i32
    %scan3A_127 = arith.constant 0 : i32
    %scan3A_128 = arith.constant 0 : i32
    %scan3A_129 = arith.constant 64 : i32
    %scan3A_130 = arith.addi %scan3A_128, %scan3A_129 : i32
    %scan3A_131 = arith.constant 1 : i32
    %scan3A_132 = scf.for %scan3A_1235 = %scan3A_128 to %scan3A_130 step %scan3A_131 iter_args(%scan3A_1236 = %scan3A_127) -> (i32)  : i32 {
      %mul3A_1237 = arith.constant 16 : i32
      %mul3A_1238 = arith.muli %scan3A_1235, %mul3A_1237 : i32
      %swap3A_1239 = arith.constant 5 : i32
      %swap3A_1240 = arith.index_cast %swap3A_1239 : i32 to index
      %swap3A_1241 = arith.index_cast %mul3A_1238 : i32 to index
      %swap3A_1242 = tpu.vector_load %arg12[%swap3A_1240, %swap3A_1241] {strides = array<i32>} : memref<16x1024xf32, #tpu.memory_space<vmem>>, vector<16xf32>,
      tpu.vector_store %arg12[%swap3A_1240, %swap3A_1241], %broadcast_in_dim3A_92 {strides = array<i32>} : memref<16x1024xf32, #tpu.memory_space<vmem>>, vector<16xf32>,
      %scan3A_1243 = arith.constant 0 : i32
      scf.yield %scan3A_1243 : i32
    }
    %scan3A_133 = arith.constant 64 : i32
    %scan3A_134 = arith.constant 0 : i32
    %scan3A_135 = arith.constant 0 : i32
    %scan3A_136 = arith.constant 64 : i32
    %scan3A_137 = arith.addi %scan3A_135, %scan3A_136 : i32
    %scan3A_138 = arith.constant 1 : i32
    %scan3A_139 = scf.for %scan3A_1235 = %scan3A_135 to %scan3A_137 step %scan3A_138 iter_args(%scan3A_1236 = %scan3A_134) -> (i32)  : i32 {
      %mul3A_1237 = arith.constant 16 : i32
      %mul3A_1238 = arith.muli %scan3A_1235, %mul3A_1237 : i32
      %swap3A_1239 = arith.constant 6 : i32
      %swap3A_1240 = arith.index_cast %swap3A_1239 : i32 to index
      %swap3A_1241 = arith.index_cast %mul3A_1238 : i32 to index
      %swap3A_1242 = tpu.vector_load %arg12[%swap3A_1240, %swap3A_1241] {strides = array<i32>} : memref<16x1024xf32, #tpu.memory_space<vmem>>, vector<16xf32>,
      tpu.vector_store %arg12[%swap3A_1240, %swap3A_1241], %broadcast_in_dim3A_92 {strides = array<i32>} : memref<16x1024xf32, #tpu.memory_space<vmem>>, vector<16xf32>,
      %scan3A_1243 = arith.constant 0 : i32
      scf.yield %scan3A_1243 : i32
    }
    %scan3A_140 = arith.constant 64 : i32
    %scan3A_141 = arith.constant 0 : i32
    %scan3A_142 = arith.constant 0 : i32
    %scan3A_143 = arith.constant 64 : i32
    %scan3A_144 = arith.addi %scan3A_142, %scan3A_143 : i32
    %scan3A_145 = arith.constant 1 : i32
    %scan3A_146 = scf.for %scan3A_1235 = %scan3A_142 to %scan3A_144 step %scan3A_145 iter_args(%scan3A_1236 = %scan3A_141) -> (i32)  : i32 {
      %mul3A_1237 = arith.constant 16 : i32
      %mul3A_1238 = arith.muli %scan3A_1235, %mul3A_1237 : i32
      %swap3A_1239 = arith.constant 7 : i32
      %swap3A_1240 = arith.index_cast %swap3A_1239 : i32 to index
      %swap3A_1241 = arith.index_cast %mul3A_1238 : i32 to index
      %swap3A_1242 = tpu.vector_load %arg12[%swap3A_1240, %swap3A_1241] {strides = array<i32>} : memref<16x1024xf32, #tpu.memory_space<vmem>>, vector<16xf32>,
      tpu.vector_store %arg12[%swap3A_1240, %swap3A_1241], %broadcast_in_dim3A_92 {strides = array<i32>} : memref<16x1024xf32, #tpu.memory_space<vmem>>, vector<16xf32>,
      %scan3A_1243 = arith.constant 0 : i32
      scf.yield %scan3A_1243 : i32
    }
    %scan3A_147 = arith.constant 64 : i32
    %scan3A_148 = arith.constant 0 : i32
    %scan3A_149 = arith.constant 0 : i32
    %scan3A_150 = arith.constant 64 : i32
    %scan3A_151 = arith.addi %scan3A_149, %scan3A_150 : i32
    %scan3A_152 = arith.constant 1 : i32
    %scan3A_153 = scf.for %scan3A_1235 = %scan3A_149 to %scan3A_151 step %scan3A_152 iter_args(%scan3A_1236 = %scan3A_148) -> (i32)  : i32 {
      %mul3A_1237 = arith.constant 16 : i32
      %mul3A_1238 = arith.muli %scan3A_1235, %mul3A_1237 : i32
      %swap3A_1239 = arith.constant 8 : i32
      %swap3A_1240 = arith.index_cast %swap3A_1239 : i32 to index
      %swap3A_1241 = arith.index_cast %mul3A_1238 : i32 to index
      %swap3A_1242 = tpu.vector_load %arg12[%swap3A_1240, %swap3A_1241] {strides = array<i32>} : memref<16x1024xf32, #tpu.memory_space<vmem>>, vector<16xf32>,
      tpu.vector_store %arg12[%swap3A_1240, %swap3A_1241], %broadcast_in_dim3A_92 {strides = array<i32>} : memref<16x1024xf32, #tpu.memory_space<vmem>>, vector<16xf32>,
      %scan3A_1243 = arith.constant 0 : i32
      scf.yield %scan3A_1243 : i32
    }
    %scan3A_154 = arith.constant 64 : i32
    %scan3A_155 = arith.constant 0 : i32
    %scan3A_156 = arith.constant 0 : i32
    %scan3A_157 = arith.constant 64 : i32
    %scan3A_158 = arith.addi %scan3A_156, %scan3A_157 : i32
    %scan3A_159 = arith.constant 1 : i32
    %scan3A_160 = scf.for %scan3A_1235 = %scan3A_156 to %scan3A_158 step %scan3A_159 iter_args(%scan3A_1236 = %scan3A_155) -> (i32)  : i32 {
      %mul3A_1237 = arith.constant 16 : i32
      %mul3A_1238 = arith.muli %scan3A_1235, %mul3A_1237 : i32
      %swap3A_1239 = arith.constant 9 : i32
      %swap3A_1240 = arith.index_cast %swap3A_1239 : i32 to index
      %swap3A_1241 = arith.index_cast %mul3A_1238 : i32 to index
      %swap3A_1242 = tpu.vector_load %arg12[%swap3A_1240, %swap3A_1241] {strides = array<i32>} : memref<16x1024xf32, #tpu.memory_space<vmem>>, vector<16xf32>,
      tpu.vector_store %arg12[%swap3A_1240, %swap3A_1241], %broadcast_in_dim3A_92 {strides = array<i32>} : memref<16x1024xf32, #tpu.memory_space<vmem>>, vector<16xf32>,
      %scan3A_1243 = arith.constant 0 : i32
      scf.yield %scan3A_1243 : i32
    }
    %scan3A_161 = arith.constant 64 : i32
    %scan3A_162 = arith.constant 0 : i32
    %scan3A_163 = arith.constant 0 : i32
    %scan3A_164 = arith.constant 64 : i32
    %scan3A_165 = arith.addi %scan3A_163, %scan3A_164 : i32
    %scan3A_166 = arith.constant 1 : i32
    %scan3A_167 = scf.for %scan3A_1235 = %scan3A_163 to %scan3A_165 step %scan3A_166 iter_args(%scan3A_1236 = %scan3A_162) -> (i32)  : i32 {
      %mul3A_1237 = arith.constant 16 : i32
      %mul3A_1238 = arith.muli %scan3A_1235, %mul3A_1237 : i32
      %swap3A_1239 = arith.constant 10 : i32
      %swap3A_1240 = arith.index_cast %swap3A_1239 : i32 to index
      %swap3A_1241 = arith.index_cast %mul3A_1238 : i32 to index
      %swap3A_1242 = tpu.vector_load %arg12[%swap3A_1240, %swap3A_1241] {strides = array<i32>} : memref<16x1024xf32, #tpu.memory_space<vmem>>, vector<16xf32>,
      tpu.vector_store %arg12[%swap3A_1240, %swap3A_1241], %broadcast_in_dim3A_92 {strides = array<i32>} : memref<16x1024xf32, #tpu.memory_space<vmem>>, vector<16xf32>,
      %scan3A_1243 = arith.constant 0 : i32
      scf.yield %scan3A_1243 : i32
    }
    %scan3A_168 = arith.constant 64 : i32
    %scan3A_169 = arith.constant 0 : i32
    %scan3A_170 = arith.constant 0 : i32
    %scan3A_171 = arith.constant 64 : i32
    %scan3A_172 = arith.addi %scan3A_170, %scan3A_171 : i32
    %scan3A_173 = arith.constant 1 : i32
    %scan3A_174 = scf.for %scan3A_1235 = %scan3A_170 to %scan3A_172 step %scan3A_173 iter_args(%scan3A_1236 = %scan3A_169) -> (i32)  : i32 {
      %mul3A_1237 = arith.constant 16 : i32
      %mul3A_1238 = arith.muli %scan3A_1235, %mul3A_1237 : i32
      %swap3A_1239 = arith.constant 11 : i32
      %swap3A_1240 = arith.index_cast %swap3A_1239 : i32 to index
      %swap3A_1241 = arith.index_cast %mul3A_1238 : i32 to index
      %swap3A_1242 = tpu.vector_load %arg12[%swap3A_1240, %swap3A_1241] {strides = array<i32>} : memref<16x1024xf32, #tpu.memory_space<vmem>>, vector<16xf32>,
      tpu.vector_store %arg12[%swap3A_1240, %swap3A_1241], %broadcast_in_dim3A_92 {strides = array<i32>} : memref<16x1024xf32, #tpu.memory_space<vmem>>, vector<16xf32>,
      %scan3A_1243 = arith.constant 0 : i32
      scf.yield %scan3A_1243 : i32
    }
    %scan3A_175 = arith.constant 64 : i32
    %scan3A_176 = arith.constant 0 : i32
    %scan3A_177 = arith.constant 0 : i32
    %scan3A_178 = arith.constant 64 : i32
    %scan3A_179 = arith.addi %scan3A_177, %scan3A_178 : i32
    %scan3A_180 = arith.constant 1 : i32
    %scan3A_181 = scf.for %scan3A_1235 = %scan3A_177 to %scan3A_179 step %scan3A_180 iter_args(%scan3A_1236 = %scan3A_176) -> (i32)  : i32 {
      %mul3A_1237 = arith.constant 16 : i32
      %mul3A_1238 = arith.muli %scan3A_1235, %mul3A_1237 : i32
      %swap3A_1239 = arith.constant 12 : i32
      %swap3A_1240 = arith.index_cast %swap3A_1239 : i32 to index
      %swap3A_1241 = arith.index_cast %mul3A_1238 : i32 to index
      %swap3A_1242 = tpu.vector_load %arg12[%swap3A_1240, %swap3A_1241] {strides = array<i32>} : memref<16x1024xf32, #tpu.memory_space<vmem>>, vector<16xf32>,
      tpu.vector_store %arg12[%swap3A_1240, %swap3A_1241], %broadcast_in_dim3A_92 {strides = array<i32>} : memref<16x1024xf32, #tpu.memory_space<vmem>>, vector<16xf32>,
      %scan3A_1243 = arith.constant 0 : i32
      scf.yield %scan3A_1243 : i32
    }
    %scan3A_182 = arith.constant 64 : i32
    %scan3A_183 = arith.constant 0 : i32
    %scan3A_184 = arith.constant 0 : i32
    %scan3A_185 = arith.constant 64 : i32
    %scan3A_186 = arith.addi %scan3A_184, %scan3A_185 : i32
    %scan3A_187 = arith.constant 1 : i32
    %scan3A_188 = scf.for %scan3A_1235 = %scan3A_184 to %scan3A_186 step %scan3A_187 iter_args(%scan3A_1236 = %scan3A_183) -> (i32)  : i32 {
      %mul3A_1237 = arith.constant 16 : i32
      %mul3A_1238 = arith.muli %scan3A_1235, %mul3A_1237 : i32
      %swap3A_1239 = arith.constant 13 : i32
      %swap3A_1240 = arith.index_cast %swap3A_1239 : i32 to index
      %swap3A_1241 = arith.index_cast %mul3A_1238 : i32 to index
      %swap3A_1242 = tpu.vector_load %arg12[%swap3A_1240, %swap3A_1241] {strides = array<i32>} : memref<16x1024xf32, #tpu.memory_space<vmem>>, vector<16xf32>,
      tpu.vector_store %arg12[%swap3A_1240, %swap3A_1241], %broadcast_in_dim3A_92 {strides = array<i32>} : memref<16x1024xf32, #tpu.memory_space<vmem>>, vector<16xf32>,
      %scan3A_1243 = arith.constant 0 : i32
      scf.yield %scan3A_1243 : i32
    }
    %scan3A_189 = arith.constant 64 : i32
    %scan3A_190 = arith.constant 0 : i32
    %scan3A_191 = arith.constant 0 : i32
    %scan3A_192 = arith.constant 64 : i32
    %scan3A_193 = arith.addi %scan3A_191, %scan3A_192 : i32
    %scan3A_194 = arith.constant 1 : i32
    %scan3A_195 = scf.for %scan3A_1235 = %scan3A_191 to %scan3A_193 step %scan3A_194 iter_args(%scan3A_1236 = %scan3A_190) -> (i32)  : i32 {
      %mul3A_1237 = arith.constant 16 : i32
      %mul3A_1238 = arith.muli %scan3A_1235, %mul3A_1237 : i32
      %swap3A_1239 = arith.constant 14 : i32
      %swap3A_1240 = arith.index_cast %swap3A_1239 : i32 to index
      %swap3A_1241 = arith.index_cast %mul3A_1238 : i32 to index
      %swap3A_1242 = tpu.vector_load %arg12[%swap3A_1240, %swap3A_1241] {strides = array<i32>} : memref<16x1024xf32, #tpu.memory_space<vmem>>, vector<16xf32>,
      tpu.vector_store %arg12[%swap3A_1240, %swap3A_1241], %broadcast_in_dim3A_92 {strides = array<i32>} : memref<16x1024xf32, #tpu.memory_space<vmem>>, vector<16xf32>,
      %scan3A_1243 = arith.constant 0 : i32
      scf.yield %scan3A_1243 : i32
    }
    %scan3A_196 = arith.constant 64 : i32
    %scan3A_197 = arith.constant 0 : i32
    %scan3A_198 = arith.constant 0 : i32
    %scan3A_199 = arith.constant 64 : i32
    %scan3A_200 = arith.addi %scan3A_198, %scan3A_199 : i32
    %scan3A_201 = arith.constant 1 : i32
    %scan3A_202 = scf.for %scan3A_1235 = %scan3A_198 to %scan3A_200 step %scan3A_201 iter_args(%scan3A_1236 = %scan3A_197) -> (i32)  : i32 {
      %mul3A_1237 = arith.constant 16 : i32
      %mul3A_1238 = arith.muli %scan3A_1235, %mul3A_1237 : i32
      %swap3A_1239 = arith.constant 15 : i32
      %swap3A_1240 = arith.index_cast %swap3A_1239 : i32 to index
      %swap3A_1241 = arith.index_cast %mul3A_1238 : i32 to index
      %swap3A_1242 = tpu.vector_load %arg12[%swap3A_1240, %swap3A_1241] {strides = array<i32>} : memref<16x1024xf32, #tpu.memory_space<vmem>>, vector<16xf32>,
      tpu.vector_store %arg12[%swap3A_1240, %swap3A_1241], %broadcast_in_dim3A_92 {strides = array<i32>} : memref<16x1024xf32, #tpu.memory_space<vmem>>, vector<16xf32>,
      %scan3A_1243 = arith.constant 0 : i32
      scf.yield %scan3A_1243 : i32
    }
    %scan3A_203 = arith.constant 64 : i32
    tpu.wait_dma2 semaphore(%arg26 : memref<!tpu.dma_semaphore, #tpu.memory_space<semaphore_mem>>) src(%arg3 : memref<4096xi32, #tpu.memory_space<hbm>>) dst(%arg7 : memref<4096xi32, #tpu.memory_space<vmem>>)
    %get3A = arith.constant 0 : index
    %get3A_204 = tpu.vector_load %arg8[%get3A] {strides = array<i32>} : memref<16xi32, #tpu.memory_space<vmem>>, vector<16xi32>,
    %get3A_205 = arith.constant 0 : index
    %get3A_206 = tpu.vector_load %arg9[%get3A_205] {strides = array<i32>} : memref<16xi32, #tpu.memory_space<vmem>>, vector<16xi32>,
    %broadcast_in_dim3A_207 = arith.constant 0 : i32
    %broadcast_in_dim3A_208 = vector.broadcast %broadcast_in_dim3A_207 : i32 to vector<16xi32>
    %while3A = arith.constant 0 : i32
    %while3A_209 = arith.subi %add3A, %while3A : i32
    %while3A_210 = arith.addi %while3A, %while3A_209 : i32
    %while3A_211 = arith.constant 1 : i32
    %while3A_212 = arith.divsi %while3A_209, %while3A_211 : i32
    %while3A_213 = arith.muli %while3A_212, %while3A_211 : i32
    %while3A_214 = arith.addi %while3A, %while3A_213 : i32
    %while3A_215 = arith.constant 1 : i32
    %while3A_216:2 = scf.for %while3A_1235 = %while3A to %while3A_214 step %while3A_215 iter_args(%while3A_1236 = %broadcast_in_dim3A_208, %while3A_1237 = %broadcast_in_dim3A_208) -> (vector<16xi32>, vector<16xi32>)  : i32 {
      %mul3A_1238 = arith.constant 8 : i32
      %mul3A_1239 = arith.muli %while3A_1235, %mul3A_1238 : i32
      %add3A_1240 = arith.constant 0 : i32
      %add3A_1241 = arith.addi %mul3A_1239, %add3A_1240 : i32
      %mul3A_1242 = arith.constant 16 : i32
      %mul3A_1243 = arith.muli %add3A_1241, %mul3A_1242 : i32
      %get3A_1244 = arith.index_cast %mul3A_1243 : i32 to index
      %get3A_1245 = tpu.vector_load %arg7[%get3A_1244] {strides = array<i32>} : memref<4096xi32, #tpu.memory_space<vmem>>, vector<16xi32>,
      %eq3A_1246 = arith.cmpi eq, %get3A_1245, %get3A_204 : vector<16xi32>
      %convert_element_type3A_1247 = arith.extui %eq3A_1246 : vector<16xi1> to vector<16xi32>
      %add3A_1248 = arith.addi %while3A_1236, %convert_element_type3A_1247 : vector<16xi32>
      %eq3A_1249 = arith.cmpi eq, %get3A_1245, %get3A_206 : vector<16xi32>
      %convert_element_type3A_1250 = arith.extui %eq3A_1249 : vector<16xi1> to vector<16xi32>
      %add3A_1251 = arith.addi %while3A_1237, %convert_element_type3A_1250 : vector<16xi32>
      %mul3A_1252 = arith.constant 8 : i32
      %mul3A_1253 = arith.muli %while3A_1235, %mul3A_1252 : i32
      %add3A_1254 = arith.constant 1 : i32
      %add3A_1255 = arith.addi %mul3A_1253, %add3A_1254 : i32
      %mul3A_1256 = arith.constant 16 : i32
      %mul3A_1257 = arith.muli %add3A_1255, %mul3A_1256 : i32
      %get3A_1258 = arith.index_cast %mul3A_1257 : i32 to index
      %get3A_1259 = tpu.vector_load %arg7[%get3A_1258] {strides = array<i32>} : memref<4096xi32, #tpu.memory_space<vmem>>, vector<16xi32>,
      %eq3A_1260 = arith.cmpi eq, %get3A_1259, %get3A_204 : vector<16xi32>
      %convert_element_type3A_1261 = arith.extui %eq3A_1260 : vector<16xi1> to vector<16xi32>
      %add3A_1262 = arith.addi %add3A_1248, %convert_element_type3A_1261 : vector<16xi32>
      %eq3A_1263 = arith.cmpi eq, %get3A_1259, %get3A_206 : vector<16xi32>
      %convert_element_type3A_1264 = arith.extui %eq3A_1263 : vector<16xi1> to vector<16xi32>
      %add3A_1265 = arith.addi %add3A_1251, %convert_element_type3A_1264 : vector<16xi32>
      %mul3A_1266 = arith.constant 8 : i32
      %mul3A_1267 = arith.muli %while3A_1235, %mul3A_1266 : i32
      %add3A_1268 = arith.constant 2 : i32
      %add3A_1269 = arith.addi %mul3A_1267, %add3A_1268 : i32
      %mul3A_1270 = arith.constant 16 : i32
      %mul3A_1271 = arith.muli %add3A_1269, %mul3A_1270 : i32
      %get3A_1272 = arith.index_cast %mul3A_1271 : i32 to index
      %get3A_1273 = tpu.vector_load %arg7[%get3A_1272] {strides = array<i32>} : memref<4096xi32, #tpu.memory_space<vmem>>, vector<16xi32>,
      %eq3A_1274 = arith.cmpi eq, %get3A_1273, %get3A_204 : vector<16xi32>
      %convert_element_type3A_1275 = arith.extui %eq3A_1274 : vector<16xi1> to vector<16xi32>
      %add3A_1276 = arith.addi %add3A_1262, %convert_element_type3A_1275 : vector<16xi32>
      %eq3A_1277 = arith.cmpi eq, %get3A_1273, %get3A_206 : vector<16xi32>
      %convert_element_type3A_1278 = arith.extui %eq3A_1277 : vector<16xi1> to vector<16xi32>
      %add3A_1279 = arith.addi %add3A_1265, %convert_element_type3A_1278 : vector<16xi32>
      %mul3A_1280 = arith.constant 8 : i32
      %mul3A_1281 = arith.muli %while3A_1235, %mul3A_1280 : i32
      %add3A_1282 = arith.constant 3 : i32
      %add3A_1283 = arith.addi %mul3A_1281, %add3A_1282 : i32
      %mul3A_1284 = arith.constant 16 : i32
      %mul3A_1285 = arith.muli %add3A_1283, %mul3A_1284 : i32
      %get3A_1286 = arith.index_cast %mul3A_1285 : i32 to index
      %get3A_1287 = tpu.vector_load %arg7[%get3A_1286] {strides = array<i32>} : memref<4096xi32, #tpu.memory_space<vmem>>, vector<16xi32>,
      %eq3A_1288 = arith.cmpi eq, %get3A_1287, %get3A_204 : vector<16xi32>
      %convert_element_type3A_1289 = arith.extui %eq3A_1288 : vector<16xi1> to vector<16xi32>
      %add3A_1290 = arith.addi %add3A_1276, %convert_element_type3A_1289 : vector<16xi32>
      %eq3A_1291 = arith.cmpi eq, %get3A_1287, %get3A_206 : vector<16xi32>
      %convert_element_type3A_1292 = arith.extui %eq3A_1291 : vector<16xi1> to vector<16xi32>
      %add3A_1293 = arith.addi %add3A_1279, %convert_element_type3A_1292 : vector<16xi32>
      %mul3A_1294 = arith.constant 8 : i32
      %mul3A_1295 = arith.muli %while3A_1235, %mul3A_1294 : i32
      %add3A_1296 = arith.constant 4 : i32
      %add3A_1297 = arith.addi %mul3A_1295, %add3A_1296 : i32
      %mul3A_1298 = arith.constant 16 : i32
      %mul3A_1299 = arith.muli %add3A_1297, %mul3A_1298 : i32
      %get3A_1300 = arith.index_cast %mul3A_1299 : i32 to index
      %get3A_1301 = tpu.vector_load %arg7[%get3A_1300] {strides = array<i32>} : memref<4096xi32, #tpu.memory_space<vmem>>, vector<16xi32>,
      %eq3A_1302 = arith.cmpi eq, %get3A_1301, %get3A_204 : vector<16xi32>
      %convert_element_type3A_1303 = arith.extui %eq3A_1302 : vector<16xi1> to vector<16xi32>
      %add3A_1304 = arith.addi %add3A_1290, %convert_element_type3A_1303 : vector<16xi32>
      %eq3A_1305 = arith.cmpi eq, %get3A_1301, %get3A_206 : vector<16xi32>
      %convert_element_type3A_1306 = arith.extui %eq3A_1305 : vector<16xi1> to vector<16xi32>
      %add3A_1307 = arith.addi %add3A_1293, %convert_element_type3A_1306 : vector<16xi32>
      %mul3A_1308 = arith.constant 8 : i32
      %mul3A_1309 = arith.muli %while3A_1235, %mul3A_1308 : i32
      %add3A_1310 = arith.constant 5 : i32
      %add3A_1311 = arith.addi %mul3A_1309, %add3A_1310 : i32
      %mul3A_1312 = arith.constant 16 : i32
      %mul3A_1313 = arith.muli %add3A_1311, %mul3A_1312 : i32
      %get3A_1314 = arith.index_cast %mul3A_1313 : i32 to index
      %get3A_1315 = tpu.vector_load %arg7[%get3A_1314] {strides = array<i32>} : memref<4096xi32, #tpu.memory_space<vmem>>, vector<16xi32>,
      %eq3A_1316 = arith.cmpi eq, %get3A_1315, %get3A_204 : vector<16xi32>
      %convert_element_type3A_1317 = arith.extui %eq3A_1316 : vector<16xi1> to vector<16xi32>
      %add3A_1318 = arith.addi %add3A_1304, %convert_element_type3A_1317 : vector<16xi32>
      %eq3A_1319 = arith.cmpi eq, %get3A_1315, %get3A_206 : vector<16xi32>
      %convert_element_type3A_1320 = arith.extui %eq3A_1319 : vector<16xi1> to vector<16xi32>
      %add3A_1321 = arith.addi %add3A_1307, %convert_element_type3A_1320 : vector<16xi32>
      %mul3A_1322 = arith.constant 8 : i32
      %mul3A_1323 = arith.muli %while3A_1235, %mul3A_1322 : i32
      %add3A_1324 = arith.constant 6 : i32
      %add3A_1325 = arith.addi %mul3A_1323, %add3A_1324 : i32
      %mul3A_1326 = arith.constant 16 : i32
      %mul3A_1327 = arith.muli %add3A_1325, %mul3A_1326 : i32
      %get3A_1328 = arith.index_cast %mul3A_1327 : i32 to index
      %get3A_1329 = tpu.vector_load %arg7[%get3A_1328] {strides = array<i32>} : memref<4096xi32, #tpu.memory_space<vmem>>, vector<16xi32>,
      %eq3A_1330 = arith.cmpi eq, %get3A_1329, %get3A_204 : vector<16xi32>
      %convert_element_type3A_1331 = arith.extui %eq3A_1330 : vector<16xi1> to vector<16xi32>
      %add3A_1332 = arith.addi %add3A_1318, %convert_element_type3A_1331 : vector<16xi32>
      %eq3A_1333 = arith.cmpi eq, %get3A_1329, %get3A_206 : vector<16xi32>
      %convert_element_type3A_1334 = arith.extui %eq3A_1333 : vector<16xi1> to vector<16xi32>
      %add3A_1335 = arith.addi %add3A_1321, %convert_element_type3A_1334 : vector<16xi32>
      %mul3A_1336 = arith.constant 8 : i32
      %mul3A_1337 = arith.muli %while3A_1235, %mul3A_1336 : i32
      %add3A_1338 = arith.constant 7 : i32
      %add3A_1339 = arith.addi %mul3A_1337, %add3A_1338 : i32
      %mul3A_1340 = arith.constant 16 : i32
      %mul3A_1341 = arith.muli %add3A_1339, %mul3A_1340 : i32
      %get3A_1342 = arith.index_cast %mul3A_1341 : i32 to index
      %get3A_1343 = tpu.vector_load %arg7[%get3A_1342] {strides = array<i32>} : memref<4096xi32, #tpu.memory_space<vmem>>, vector<16xi32>,
      %eq3A_1344 = arith.cmpi eq, %get3A_1343, %get3A_204 : vector<16xi32>
      %convert_element_type3A_1345 = arith.extui %eq3A_1344 : vector<16xi1> to vector<16xi32>
      %add3A_1346 = arith.addi %add3A_1332, %convert_element_type3A_1345 : vector<16xi32>
      %eq3A_1347 = arith.cmpi eq, %get3A_1343, %get3A_206 : vector<16xi32>
      %convert_element_type3A_1348 = arith.extui %eq3A_1347 : vector<16xi1> to vector<16xi32>
      %add3A_1349 = arith.addi %add3A_1335, %convert_element_type3A_1348 : vector<16xi32>
      scf.yield %add3A_1346, %add3A_1349 : vector<16xi32>, vector<16xi32>
    }
    %while3A_217 = arith.constant 1 : i32
    %while3A_218:2 = scf.for %while3A_1235 = %while3A_214 to %while3A_210 step %while3A_217 iter_args(%while3A_1236 = %while3A_216#0, %while3A_1237 = %while3A_216#1) -> (vector<16xi32>, vector<16xi32>)  : i32 {
      %mul3A_1238 = arith.constant 8 : i32
      %mul3A_1239 = arith.muli %while3A_1235, %mul3A_1238 : i32
      %add3A_1240 = arith.constant 0 : i32
      %add3A_1241 = arith.addi %mul3A_1239, %add3A_1240 : i32
      %mul3A_1242 = arith.constant 16 : i32
      %mul3A_1243 = arith.muli %add3A_1241, %mul3A_1242 : i32
      %get3A_1244 = arith.index_cast %mul3A_1243 : i32 to index
      %get3A_1245 = tpu.vector_load %arg7[%get3A_1244] {strides = array<i32>} : memref<4096xi32, #tpu.memory_space<vmem>>, vector<16xi32>,
      %eq3A_1246 = arith.cmpi eq, %get3A_1245, %get3A_204 : vector<16xi32>
      %convert_element_type3A_1247 = arith.extui %eq3A_1246 : vector<16xi1> to vector<16xi32>
      %add3A_1248 = arith.addi %while3A_1236, %convert_element_type3A_1247 : vector<16xi32>
      %eq3A_1249 = arith.cmpi eq, %get3A_1245, %get3A_206 : vector<16xi32>
      %convert_element_type3A_1250 = arith.extui %eq3A_1249 : vector<16xi1> to vector<16xi32>
      %add3A_1251 = arith.addi %while3A_1237, %convert_element_type3A_1250 : vector<16xi32>
      %mul3A_1252 = arith.constant 8 : i32
      %mul3A_1253 = arith.muli %while3A_1235, %mul3A_1252 : i32
      %add3A_1254 = arith.constant 1 : i32
      %add3A_1255 = arith.addi %mul3A_1253, %add3A_1254 : i32
      %mul3A_1256 = arith.constant 16 : i32
      %mul3A_1257 = arith.muli %add3A_1255, %mul3A_1256 : i32
      %get3A_1258 = arith.index_cast %mul3A_1257 : i32 to index
      %get3A_1259 = tpu.vector_load %arg7[%get3A_1258] {strides = array<i32>} : memref<4096xi32, #tpu.memory_space<vmem>>, vector<16xi32>,
      %eq3A_1260 = arith.cmpi eq, %get3A_1259, %get3A_204 : vector<16xi32>
      %convert_element_type3A_1261 = arith.extui %eq3A_1260 : vector<16xi1> to vector<16xi32>
      %add3A_1262 = arith.addi %add3A_1248, %convert_element_type3A_1261 : vector<16xi32>
      %eq3A_1263 = arith.cmpi eq, %get3A_1259, %get3A_206 : vector<16xi32>
      %convert_element_type3A_1264 = arith.extui %eq3A_1263 : vector<16xi1> to vector<16xi32>
      %add3A_1265 = arith.addi %add3A_1251, %convert_element_type3A_1264 : vector<16xi32>
      %mul3A_1266 = arith.constant 8 : i32
      %mul3A_1267 = arith.muli %while3A_1235, %mul3A_1266 : i32
      %add3A_1268 = arith.constant 2 : i32
      %add3A_1269 = arith.addi %mul3A_1267, %add3A_1268 : i32
      %mul3A_1270 = arith.constant 16 : i32
      %mul3A_1271 = arith.muli %add3A_1269, %mul3A_1270 : i32
      %get3A_1272 = arith.index_cast %mul3A_1271 : i32 to index
      %get3A_1273 = tpu.vector_load %arg7[%get3A_1272] {strides = array<i32>} : memref<4096xi32, #tpu.memory_space<vmem>>, vector<16xi32>,
      %eq3A_1274 = arith.cmpi eq, %get3A_1273, %get3A_204 : vector<16xi32>
      %convert_element_type3A_1275 = arith.extui %eq3A_1274 : vector<16xi1> to vector<16xi32>
      %add3A_1276 = arith.addi %add3A_1262, %convert_element_type3A_1275 : vector<16xi32>
      %eq3A_1277 = arith.cmpi eq, %get3A_1273, %get3A_206 : vector<16xi32>
      %convert_element_type3A_1278 = arith.extui %eq3A_1277 : vector<16xi1> to vector<16xi32>
      %add3A_1279 = arith.addi %add3A_1265, %convert_element_type3A_1278 : vector<16xi32>
      %mul3A_1280 = arith.constant 8 : i32
      %mul3A_1281 = arith.muli %while3A_1235, %mul3A_1280 : i32
      %add3A_1282 = arith.constant 3 : i32
      %add3A_1283 = arith.addi %mul3A_1281, %add3A_1282 : i32
      %mul3A_1284 = arith.constant 16 : i32
      %mul3A_1285 = arith.muli %add3A_1283, %mul3A_1284 : i32
      %get3A_1286 = arith.index_cast %mul3A_1285 : i32 to index
      %get3A_1287 = tpu.vector_load %arg7[%get3A_1286] {strides = array<i32>} : memref<4096xi32, #tpu.memory_space<vmem>>, vector<16xi32>,
      %eq3A_1288 = arith.cmpi eq, %get3A_1287, %get3A_204 : vector<16xi32>
      %convert_element_type3A_1289 = arith.extui %eq3A_1288 : vector<16xi1> to vector<16xi32>
      %add3A_1290 = arith.addi %add3A_1276, %convert_element_type3A_1289 : vector<16xi32>
      %eq3A_1291 = arith.cmpi eq, %get3A_1287, %get3A_206 : vector<16xi32>
      %convert_element_type3A_1292 = arith.extui %eq3A_1291 : vector<16xi1> to vector<16xi32>
      %add3A_1293 = arith.addi %add3A_1279, %convert_element_type3A_1292 : vector<16xi32>
      %mul3A_1294 = arith.constant 8 : i32
      %mul3A_1295 = arith.muli %while3A_1235, %mul3A_1294 : i32
      %add3A_1296 = arith.constant 4 : i32
      %add3A_1297 = arith.addi %mul3A_1295, %add3A_1296 : i32
      %mul3A_1298 = arith.constant 16 : i32
      %mul3A_1299 = arith.muli %add3A_1297, %mul3A_1298 : i32
      %get3A_1300 = arith.index_cast %mul3A_1299 : i32 to index
      %get3A_1301 = tpu.vector_load %arg7[%get3A_1300] {strides = array<i32>} : memref<4096xi32, #tpu.memory_space<vmem>>, vector<16xi32>,
      %eq3A_1302 = arith.cmpi eq, %get3A_1301, %get3A_204 : vector<16xi32>
      %convert_element_type3A_1303 = arith.extui %eq3A_1302 : vector<16xi1> to vector<16xi32>
      %add3A_1304 = arith.addi %add3A_1290, %convert_element_type3A_1303 : vector<16xi32>
      %eq3A_1305 = arith.cmpi eq, %get3A_1301, %get3A_206 : vector<16xi32>
      %convert_element_type3A_1306 = arith.extui %eq3A_1305 : vector<16xi1> to vector<16xi32>
      %add3A_1307 = arith.addi %add3A_1293, %convert_element_type3A_1306 : vector<16xi32>
      %mul3A_1308 = arith.constant 8 : i32
      %mul3A_1309 = arith.muli %while3A_1235, %mul3A_1308 : i32
      %add3A_1310 = arith.constant 5 : i32
      %add3A_1311 = arith.addi %mul3A_1309, %add3A_1310 : i32
      %mul3A_1312 = arith.constant 16 : i32
      %mul3A_1313 = arith.muli %add3A_1311, %mul3A_1312 : i32
      %get3A_1314 = arith.index_cast %mul3A_1313 : i32 to index
      %get3A_1315 = tpu.vector_load %arg7[%get3A_1314] {strides = array<i32>} : memref<4096xi32, #tpu.memory_space<vmem>>, vector<16xi32>,
      %eq3A_1316 = arith.cmpi eq, %get3A_1315, %get3A_204 : vector<16xi32>
      %convert_element_type3A_1317 = arith.extui %eq3A_1316 : vector<16xi1> to vector<16xi32>
      %add3A_1318 = arith.addi %add3A_1304, %convert_element_type3A_1317 : vector<16xi32>
      %eq3A_1319 = arith.cmpi eq, %get3A_1315, %get3A_206 : vector<16xi32>
      %convert_element_type3A_1320 = arith.extui %eq3A_1319 : vector<16xi1> to vector<16xi32>
      %add3A_1321 = arith.addi %add3A_1307, %convert_element_type3A_1320 : vector<16xi32>
      %mul3A_1322 = arith.constant 8 : i32
      %mul3A_1323 = arith.muli %while3A_1235, %mul3A_1322 : i32
      %add3A_1324 = arith.constant 6 : i32
      %add3A_1325 = arith.addi %mul3A_1323, %add3A_1324 : i32
      %mul3A_1326 = arith.constant 16 : i32
      %mul3A_1327 = arith.muli %add3A_1325, %mul3A_1326 : i32
      %get3A_1328 = arith.index_cast %mul3A_1327 : i32 to index
      %get3A_1329 = tpu.vector_load %arg7[%get3A_1328] {strides = array<i32>} : memref<4096xi32, #tpu.memory_space<vmem>>, vector<16xi32>,
      %eq3A_1330 = arith.cmpi eq, %get3A_1329, %get3A_204 : vector<16xi32>
      %convert_element_type3A_1331 = arith.extui %eq3A_1330 : vector<16xi1> to vector<16xi32>
      %add3A_1332 = arith.addi %add3A_1318, %convert_element_type3A_1331 : vector<16xi32>
      %eq3A_1333 = arith.cmpi eq, %get3A_1329, %get3A_206 : vector<16xi32>
      %convert_element_type3A_1334 = arith.extui %eq3A_1333 : vector<16xi1> to vector<16xi32>
      %add3A_1335 = arith.addi %add3A_1321, %convert_element_type3A_1334 : vector<16xi32>
      %mul3A_1336 = arith.constant 8 : i32
      %mul3A_1337 = arith.muli %while3A_1235, %mul3A_1336 : i32
      %add3A_1338 = arith.constant 7 : i32
      %add3A_1339 = arith.addi %mul3A_1337, %add3A_1338 : i32
      %mul3A_1340 = arith.constant 16 : i32
      %mul3A_1341 = arith.muli %add3A_1339, %mul3A_1340 : i32
      %get3A_1342 = arith.index_cast %mul3A_1341 : i32 to index
      %get3A_1343 = tpu.vector_load %arg7[%get3A_1342] {strides = array<i32>} : memref<4096xi32, #tpu.memory_space<vmem>>, vector<16xi32>,
      %eq3A_1344 = arith.cmpi eq, %get3A_1343, %get3A_204 : vector<16xi32>
      %convert_element_type3A_1345 = arith.extui %eq3A_1344 : vector<16xi1> to vector<16xi32>
      %add3A_1346 = arith.addi %add3A_1332, %convert_element_type3A_1345 : vector<16xi32>
      %eq3A_1347 = arith.cmpi eq, %get3A_1343, %get3A_206 : vector<16xi32>
      %convert_element_type3A_1348 = arith.extui %eq3A_1347 : vector<16xi1> to vector<16xi32>
      %add3A_1349 = arith.addi %add3A_1335, %convert_element_type3A_1348 : vector<16xi32>
      scf.yield %add3A_1346, %add3A_1349 : vector<16xi32>, vector<16xi32>
    }
    %mul3A_219 = arith.constant 8 : i32
    %mul3A_220 = arith.muli %add3A, %mul3A_219 : i32
    %add3A_221 = arith.constant 0 : i32
    %add3A_222 = arith.addi %mul3A_220, %add3A_221 : i32
    %mul3A_223 = arith.constant 16 : i32
    %mul3A_224 = arith.muli %add3A_222, %mul3A_223 : i32
    %get3A_225 = arith.index_cast %mul3A_224 : i32 to index
    %get3A_226 = tpu.vector_load %arg7[%get3A_225] {strides = array<i32>} : memref<4096xi32, #tpu.memory_space<vmem>>, vector<16xi32>,
    %eq3A = arith.cmpi eq, %get3A_226, %get3A_204 : vector<16xi32>
    %convert_element_type3A = arith.extui %eq3A : vector<16xi1> to vector<16xi32>
    %add3A_227 = arith.addi %broadcast_in_dim3A_208, %convert_element_type3A : vector<16xi32>
    %eq3A_228 = arith.cmpi eq, %get3A_226, %get3A_206 : vector<16xi32>
    %convert_element_type3A_229 = arith.extui %eq3A_228 : vector<16xi1> to vector<16xi32>
    %add3A_230 = arith.addi %broadcast_in_dim3A_208, %convert_element_type3A_229 : vector<16xi32>
    %mul3A_231 = arith.constant 8 : i32
    %mul3A_232 = arith.muli %add3A, %mul3A_231 : i32
    %add3A_233 = arith.constant 1 : i32
    %add3A_234 = arith.addi %mul3A_232, %add3A_233 : i32
    %mul3A_235 = arith.constant 16 : i32
    %mul3A_236 = arith.muli %add3A_234, %mul3A_235 : i32
    %get3A_237 = arith.index_cast %mul3A_236 : i32 to index
    %get3A_238 = tpu.vector_load %arg7[%get3A_237] {strides = array<i32>} : memref<4096xi32, #tpu.memory_space<vmem>>, vector<16xi32>,
    %eq3A_239 = arith.cmpi eq, %get3A_238, %get3A_204 : vector<16xi32>
    %convert_element_type3A_240 = arith.extui %eq3A_239 : vector<16xi1> to vector<16xi32>
    %add3A_241 = arith.addi %add3A_227, %convert_element_type3A_240 : vector<16xi32>
    %eq3A_242 = arith.cmpi eq, %get3A_238, %get3A_206 : vector<16xi32>
    %convert_element_type3A_243 = arith.extui %eq3A_242 : vector<16xi1> to vector<16xi32>
    %add3A_244 = arith.addi %add3A_230, %convert_element_type3A_243 : vector<16xi32>
    %mul3A_245 = arith.constant 8 : i32
    %mul3A_246 = arith.muli %add3A, %mul3A_245 : i32
    %add3A_247 = arith.constant 2 : i32
    %add3A_248 = arith.addi %mul3A_246, %add3A_247 : i32
    %mul3A_249 = arith.constant 16 : i32
    %mul3A_250 = arith.muli %add3A_248, %mul3A_249 : i32
    %get3A_251 = arith.index_cast %mul3A_250 : i32 to index
    %get3A_252 = tpu.vector_load %arg7[%get3A_251] {strides = array<i32>} : memref<4096xi32, #tpu.memory_space<vmem>>, vector<16xi32>,
    %eq3A_253 = arith.cmpi eq, %get3A_252, %get3A_204 : vector<16xi32>
    %convert_element_type3A_254 = arith.extui %eq3A_253 : vector<16xi1> to vector<16xi32>
    %add3A_255 = arith.addi %add3A_241, %convert_element_type3A_254 : vector<16xi32>
    %eq3A_256 = arith.cmpi eq, %get3A_252, %get3A_206 : vector<16xi32>
    %convert_element_type3A_257 = arith.extui %eq3A_256 : vector<16xi1> to vector<16xi32>
    %add3A_258 = arith.addi %add3A_244, %convert_element_type3A_257 : vector<16xi32>
    %mul3A_259 = arith.constant 8 : i32
    %mul3A_260 = arith.muli %add3A, %mul3A_259 : i32
    %add3A_261 = arith.constant 3 : i32
    %add3A_262 = arith.addi %mul3A_260, %add3A_261 : i32
    %mul3A_263 = arith.constant 16 : i32
    %mul3A_264 = arith.muli %add3A_262, %mul3A_263 : i32
    %get3A_265 = arith.index_cast %mul3A_264 : i32 to index
    %get3A_266 = tpu.vector_load %arg7[%get3A_265] {strides = array<i32>} : memref<4096xi32, #tpu.memory_space<vmem>>, vector<16xi32>,
    %eq3A_267 = arith.cmpi eq, %get3A_266, %get3A_204 : vector<16xi32>
    %convert_element_type3A_268 = arith.extui %eq3A_267 : vector<16xi1> to vector<16xi32>
    %add3A_269 = arith.addi %add3A_255, %convert_element_type3A_268 : vector<16xi32>
    %eq3A_270 = arith.cmpi eq, %get3A_266, %get3A_206 : vector<16xi32>
    %convert_element_type3A_271 = arith.extui %eq3A_270 : vector<16xi1> to vector<16xi32>
    %add3A_272 = arith.addi %add3A_258, %convert_element_type3A_271 : vector<16xi32>
    %mul3A_273 = arith.constant 8 : i32
    %mul3A_274 = arith.muli %add3A, %mul3A_273 : i32
    %add3A_275 = arith.constant 4 : i32
    %add3A_276 = arith.addi %mul3A_274, %add3A_275 : i32
    %mul3A_277 = arith.constant 16 : i32
    %mul3A_278 = arith.muli %add3A_276, %mul3A_277 : i32
    %get3A_279 = arith.index_cast %mul3A_278 : i32 to index
    %get3A_280 = tpu.vector_load %arg7[%get3A_279] {strides = array<i32>} : memref<4096xi32, #tpu.memory_space<vmem>>, vector<16xi32>,
    %eq3A_281 = arith.cmpi eq, %get3A_280, %get3A_204 : vector<16xi32>
    %convert_element_type3A_282 = arith.extui %eq3A_281 : vector<16xi1> to vector<16xi32>
    %add3A_283 = arith.addi %add3A_269, %convert_element_type3A_282 : vector<16xi32>
    %eq3A_284 = arith.cmpi eq, %get3A_280, %get3A_206 : vector<16xi32>
    %convert_element_type3A_285 = arith.extui %eq3A_284 : vector<16xi1> to vector<16xi32>
    %add3A_286 = arith.addi %add3A_272, %convert_element_type3A_285 : vector<16xi32>
    %mul3A_287 = arith.constant 8 : i32
    %mul3A_288 = arith.muli %add3A, %mul3A_287 : i32
    %add3A_289 = arith.constant 5 : i32
    %add3A_290 = arith.addi %mul3A_288, %add3A_289 : i32
    %mul3A_291 = arith.constant 16 : i32
    %mul3A_292 = arith.muli %add3A_290, %mul3A_291 : i32
    %get3A_293 = arith.index_cast %mul3A_292 : i32 to index
    %get3A_294 = tpu.vector_load %arg7[%get3A_293] {strides = array<i32>} : memref<4096xi32, #tpu.memory_space<vmem>>, vector<16xi32>,
    %eq3A_295 = arith.cmpi eq, %get3A_294, %get3A_204 : vector<16xi32>
    %convert_element_type3A_296 = arith.extui %eq3A_295 : vector<16xi1> to vector<16xi32>
    %add3A_297 = arith.addi %add3A_283, %convert_element_type3A_296 : vector<16xi32>
    %eq3A_298 = arith.cmpi eq, %get3A_294, %get3A_206 : vector<16xi32>
    %convert_element_type3A_299 = arith.extui %eq3A_298 : vector<16xi1> to vector<16xi32>
    %add3A_300 = arith.addi %add3A_286, %convert_element_type3A_299 : vector<16xi32>
    %mul3A_301 = arith.constant 8 : i32
    %mul3A_302 = arith.muli %add3A, %mul3A_301 : i32
    %add3A_303 = arith.constant 6 : i32
    %add3A_304 = arith.addi %mul3A_302, %add3A_303 : i32
    %mul3A_305 = arith.constant 16 : i32
    %mul3A_306 = arith.muli %add3A_304, %mul3A_305 : i32
    %get3A_307 = arith.index_cast %mul3A_306 : i32 to index
    %get3A_308 = tpu.vector_load %arg7[%get3A_307] {strides = array<i32>} : memref<4096xi32, #tpu.memory_space<vmem>>, vector<16xi32>,
    %eq3A_309 = arith.cmpi eq, %get3A_308, %get3A_204 : vector<16xi32>
    %convert_element_type3A_310 = arith.extui %eq3A_309 : vector<16xi1> to vector<16xi32>
    %add3A_311 = arith.addi %add3A_297, %convert_element_type3A_310 : vector<16xi32>
    %eq3A_312 = arith.cmpi eq, %get3A_308, %get3A_206 : vector<16xi32>
    %convert_element_type3A_313 = arith.extui %eq3A_312 : vector<16xi1> to vector<16xi32>
    %add3A_314 = arith.addi %add3A_300, %convert_element_type3A_313 : vector<16xi32>
    %mul3A_315 = arith.constant 8 : i32
    %mul3A_316 = arith.muli %add3A, %mul3A_315 : i32
    %add3A_317 = arith.constant 7 : i32
    %add3A_318 = arith.addi %mul3A_316, %add3A_317 : i32
    %mul3A_319 = arith.constant 16 : i32
    %mul3A_320 = arith.muli %add3A_318, %mul3A_319 : i32
    %get3A_321 = arith.index_cast %mul3A_320 : i32 to index
    %get3A_322 = tpu.vector_load %arg7[%get3A_321] {strides = array<i32>} : memref<4096xi32, #tpu.memory_space<vmem>>, vector<16xi32>,
    %eq3A_323 = arith.cmpi eq, %get3A_322, %get3A_204 : vector<16xi32>
    %convert_element_type3A_324 = arith.extui %eq3A_323 : vector<16xi1> to vector<16xi32>
    %add3A_325 = arith.addi %add3A_311, %convert_element_type3A_324 : vector<16xi32>
    %eq3A_326 = arith.cmpi eq, %get3A_322, %get3A_206 : vector<16xi32>
    %convert_element_type3A_327 = arith.extui %eq3A_326 : vector<16xi1> to vector<16xi32>
    %add3A_328 = arith.addi %add3A_314, %convert_element_type3A_327 : vector<16xi32>
    %add3A_329 = arith.constant 1 : i32
    %add3A_330 = arith.addi %add3A, %add3A_329 : i32
    %while3A_331 = arith.constant 32 : i32
    %while3A_332 = arith.subi %while3A_331, %add3A_330 : i32
    %while3A_333 = arith.addi %add3A_330, %while3A_332 : i32
    %while3A_334 = arith.constant 1 : i32
    %while3A_335 = arith.divsi %while3A_332, %while3A_334 : i32
    %while3A_336 = arith.muli %while3A_335, %while3A_334 : i32
    %while3A_337 = arith.addi %add3A_330, %while3A_336 : i32
    %while3A_338 = arith.constant 1 : i32
    %while3A_339:2 = scf.for %while3A_1235 = %add3A_330 to %while3A_337 step %while3A_338 iter_args(%while3A_1236 = %broadcast_in_dim3A_208, %while3A_1237 = %broadcast_in_dim3A_208) -> (vector<16xi32>, vector<16xi32>)  : i32 {
      %mul3A_1238 = arith.constant 8 : i32
      %mul3A_1239 = arith.muli %while3A_1235, %mul3A_1238 : i32
      %add3A_1240 = arith.constant 0 : i32
      %add3A_1241 = arith.addi %mul3A_1239, %add3A_1240 : i32
      %mul3A_1242 = arith.constant 16 : i32
      %mul3A_1243 = arith.muli %add3A_1241, %mul3A_1242 : i32
      %get3A_1244 = arith.index_cast %mul3A_1243 : i32 to index
      %get3A_1245 = tpu.vector_load %arg7[%get3A_1244] {strides = array<i32>} : memref<4096xi32, #tpu.memory_space<vmem>>, vector<16xi32>,
      %eq3A_1246 = arith.cmpi eq, %get3A_1245, %get3A_204 : vector<16xi32>
      %convert_element_type3A_1247 = arith.extui %eq3A_1246 : vector<16xi1> to vector<16xi32>
      %add3A_1248 = arith.addi %while3A_1236, %convert_element_type3A_1247 : vector<16xi32>
      %eq3A_1249 = arith.cmpi eq, %get3A_1245, %get3A_206 : vector<16xi32>
      %convert_element_type3A_1250 = arith.extui %eq3A_1249 : vector<16xi1> to vector<16xi32>
      %add3A_1251 = arith.addi %while3A_1237, %convert_element_type3A_1250 : vector<16xi32>
      %mul3A_1252 = arith.constant 8 : i32
      %mul3A_1253 = arith.muli %while3A_1235, %mul3A_1252 : i32
      %add3A_1254 = arith.constant 1 : i32
      %add3A_1255 = arith.addi %mul3A_1253, %add3A_1254 : i32
      %mul3A_1256 = arith.constant 16 : i32
      %mul3A_1257 = arith.muli %add3A_1255, %mul3A_1256 : i32
      %get3A_1258 = arith.index_cast %mul3A_1257 : i32 to index
      %get3A_1259 = tpu.vector_load %arg7[%get3A_1258] {strides = array<i32>} : memref<4096xi32, #tpu.memory_space<vmem>>, vector<16xi32>,
      %eq3A_1260 = arith.cmpi eq, %get3A_1259, %get3A_204 : vector<16xi32>
      %convert_element_type3A_1261 = arith.extui %eq3A_1260 : vector<16xi1> to vector<16xi32>
      %add3A_1262 = arith.addi %add3A_1248, %convert_element_type3A_1261 : vector<16xi32>
      %eq3A_1263 = arith.cmpi eq, %get3A_1259, %get3A_206 : vector<16xi32>
      %convert_element_type3A_1264 = arith.extui %eq3A_1263 : vector<16xi1> to vector<16xi32>
      %add3A_1265 = arith.addi %add3A_1251, %convert_element_type3A_1264 : vector<16xi32>
      %mul3A_1266 = arith.constant 8 : i32
      %mul3A_1267 = arith.muli %while3A_1235, %mul3A_1266 : i32
      %add3A_1268 = arith.constant 2 : i32
      %add3A_1269 = arith.addi %mul3A_1267, %add3A_1268 : i32
      %mul3A_1270 = arith.constant 16 : i32
      %mul3A_1271 = arith.muli %add3A_1269, %mul3A_1270 : i32
      %get3A_1272 = arith.index_cast %mul3A_1271 : i32 to index
      %get3A_1273 = tpu.vector_load %arg7[%get3A_1272] {strides = array<i32>} : memref<4096xi32, #tpu.memory_space<vmem>>, vector<16xi32>,
      %eq3A_1274 = arith.cmpi eq, %get3A_1273, %get3A_204 : vector<16xi32>
      %convert_element_type3A_1275 = arith.extui %eq3A_1274 : vector<16xi1> to vector<16xi32>
      %add3A_1276 = arith.addi %add3A_1262, %convert_element_type3A_1275 : vector<16xi32>
      %eq3A_1277 = arith.cmpi eq, %get3A_1273, %get3A_206 : vector<16xi32>
      %convert_element_type3A_1278 = arith.extui %eq3A_1277 : vector<16xi1> to vector<16xi32>
      %add3A_1279 = arith.addi %add3A_1265, %convert_element_type3A_1278 : vector<16xi32>
      %mul3A_1280 = arith.constant 8 : i32
      %mul3A_1281 = arith.muli %while3A_1235, %mul3A_1280 : i32
      %add3A_1282 = arith.constant 3 : i32
      %add3A_1283 = arith.addi %mul3A_1281, %add3A_1282 : i32
      %mul3A_1284 = arith.constant 16 : i32
      %mul3A_1285 = arith.muli %add3A_1283, %mul3A_1284 : i32
      %get3A_1286 = arith.index_cast %mul3A_1285 : i32 to index
      %get3A_1287 = tpu.vector_load %arg7[%get3A_1286] {strides = array<i32>} : memref<4096xi32, #tpu.memory_space<vmem>>, vector<16xi32>,
      %eq3A_1288 = arith.cmpi eq, %get3A_1287, %get3A_204 : vector<16xi32>
      %convert_element_type3A_1289 = arith.extui %eq3A_1288 : vector<16xi1> to vector<16xi32>
      %add3A_1290 = arith.addi %add3A_1276, %convert_element_type3A_1289 : vector<16xi32>
      %eq3A_1291 = arith.cmpi eq, %get3A_1287, %get3A_206 : vector<16xi32>
      %convert_element_type3A_1292 = arith.extui %eq3A_1291 : vector<16xi1> to vector<16xi32>
      %add3A_1293 = arith.addi %add3A_1279, %convert_element_type3A_1292 : vector<16xi32>
      %mul3A_1294 = arith.constant 8 : i32
      %mul3A_1295 = arith.muli %while3A_1235, %mul3A_1294 : i32
      %add3A_1296 = arith.constant 4 : i32
      %add3A_1297 = arith.addi %mul3A_1295, %add3A_1296 : i32
      %mul3A_1298 = arith.constant 16 : i32
      %mul3A_1299 = arith.muli %add3A_1297, %mul3A_1298 : i32
      %get3A_1300 = arith.index_cast %mul3A_1299 : i32 to index
      %get3A_1301 = tpu.vector_load %arg7[%get3A_1300] {strides = array<i32>} : memref<4096xi32, #tpu.memory_space<vmem>>, vector<16xi32>,
      %eq3A_1302 = arith.cmpi eq, %get3A_1301, %get3A_204 : vector<16xi32>
      %convert_element_type3A_1303 = arith.extui %eq3A_1302 : vector<16xi1> to vector<16xi32>
      %add3A_1304 = arith.addi %add3A_1290, %convert_element_type3A_1303 : vector<16xi32>
      %eq3A_1305 = arith.cmpi eq, %get3A_1301, %get3A_206 : vector<16xi32>
      %convert_element_type3A_1306 = arith.extui %eq3A_1305 : vector<16xi1> to vector<16xi32>
      %add3A_1307 = arith.addi %add3A_1293, %convert_element_type3A_1306 : vector<16xi32>
      %mul3A_1308 = arith.constant 8 : i32
      %mul3A_1309 = arith.muli %while3A_1235, %mul3A_1308 : i32
      %add3A_1310 = arith.constant 5 : i32
      %add3A_1311 = arith.addi %mul3A_1309, %add3A_1310 : i32
      %mul3A_1312 = arith.constant 16 : i32
      %mul3A_1313 = arith.muli %add3A_1311, %mul3A_1312 : i32
      %get3A_1314 = arith.index_cast %mul3A_1313 : i32 to index
      %get3A_1315 = tpu.vector_load %arg7[%get3A_1314] {strides = array<i32>} : memref<4096xi32, #tpu.memory_space<vmem>>, vector<16xi32>,
      %eq3A_1316 = arith.cmpi eq, %get3A_1315, %get3A_204 : vector<16xi32>
      %convert_element_type3A_1317 = arith.extui %eq3A_1316 : vector<16xi1> to vector<16xi32>
      %add3A_1318 = arith.addi %add3A_1304, %convert_element_type3A_1317 : vector<16xi32>
      %eq3A_1319 = arith.cmpi eq, %get3A_1315, %get3A_206 : vector<16xi32>
      %convert_element_type3A_1320 = arith.extui %eq3A_1319 : vector<16xi1> to vector<16xi32>
      %add3A_1321 = arith.addi %add3A_1307, %convert_element_type3A_1320 : vector<16xi32>
      %mul3A_1322 = arith.constant 8 : i32
      %mul3A_1323 = arith.muli %while3A_1235, %mul3A_1322 : i32
      %add3A_1324 = arith.constant 6 : i32
      %add3A_1325 = arith.addi %mul3A_1323, %add3A_1324 : i32
      %mul3A_1326 = arith.constant 16 : i32
      %mul3A_1327 = arith.muli %add3A_1325, %mul3A_1326 : i32
      %get3A_1328 = arith.index_cast %mul3A_1327 : i32 to index
      %get3A_1329 = tpu.vector_load %arg7[%get3A_1328] {strides = array<i32>} : memref<4096xi32, #tpu.memory_space<vmem>>, vector<16xi32>,
      %eq3A_1330 = arith.cmpi eq, %get3A_1329, %get3A_204 : vector<16xi32>
      %convert_element_type3A_1331 = arith.extui %eq3A_1330 : vector<16xi1> to vector<16xi32>
      %add3A_1332 = arith.addi %add3A_1318, %convert_element_type3A_1331 : vector<16xi32>
      %eq3A_1333 = arith.cmpi eq, %get3A_1329, %get3A_206 : vector<16xi32>
      %convert_element_type3A_1334 = arith.extui %eq3A_1333 : vector<16xi1> to vector<16xi32>
      %add3A_1335 = arith.addi %add3A_1321, %convert_element_type3A_1334 : vector<16xi32>
      %mul3A_1336 = arith.constant 8 : i32
      %mul3A_1337 = arith.muli %while3A_1235, %mul3A_1336 : i32
      %add3A_1338 = arith.constant 7 : i32
      %add3A_1339 = arith.addi %mul3A_1337, %add3A_1338 : i32
      %mul3A_1340 = arith.constant 16 : i32
      %mul3A_1341 = arith.muli %add3A_1339, %mul3A_1340 : i32
      %get3A_1342 = arith.index_cast %mul3A_1341 : i32 to index
      %get3A_1343 = tpu.vector_load %arg7[%get3A_1342] {strides = array<i32>} : memref<4096xi32, #tpu.memory_space<vmem>>, vector<16xi32>,
      %eq3A_1344 = arith.cmpi eq, %get3A_1343, %get3A_204 : vector<16xi32>
      %convert_element_type3A_1345 = arith.extui %eq3A_1344 : vector<16xi1> to vector<16xi32>
      %add3A_1346 = arith.addi %add3A_1332, %convert_element_type3A_1345 : vector<16xi32>
      %eq3A_1347 = arith.cmpi eq, %get3A_1343, %get3A_206 : vector<16xi32>
      %convert_element_type3A_1348 = arith.extui %eq3A_1347 : vector<16xi1> to vector<16xi32>
      %add3A_1349 = arith.addi %add3A_1335, %convert_element_type3A_1348 : vector<16xi32>
      scf.yield %add3A_1346, %add3A_1349 : vector<16xi32>, vector<16xi32>
    }
    %while3A_340 = arith.constant 1 : i32
    %while3A_341:2 = scf.for %while3A_1235 = %while3A_337 to %while3A_333 step %while3A_340 iter_args(%while3A_1236 = %while3A_339#0, %while3A_1237 = %while3A_339#1) -> (vector<16xi32>, vector<16xi32>)  : i32 {
      %mul3A_1238 = arith.constant 8 : i32
      %mul3A_1239 = arith.muli %while3A_1235, %mul3A_1238 : i32
      %add3A_1240 = arith.constant 0 : i32
      %add3A_1241 = arith.addi %mul3A_1239, %add3A_1240 : i32
      %mul3A_1242 = arith.constant 16 : i32
      %mul3A_1243 = arith.muli %add3A_1241, %mul3A_1242 : i32
      %get3A_1244 = arith.index_cast %mul3A_1243 : i32 to index
      %get3A_1245 = tpu.vector_load %arg7[%get3A_1244] {strides = array<i32>} : memref<4096xi32, #tpu.memory_space<vmem>>, vector<16xi32>,
      %eq3A_1246 = arith.cmpi eq, %get3A_1245, %get3A_204 : vector<16xi32>
      %convert_element_type3A_1247 = arith.extui %eq3A_1246 : vector<16xi1> to vector<16xi32>
      %add3A_1248 = arith.addi %while3A_1236, %convert_element_type3A_1247 : vector<16xi32>
      %eq3A_1249 = arith.cmpi eq, %get3A_1245, %get3A_206 : vector<16xi32>
      %convert_element_type3A_1250 = arith.extui %eq3A_1249 : vector<16xi1> to vector<16xi32>
      %add3A_1251 = arith.addi %while3A_1237, %convert_element_type3A_1250 : vector<16xi32>
      %mul3A_1252 = arith.constant 8 : i32
      %mul3A_1253 = arith.muli %while3A_1235, %mul3A_1252 : i32
      %add3A_1254 = arith.constant 1 : i32
      %add3A_1255 = arith.addi %mul3A_1253, %add3A_1254 : i32
      %mul3A_1256 = arith.constant 16 : i32
      %mul3A_1257 = arith.muli %add3A_1255, %mul3A_1256 : i32
      %get3A_1258 = arith.index_cast %mul3A_1257 : i32 to index
      %get3A_1259 = tpu.vector_load %arg7[%get3A_1258] {strides = array<i32>} : memref<4096xi32, #tpu.memory_space<vmem>>, vector<16xi32>,
      %eq3A_1260 = arith.cmpi eq, %get3A_1259, %get3A_204 : vector<16xi32>
      %convert_element_type3A_1261 = arith.extui %eq3A_1260 : vector<16xi1> to vector<16xi32>
      %add3A_1262 = arith.addi %add3A_1248, %convert_element_type3A_1261 : vector<16xi32>
      %eq3A_1263 = arith.cmpi eq, %get3A_1259, %get3A_206 : vector<16xi32>
      %convert_element_type3A_1264 = arith.extui %eq3A_1263 : vector<16xi1> to vector<16xi32>
      %add3A_1265 = arith.addi %add3A_1251, %convert_element_type3A_1264 : vector<16xi32>
      %mul3A_1266 = arith.constant 8 : i32
      %mul3A_1267 = arith.muli %while3A_1235, %mul3A_1266 : i32
      %add3A_1268 = arith.constant 2 : i32
      %add3A_1269 = arith.addi %mul3A_1267, %add3A_1268 : i32
      %mul3A_1270 = arith.constant 16 : i32
      %mul3A_1271 = arith.muli %add3A_1269, %mul3A_1270 : i32
      %get3A_1272 = arith.index_cast %mul3A_1271 : i32 to index
      %get3A_1273 = tpu.vector_load %arg7[%get3A_1272] {strides = array<i32>} : memref<4096xi32, #tpu.memory_space<vmem>>, vector<16xi32>,
      %eq3A_1274 = arith.cmpi eq, %get3A_1273, %get3A_204 : vector<16xi32>
      %convert_element_type3A_1275 = arith.extui %eq3A_1274 : vector<16xi1> to vector<16xi32>
      %add3A_1276 = arith.addi %add3A_1262, %convert_element_type3A_1275 : vector<16xi32>
      %eq3A_1277 = arith.cmpi eq, %get3A_1273, %get3A_206 : vector<16xi32>
      %convert_element_type3A_1278 = arith.extui %eq3A_1277 : vector<16xi1> to vector<16xi32>
      %add3A_1279 = arith.addi %add3A_1265, %convert_element_type3A_1278 : vector<16xi32>
      %mul3A_1280 = arith.constant 8 : i32
      %mul3A_1281 = arith.muli %while3A_1235, %mul3A_1280 : i32
      %add3A_1282 = arith.constant 3 : i32
      %add3A_1283 = arith.addi %mul3A_1281, %add3A_1282 : i32
      %mul3A_1284 = arith.constant 16 : i32
      %mul3A_1285 = arith.muli %add3A_1283, %mul3A_1284 : i32
      %get3A_1286 = arith.index_cast %mul3A_1285 : i32 to index
      %get3A_1287 = tpu.vector_load %arg7[%get3A_1286] {strides = array<i32>} : memref<4096xi32, #tpu.memory_space<vmem>>, vector<16xi32>,
      %eq3A_1288 = arith.cmpi eq, %get3A_1287, %get3A_204 : vector<16xi32>
      %convert_element_type3A_1289 = arith.extui %eq3A_1288 : vector<16xi1> to vector<16xi32>
      %add3A_1290 = arith.addi %add3A_1276, %convert_element_type3A_1289 : vector<16xi32>
      %eq3A_1291 = arith.cmpi eq, %get3A_1287, %get3A_206 : vector<16xi32>
      %convert_element_type3A_1292 = arith.extui %eq3A_1291 : vector<16xi1> to vector<16xi32>
      %add3A_1293 = arith.addi %add3A_1279, %convert_element_type3A_1292 : vector<16xi32>
      %mul3A_1294 = arith.constant 8 : i32
      %mul3A_1295 = arith.muli %while3A_1235, %mul3A_1294 : i32
      %add3A_1296 = arith.constant 4 : i32
      %add3A_1297 = arith.addi %mul3A_1295, %add3A_1296 : i32
      %mul3A_1298 = arith.constant 16 : i32
      %mul3A_1299 = arith.muli %add3A_1297, %mul3A_1298 : i32
      %get3A_1300 = arith.index_cast %mul3A_1299 : i32 to index
      %get3A_1301 = tpu.vector_load %arg7[%get3A_1300] {strides = array<i32>} : memref<4096xi32, #tpu.memory_space<vmem>>, vector<16xi32>,
      %eq3A_1302 = arith.cmpi eq, %get3A_1301, %get3A_204 : vector<16xi32>
      %convert_element_type3A_1303 = arith.extui %eq3A_1302 : vector<16xi1> to vector<16xi32>
      %add3A_1304 = arith.addi %add3A_1290, %convert_element_type3A_1303 : vector<16xi32>
      %eq3A_1305 = arith.cmpi eq, %get3A_1301, %get3A_206 : vector<16xi32>
      %convert_element_type3A_1306 = arith.extui %eq3A_1305 : vector<16xi1> to vector<16xi32>
      %add3A_1307 = arith.addi %add3A_1293, %convert_element_type3A_1306 : vector<16xi32>
      %mul3A_1308 = arith.constant 8 : i32
      %mul3A_1309 = arith.muli %while3A_1235, %mul3A_1308 : i32
      %add3A_1310 = arith.constant 5 : i32
      %add3A_1311 = arith.addi %mul3A_1309, %add3A_1310 : i32
      %mul3A_1312 = arith.constant 16 : i32
      %mul3A_1313 = arith.muli %add3A_1311, %mul3A_1312 : i32
      %get3A_1314 = arith.index_cast %mul3A_1313 : i32 to index
      %get3A_1315 = tpu.vector_load %arg7[%get3A_1314] {strides = array<i32>} : memref<4096xi32, #tpu.memory_space<vmem>>, vector<16xi32>,
      %eq3A_1316 = arith.cmpi eq, %get3A_1315, %get3A_204 : vector<16xi32>
      %convert_element_type3A_1317 = arith.extui %eq3A_1316 : vector<16xi1> to vector<16xi32>
      %add3A_1318 = arith.addi %add3A_1304, %convert_element_type3A_1317 : vector<16xi32>
      %eq3A_1319 = arith.cmpi eq, %get3A_1315, %get3A_206 : vector<16xi32>
      %convert_element_type3A_1320 = arith.extui %eq3A_1319 : vector<16xi1> to vector<16xi32>
      %add3A_1321 = arith.addi %add3A_1307, %convert_element_type3A_1320 : vector<16xi32>
      %mul3A_1322 = arith.constant 8 : i32
      %mul3A_1323 = arith.muli %while3A_1235, %mul3A_1322 : i32
      %add3A_1324 = arith.constant 6 : i32
      %add3A_1325 = arith.addi %mul3A_1323, %add3A_1324 : i32
      %mul3A_1326 = arith.constant 16 : i32
      %mul3A_1327 = arith.muli %add3A_1325, %mul3A_1326 : i32
      %get3A_1328 = arith.index_cast %mul3A_1327 : i32 to index
      %get3A_1329 = tpu.vector_load %arg7[%get3A_1328] {strides = array<i32>} : memref<4096xi32, #tpu.memory_space<vmem>>, vector<16xi32>,
      %eq3A_1330 = arith.cmpi eq, %get3A_1329, %get3A_204 : vector<16xi32>
      %convert_element_type3A_1331 = arith.extui %eq3A_1330 : vector<16xi1> to vector<16xi32>
      %add3A_1332 = arith.addi %add3A_1318, %convert_element_type3A_1331 : vector<16xi32>
      %eq3A_1333 = arith.cmpi eq, %get3A_1329, %get3A_206 : vector<16xi32>
      %convert_element_type3A_1334 = arith.extui %eq3A_1333 : vector<16xi1> to vector<16xi32>
      %add3A_1335 = arith.addi %add3A_1321, %convert_element_type3A_1334 : vector<16xi32>
      %mul3A_1336 = arith.constant 8 : i32
      %mul3A_1337 = arith.muli %while3A_1235, %mul3A_1336 : i32
      %add3A_1338 = arith.constant 7 : i32
      %add3A_1339 = arith.addi %mul3A_1337, %add3A_1338 : i32
      %mul3A_1340 = arith.constant 16 : i32
      %mul3A_1341 = arith.muli %add3A_1339, %mul3A_1340 : i32
      %get3A_1342 = arith.index_cast %mul3A_1341 : i32 to index
      %get3A_1343 = tpu.vector_load %arg7[%get3A_1342] {strides = array<i32>} : memref<4096xi32, #tpu.memory_space<vmem>>, vector<16xi32>,
      %eq3A_1344 = arith.cmpi eq, %get3A_1343, %get3A_204 : vector<16xi32>
      %convert_element_type3A_1345 = arith.extui %eq3A_1344 : vector<16xi1> to vector<16xi32>
      %add3A_1346 = arith.addi %add3A_1332, %convert_element_type3A_1345 : vector<16xi32>
      %eq3A_1347 = arith.cmpi eq, %get3A_1343, %get3A_206 : vector<16xi32>
      %convert_element_type3A_1348 = arith.extui %eq3A_1347 : vector<16xi1> to vector<16xi32>
      %add3A_1349 = arith.addi %add3A_1335, %convert_element_type3A_1348 : vector<16xi32>
      scf.yield %add3A_1346, %add3A_1349 : vector<16xi32>, vector<16xi32>
    }
    %reduce_sum3A = arith.constant true
    %reduce_sum3A_342 = vector.broadcast %reduce_sum3A : i1 to vector<16xi1>
    %reduce_sum3A_343 = tpu.scan <sum>, %while3A_218#0 masked %reduce_sum3A_342 : vector<16xi32>, vector<16xi1> -> vector<16xi32>
    %reduce_sum3A_344 = vector.extract %reduce_sum3A_343[15] : i32 from vector<16xi32>
    %reduce_sum3A_345 = arith.constant true
    %reduce_sum3A_346 = vector.broadcast %reduce_sum3A_345 : i1 to vector<16xi1>
    %reduce_sum3A_347 = tpu.scan <sum>, %while3A_218#1 masked %reduce_sum3A_346 : vector<16xi32>, vector<16xi1> -> vector<16xi32>
    %reduce_sum3A_348 = vector.extract %reduce_sum3A_347[15] : i32 from vector<16xi32>
    %reduce_sum3A_349 = arith.constant true
    %reduce_sum3A_350 = vector.broadcast %reduce_sum3A_349 : i1 to vector<16xi1>
    %reduce_sum3A_351 = tpu.scan <sum>, %add3A_325 masked %reduce_sum3A_350 : vector<16xi32>, vector<16xi1> -> vector<16xi32>
    %reduce_sum3A_352 = vector.extract %reduce_sum3A_351[15] : i32 from vector<16xi32>
    %add3A_353 = arith.addi %reduce_sum3A_344, %reduce_sum3A_352 : i32
    %reduce_sum3A_354 = arith.constant true
    %reduce_sum3A_355 = vector.broadcast %reduce_sum3A_354 : i1 to vector<16xi1>
    %reduce_sum3A_356 = tpu.scan <sum>, %while3A_341#0 masked %reduce_sum3A_355 : vector<16xi32>, vector<16xi1> -> vector<16xi32>
    %reduce_sum3A_357 = vector.extract %reduce_sum3A_356[15] : i32 from vector<16xi32>
    %add3A_358 = arith.addi %add3A_353, %reduce_sum3A_357 : i32
    %reduce_sum3A_359 = arith.constant true
    %reduce_sum3A_360 = vector.broadcast %reduce_sum3A_359 : i1 to vector<16xi1>
    %reduce_sum3A_361 = tpu.scan <sum>, %add3A_328 masked %reduce_sum3A_360 : vector<16xi32>, vector<16xi1> -> vector<16xi32>
    %reduce_sum3A_362 = vector.extract %reduce_sum3A_361[15] : i32 from vector<16xi32>
    %add3A_363 = arith.addi %reduce_sum3A_348, %reduce_sum3A_362 : i32
    %reduce_sum3A_364 = arith.constant true
    %reduce_sum3A_365 = vector.broadcast %reduce_sum3A_364 : i1 to vector<16xi1>
    %reduce_sum3A_366 = tpu.scan <sum>, %while3A_341#1 masked %reduce_sum3A_365 : vector<16xi32>, vector<16xi1> -> vector<16xi32>
    %reduce_sum3A_367 = vector.extract %reduce_sum3A_366[15] : i32 from vector<16xi32>
    %add3A_368 = arith.addi %add3A_363, %reduce_sum3A_367 : i32
    %sub3A = arith.constant 4096 : i32
    %sub3A_369 = arith.subi %sub3A, %add3A_358 : i32
    %jit3A = arith.constant 16 : i32
    %div3A = arith.divsi %sub3A_369, %jit3A : i32
    %sign3A = arith.constant 0 : i32
    %sign3A_370 = arith.cmpi sgt, %sub3A_369, %sign3A : i32
    %sign3A_371 = arith.extui %sign3A_370 : i1 to i32
    %sign3A_372 = arith.constant 0 : i32
    %sign3A_373 = arith.cmpi slt, %sub3A_369, %sign3A_372 : i32
    %sign3A_374 = arith.extui %sign3A_373 : i1 to i32
    %sign3A_375 = arith.subi %sign3A_371, %sign3A_374 : i32
    %sign3A_376 = arith.constant 0 : i32
    %sign3A_377 = arith.cmpi sgt, %jit3A, %sign3A_376 : i32
    %sign3A_378 = arith.extui %sign3A_377 : i1 to i32
    %sign3A_379 = arith.constant 0 : i32
    %sign3A_380 = arith.cmpi slt, %jit3A, %sign3A_379 : i32
    %sign3A_381 = arith.extui %sign3A_380 : i1 to i32
    %sign3A_382 = arith.subi %sign3A_378, %sign3A_381 : i32
    %ne3A = arith.cmpi ne, %sign3A_375, %sign3A_382 : i32
    %rem3A = arith.remsi %sub3A_369, %jit3A : i32
    %ne3A_383 = arith.constant 0 : i32
    %ne3A_384 = arith.cmpi ne, %rem3A, %ne3A_383 : i32
    %and3A = arith.andi %ne3A, %ne3A_384 : i1
    %sub3A_385 = arith.constant 1 : i32
    %sub3A_386 = arith.subi %div3A, %sub3A_385 : i32
    %select_n3A = arith.select %and3A, %sub3A_386, %div3A : i32
    %mul3A_387 = arith.constant 16 : i32
    %mul3A_388 = arith.muli %select_n3A, %mul3A_387 : i32
    %sub3A_389 = arith.subi %sub3A_369, %mul3A_388 : i32
    %sub3A_390 = arith.subi %select_n3A, %add3A : i32
    %add3A_391 = arith.constant 32 : i32
    %add3A_392 = arith.addi %sub3A_390, %add3A_391 : i32
    %sub3A_393 = arith.constant 1 : i32
    %sub3A_394 = arith.subi %add3A_392, %sub3A_393 : i32
    %jit3A_395 = arith.constant 32 : i32
    %div3A_396 = arith.divsi %sub3A_394, %jit3A_395 : i32
    %sign3A_397 = arith.constant 0 : i32
    %sign3A_398 = arith.cmpi sgt, %sub3A_394, %sign3A_397 : i32
    %sign3A_399 = arith.extui %sign3A_398 : i1 to i32
    %sign3A_400 = arith.constant 0 : i32
    %sign3A_401 = arith.cmpi slt, %sub3A_394, %sign3A_400 : i32
    %sign3A_402 = arith.extui %sign3A_401 : i1 to i32
    %sign3A_403 = arith.subi %sign3A_399, %sign3A_402 : i32
    %sign3A_404 = arith.constant 0 : i32
    %sign3A_405 = arith.cmpi sgt, %jit3A_395, %sign3A_404 : i32
    %sign3A_406 = arith.extui %sign3A_405 : i1 to i32
    %sign3A_407 = arith.constant 0 : i32
    %sign3A_408 = arith.cmpi slt, %jit3A_395, %sign3A_407 : i32
    %sign3A_409 = arith.extui %sign3A_408 : i1 to i32
    %sign3A_410 = arith.subi %sign3A_406, %sign3A_409 : i32
    %ne3A_411 = arith.cmpi ne, %sign3A_403, %sign3A_410 : i32
    %rem3A_412 = arith.remsi %sub3A_394, %jit3A_395 : i32
    %ne3A_413 = arith.constant 0 : i32
    %ne3A_414 = arith.cmpi ne, %rem3A_412, %ne3A_413 : i32
    %and3A_415 = arith.andi %ne3A_411, %ne3A_414 : i1
    %sub3A_416 = arith.constant 1 : i32
    %sub3A_417 = arith.subi %div3A_396, %sub3A_416 : i32
    %select_n3A_418 = arith.select %and3A_415, %sub3A_417, %div3A_396 : i32
    %while3A_419 = arith.constant 0 : i32
    %while3A_420 = arith.constant 0 : i32
    %while3A_421 = arith.subi %select_n3A_418, %while3A_419 : i32
    %while3A_422 = arith.addi %while3A_419, %while3A_421 : i32
    %while3A_423 = arith.constant 1 : i32
    %while3A_424 = arith.divsi %while3A_421, %while3A_423 : i32
    %while3A_425 = arith.muli %while3A_424, %while3A_423 : i32
    %while3A_426 = arith.addi %while3A_419, %while3A_425 : i32
    %while3A_427 = arith.constant 1 : i32
    %while3A_428 = scf.for %while3A_1235 = %while3A_419 to %while3A_426 step %while3A_427 iter_args(%while3A_1236 = %while3A_420) -> (i32)  : i32 {
      %mul3A_1237 = arith.constant 32 : i32
      %mul3A_1238 = arith.muli %while3A_1235, %mul3A_1237 : i32
      %add3A_1239 = arith.addi %add3A, %mul3A_1238 : i32
      %add3A_1240 = arith.constant 1 : i32
      %add3A_1241 = arith.addi %add3A_1239, %add3A_1240 : i32
      %mul3A_1242 = arith.constant 16 : i32
      %mul3A_1243 = arith.muli %add3A_1241, %mul3A_1242 : i32
      %sub3A_1244 = arith.constant 4096 : i32
      %sub3A_1245 = arith.subi %sub3A_1244, %mul3A_1243 : i32
      %dma_start3A_1246 = arith.constant 0 : i32
      %dma_start3A_1247 = tpu.memref_slice %arg6[%sub3A_1245, %dma_start3A_1246] : memref<8192x1024xf32, #tpu.memory_space<hbm>> -> memref<16x1024xf32, #tpu.memory_space<hbm>>
      %dma_start3A_1248 = arith.constant 0 : i32
      %dma_start3A_1249 = tpu.memref_slice %arg6[%sub3A_1245, %dma_start3A_1248] : memref<8192x1024xf32, #tpu.memory_space<hbm>> -> memref<16x1024xf32, #tpu.memory_space<hbm>>
      tpu.enqueue_dma source(%arg12 : memref<16x1024xf32, #tpu.memory_space<vmem>>) target(%dma_start3A_1249 : memref<16x1024xf32, #tpu.memory_space<hbm>>) target_semaphore(%arg25 : memref<!tpu.dma_semaphore, #tpu.memory_space<semaphore_mem>>)
      %while3A_1250 = arith.constant 0 : i32
      scf.yield %while3A_1250 : i32
    }
    %while3A_429 = arith.constant 1 : i32
    %while3A_430 = scf.for %while3A_1235 = %while3A_426 to %while3A_422 step %while3A_429 iter_args(%while3A_1236 = %while3A_428) -> (i32)  : i32 {
      %mul3A_1237 = arith.constant 32 : i32
      %mul3A_1238 = arith.muli %while3A_1235, %mul3A_1237 : i32
      %add3A_1239 = arith.addi %add3A, %mul3A_1238 : i32
      %add3A_1240 = arith.constant 1 : i32
      %add3A_1241 = arith.addi %add3A_1239, %add3A_1240 : i32
      %mul3A_1242 = arith.constant 16 : i32
      %mul3A_1243 = arith.muli %add3A_1241, %mul3A_1242 : i32
      %sub3A_1244 = arith.constant 4096 : i32
      %sub3A_1245 = arith.subi %sub3A_1244, %mul3A_1243 : i32
      %dma_start3A_1246 = arith.constant 0 : i32
      %dma_start3A_1247 = tpu.memref_slice %arg6[%sub3A_1245, %dma_start3A_1246] : memref<8192x1024xf32, #tpu.memory_space<hbm>> -> memref<16x1024xf32, #tpu.memory_space<hbm>>
      %dma_start3A_1248 = arith.constant 0 : i32
      %dma_start3A_1249 = tpu.memref_slice %arg6[%sub3A_1245, %dma_start3A_1248] : memref<8192x1024xf32, #tpu.memory_space<hbm>> -> memref<16x1024xf32, #tpu.memory_space<hbm>>
      tpu.enqueue_dma source(%arg12 : memref<16x1024xf32, #tpu.memory_space<vmem>>) target(%dma_start3A_1249 : memref<16x1024xf32, #tpu.memory_space<hbm>>) target_semaphore(%arg25 : memref<!tpu.dma_semaphore, #tpu.memory_space<semaphore_mem>>)
      %while3A_1250 = arith.constant 0 : i32
      scf.yield %while3A_1250 : i32
    }
    %lt3A = arith.cmpi slt, %add3A, %sub3A_389 : i32
    %convert_element_type3A_431 = arith.extui %lt3A : i1 to i32
    %cond3A = arith.constant 0 : i32
    %cond3A_432 = arith.cmpi ne, %convert_element_type3A_431, %cond3A : i32
    scf.if %cond3A_432 {
      %add3A_1235 = arith.constant 0 : i32
      %add3A_1236 = arith.addi %add3A_1235, %add3A_358 : i32
      %add3A_1237 = arith.addi %add3A_1236, %add3A : i32
      %dma_start3A_1238 = arith.constant 0 : i32
      %dma_start3A_1239 = arith.constant 0 : i32
      %dma_start3A_1240 = tpu.memref_slice %arg12[%dma_start3A_1238, %dma_start3A_1239] : memref<16x1024xf32, #tpu.memory_space<vmem>> -> memref<1x1024xf32, #tpu.memory_space<vmem>>
      %dma_start3A_1241 = arith.constant 0 : i32
      %dma_start3A_1242 = tpu.memref_slice %arg6[%add3A_1237, %dma_start3A_1241] : memref<8192x1024xf32, #tpu.memory_space<hbm>> -> memref<1x1024xf32, #tpu.memory_space<hbm>>
      %dma_start3A_1243 = arith.constant 0 : i32
      %dma_start3A_1244 = tpu.memref_slice %arg6[%add3A_1237, %dma_start3A_1243] : memref<8192x1024xf32, #tpu.memory_space<hbm>> -> memref<1x1024xf32, #tpu.memory_space<hbm>>
      %dma_start3A_1245 = arith.constant 0 : i32
      %dma_start3A_1246 = arith.constant 0 : i32
      %dma_start3A_1247 = tpu.memref_slice %arg12[%dma_start3A_1245, %dma_start3A_1246] : memref<16x1024xf32, #tpu.memory_space<vmem>> -> memref<1x1024xf32, #tpu.memory_space<vmem>>
      tpu.enqueue_dma source(%dma_start3A_1247 : memref<1x1024xf32, #tpu.memory_space<vmem>>) target(%dma_start3A_1244 : memref<1x1024xf32, #tpu.memory_space<hbm>>) target_semaphore(%arg25 : memref<!tpu.dma_semaphore, #tpu.memory_space<semaphore_mem>>)
    } else {
    }
    %sub3A_433 = arith.constant 4096 : i32
    %sub3A_434 = arith.subi %sub3A_433, %add3A_368 : i32
    %jit3A_435 = arith.constant 16 : i32
    %div3A_436 = arith.divsi %sub3A_434, %jit3A_435 : i32
    %sign3A_437 = arith.constant 0 : i32
    %sign3A_438 = arith.cmpi sgt, %sub3A_434, %sign3A_437 : i32
    %sign3A_439 = arith.extui %sign3A_438 : i1 to i32
    %sign3A_440 = arith.constant 0 : i32
    %sign3A_441 = arith.cmpi slt, %sub3A_434, %sign3A_440 : i32
    %sign3A_442 = arith.extui %sign3A_441 : i1 to i32
    %sign3A_443 = arith.subi %sign3A_439, %sign3A_442 : i32
    %sign3A_444 = arith.constant 0 : i32
    %sign3A_445 = arith.cmpi sgt, %jit3A_435, %sign3A_444 : i32
    %sign3A_446 = arith.extui %sign3A_445 : i1 to i32
    %sign3A_447 = arith.constant 0 : i32
    %sign3A_448 = arith.cmpi slt, %jit3A_435, %sign3A_447 : i32
    %sign3A_449 = arith.extui %sign3A_448 : i1 to i32
    %sign3A_450 = arith.subi %sign3A_446, %sign3A_449 : i32
    %ne3A_451 = arith.cmpi ne, %sign3A_443, %sign3A_450 : i32
    %rem3A_452 = arith.remsi %sub3A_434, %jit3A_435 : i32
    %ne3A_453 = arith.constant 0 : i32
    %ne3A_454 = arith.cmpi ne, %rem3A_452, %ne3A_453 : i32
    %and3A_455 = arith.andi %ne3A_451, %ne3A_454 : i1
    %sub3A_456 = arith.constant 1 : i32
    %sub3A_457 = arith.subi %div3A_436, %sub3A_456 : i32
    %select_n3A_458 = arith.select %and3A_455, %sub3A_457, %div3A_436 : i32
    %mul3A_459 = arith.constant 16 : i32
    %mul3A_460 = arith.muli %select_n3A_458, %mul3A_459 : i32
    %sub3A_461 = arith.subi %sub3A_434, %mul3A_460 : i32
    %sub3A_462 = arith.subi %select_n3A_458, %add3A : i32
    %add3A_463 = arith.constant 32 : i32
    %add3A_464 = arith.addi %sub3A_462, %add3A_463 : i32
    %sub3A_465 = arith.constant 1 : i32
    %sub3A_466 = arith.subi %add3A_464, %sub3A_465 : i32
    %jit3A_467 = arith.constant 32 : i32
    %div3A_468 = arith.divsi %sub3A_466, %jit3A_467 : i32
    %sign3A_469 = arith.constant 0 : i32
    %sign3A_470 = arith.cmpi sgt, %sub3A_466, %sign3A_469 : i32
    %sign3A_471 = arith.extui %sign3A_470 : i1 to i32
    %sign3A_472 = arith.constant 0 : i32
    %sign3A_473 = arith.cmpi slt, %sub3A_466, %sign3A_472 : i32
    %sign3A_474 = arith.extui %sign3A_473 : i1 to i32
    %sign3A_475 = arith.subi %sign3A_471, %sign3A_474 : i32
    %sign3A_476 = arith.constant 0 : i32
    %sign3A_477 = arith.cmpi sgt, %jit3A_467, %sign3A_476 : i32
    %sign3A_478 = arith.extui %sign3A_477 : i1 to i32
    %sign3A_479 = arith.constant 0 : i32
    %sign3A_480 = arith.cmpi slt, %jit3A_467, %sign3A_479 : i32
    %sign3A_481 = arith.extui %sign3A_480 : i1 to i32
    %sign3A_482 = arith.subi %sign3A_478, %sign3A_481 : i32
    %ne3A_483 = arith.cmpi ne, %sign3A_475, %sign3A_482 : i32
    %rem3A_484 = arith.remsi %sub3A_466, %jit3A_467 : i32
    %ne3A_485 = arith.constant 0 : i32
    %ne3A_486 = arith.cmpi ne, %rem3A_484, %ne3A_485 : i32
    %and3A_487 = arith.andi %ne3A_483, %ne3A_486 : i1
    %sub3A_488 = arith.constant 1 : i32
    %sub3A_489 = arith.subi %div3A_468, %sub3A_488 : i32
    %select_n3A_490 = arith.select %and3A_487, %sub3A_489, %div3A_468 : i32
    %while3A_491 = arith.constant 0 : i32
    %while3A_492 = arith.constant 0 : i32
    %while3A_493 = arith.subi %select_n3A_490, %while3A_491 : i32
    %while3A_494 = arith.addi %while3A_491, %while3A_493 : i32
    %while3A_495 = arith.constant 1 : i32
    %while3A_496 = arith.divsi %while3A_493, %while3A_495 : i32
    %while3A_497 = arith.muli %while3A_496, %while3A_495 : i32
    %while3A_498 = arith.addi %while3A_491, %while3A_497 : i32
    %while3A_499 = arith.constant 1 : i32
    %while3A_500 = scf.for %while3A_1235 = %while3A_491 to %while3A_498 step %while3A_499 iter_args(%while3A_1236 = %while3A_492) -> (i32)  : i32 {
      %mul3A_1237 = arith.constant 32 : i32
      %mul3A_1238 = arith.muli %while3A_1235, %mul3A_1237 : i32
      %add3A_1239 = arith.addi %add3A, %mul3A_1238 : i32
      %add3A_1240 = arith.constant 1 : i32
      %add3A_1241 = arith.addi %add3A_1239, %add3A_1240 : i32
      %mul3A_1242 = arith.constant 16 : i32
      %mul3A_1243 = arith.muli %add3A_1241, %mul3A_1242 : i32
      %sub3A_1244 = arith.constant 8192 : i32
      %sub3A_1245 = arith.subi %sub3A_1244, %mul3A_1243 : i32
      %dma_start3A_1246 = arith.constant 0 : i32
      %dma_start3A_1247 = tpu.memref_slice %arg6[%sub3A_1245, %dma_start3A_1246] : memref<8192x1024xf32, #tpu.memory_space<hbm>> -> memref<16x1024xf32, #tpu.memory_space<hbm>>
      %dma_start3A_1248 = arith.constant 0 : i32
      %dma_start3A_1249 = tpu.memref_slice %arg6[%sub3A_1245, %dma_start3A_1248] : memref<8192x1024xf32, #tpu.memory_space<hbm>> -> memref<16x1024xf32, #tpu.memory_space<hbm>>
      tpu.enqueue_dma source(%arg12 : memref<16x1024xf32, #tpu.memory_space<vmem>>) target(%dma_start3A_1249 : memref<16x1024xf32, #tpu.memory_space<hbm>>) target_semaphore(%arg25 : memref<!tpu.dma_semaphore, #tpu.memory_space<semaphore_mem>>)
      %while3A_1250 = arith.constant 0 : i32
      scf.yield %while3A_1250 : i32
    }
    %while3A_501 = arith.constant 1 : i32
    %while3A_502 = scf.for %while3A_1235 = %while3A_498 to %while3A_494 step %while3A_501 iter_args(%while3A_1236 = %while3A_500) -> (i32)  : i32 {
      %mul3A_1237 = arith.constant 32 : i32
      %mul3A_1238 = arith.muli %while3A_1235, %mul3A_1237 : i32
      %add3A_1239 = arith.addi %add3A, %mul3A_1238 : i32
      %add3A_1240 = arith.constant 1 : i32
      %add3A_1241 = arith.addi %add3A_1239, %add3A_1240 : i32
      %mul3A_1242 = arith.constant 16 : i32
      %mul3A_1243 = arith.muli %add3A_1241, %mul3A_1242 : i32
      %sub3A_1244 = arith.constant 8192 : i32
      %sub3A_1245 = arith.subi %sub3A_1244, %mul3A_1243 : i32
      %dma_start3A_1246 = arith.constant 0 : i32
      %dma_start3A_1247 = tpu.memref_slice %arg6[%sub3A_1245, %dma_start3A_1246] : memref<8192x1024xf32, #tpu.memory_space<hbm>> -> memref<16x1024xf32, #tpu.memory_space<hbm>>
      %dma_start3A_1248 = arith.constant 0 : i32
      %dma_start3A_1249 = tpu.memref_slice %arg6[%sub3A_1245, %dma_start3A_1248] : memref<8192x1024xf32, #tpu.memory_space<hbm>> -> memref<16x1024xf32, #tpu.memory_space<hbm>>
      tpu.enqueue_dma source(%arg12 : memref<16x1024xf32, #tpu.memory_space<vmem>>) target(%dma_start3A_1249 : memref<16x1024xf32, #tpu.memory_space<hbm>>) target_semaphore(%arg25 : memref<!tpu.dma_semaphore, #tpu.memory_space<semaphore_mem>>)
      %while3A_1250 = arith.constant 0 : i32
      scf.yield %while3A_1250 : i32
    }
    %lt3A_503 = arith.cmpi slt, %add3A, %sub3A_461 : i32
    %convert_element_type3A_504 = arith.extui %lt3A_503 : i1 to i32
    %cond3A_505 = arith.constant 0 : i32
    %cond3A_506 = arith.cmpi ne, %convert_element_type3A_504, %cond3A_505 : i32
    scf.if %cond3A_506 {
      %add3A_1235 = arith.constant 4096 : i32
      %add3A_1236 = arith.addi %add3A_1235, %add3A_368 : i32
      %add3A_1237 = arith.addi %add3A_1236, %add3A : i32
      %dma_start3A_1238 = arith.constant 0 : i32
      %dma_start3A_1239 = arith.constant 0 : i32
      %dma_start3A_1240 = tpu.memref_slice %arg12[%dma_start3A_1238, %dma_start3A_1239] : memref<16x1024xf32, #tpu.memory_space<vmem>> -> memref<1x1024xf32, #tpu.memory_space<vmem>>
      %dma_start3A_1241 = arith.constant 0 : i32
      %dma_start3A_1242 = tpu.memref_slice %arg6[%add3A_1237, %dma_start3A_1241] : memref<8192x1024xf32, #tpu.memory_space<hbm>> -> memref<1x1024xf32, #tpu.memory_space<hbm>>
      %dma_start3A_1243 = arith.constant 0 : i32
      %dma_start3A_1244 = tpu.memref_slice %arg6[%add3A_1237, %dma_start3A_1243] : memref<8192x1024xf32, #tpu.memory_space<hbm>> -> memref<1x1024xf32, #tpu.memory_space<hbm>>
      %dma_start3A_1245 = arith.constant 0 : i32
      %dma_start3A_1246 = arith.constant 0 : i32
      %dma_start3A_1247 = tpu.memref_slice %arg12[%dma_start3A_1245, %dma_start3A_1246] : memref<16x1024xf32, #tpu.memory_space<vmem>> -> memref<1x1024xf32, #tpu.memory_space<vmem>>
      tpu.enqueue_dma source(%dma_start3A_1247 : memref<1x1024xf32, #tpu.memory_space<vmem>>) target(%dma_start3A_1244 : memref<1x1024xf32, #tpu.memory_space<hbm>>) target_semaphore(%arg25 : memref<!tpu.dma_semaphore, #tpu.memory_space<semaphore_mem>>)
    } else {
    }
    %mul3A_507 = arith.constant 8 : i32
    %mul3A_508 = arith.muli %add3A, %mul3A_507 : i32
    %add3A_509 = arith.constant 0 : i32
    %add3A_510 = arith.addi %mul3A_508, %add3A_509 : i32
    %mul3A_511 = arith.constant 16 : i32
    %mul3A_512 = arith.muli %add3A_510, %mul3A_511 : i32
    %get3A_513 = arith.index_cast %mul3A_512 : i32 to index
    %get3A_514 = tpu.vector_load %arg7[%get3A_513] {strides = array<i32>} : memref<4096xi32, #tpu.memory_space<vmem>>, vector<16xi32>,
    %eq3A_515 = arith.cmpi eq, %get3A_514, %get3A_204 : vector<16xi32>
    %eq3A_516 = arith.cmpi eq, %get3A_514, %get3A_206 : vector<16xi32>
    %convert_element_type3A_517 = arith.extui %eq3A_515 : vector<16xi1> to vector<16xi32>
    %convert_element_type3A_518 = arith.extui %eq3A_516 : vector<16xi1> to vector<16xi32>
    %broadcast_in_dim3A_519 = arith.constant true
    %broadcast_in_dim3A_520 = vector.broadcast %broadcast_in_dim3A_519 : i1 to vector<16xi1>
    %masked_cumsum3A = tpu.scan <sum>, %convert_element_type3A_517 masked %broadcast_in_dim3A_520 : vector<16xi32>, vector<16xi1> -> vector<16xi32>
    %broadcast_in_dim3A_521 = arith.constant true
    %broadcast_in_dim3A_522 = vector.broadcast %broadcast_in_dim3A_521 : i1 to vector<16xi1>
    %masked_cumsum3A_523 = tpu.scan <sum>, %convert_element_type3A_518 masked %broadcast_in_dim3A_522 : vector<16xi32>, vector<16xi1> -> vector<16xi32>
    %sub3A_524 = arith.constant 1 : i32
    %sub3A_525 = arith.subi %reduce_sum3A_344, %sub3A_524 : i32
    %broadcast_in_dim3A_526 = vector.broadcast %sub3A_525 : i32 to vector<16xi32>
    %add3A_527 = arith.addi %masked_cumsum3A, %broadcast_in_dim3A_526 : vector<16xi32>
    %add3A_528 = arith.constant 4096 : i32
    %add3A_529 = arith.addi %add3A_528, %reduce_sum3A_348 : i32
    %sub3A_530 = arith.constant 1 : i32
    %sub3A_531 = arith.subi %add3A_529, %sub3A_530 : i32
    %broadcast_in_dim3A_532 = vector.broadcast %sub3A_531 : i32 to vector<16xi32>
    %add3A_533 = arith.addi %masked_cumsum3A_523, %broadcast_in_dim3A_532 : vector<16xi32>
    %select_n3A_534 = arith.select %eq3A_515, %add3A_527, %add3A_533 : vector<16xi1>, vector<16xi32>
    %swap3A = arith.constant 0 : i32
    %swap3A_535 = arith.index_cast %swap3A : i32 to index
    %swap3A_536 = arith.constant 0 : index
    %swap3A_537 = tpu.vector_load %arg10[%swap3A_535, %swap3A_536] {strides = array<i32>} : memref<8x16xi32, #tpu.memory_space<vmem>>, vector<16xi32>,
    tpu.vector_store %arg10[%swap3A_535, %swap3A_536], %select_n3A_534 {strides = array<i32>} : memref<8x16xi32, #tpu.memory_space<vmem>>, vector<16xi32>,
    %reduce_sum3A_538 = arith.constant true
    %reduce_sum3A_539 = vector.broadcast %reduce_sum3A_538 : i1 to vector<16xi1>
    %reduce_sum3A_540 = tpu.scan <sum>, %convert_element_type3A_517 masked %reduce_sum3A_539 : vector<16xi32>, vector<16xi1> -> vector<16xi32>
    %reduce_sum3A_541 = vector.extract %reduce_sum3A_540[15] : i32 from vector<16xi32>
    %add3A_542 = arith.addi %reduce_sum3A_344, %reduce_sum3A_541 : i32
    %reduce_sum3A_543 = arith.constant true
    %reduce_sum3A_544 = vector.broadcast %reduce_sum3A_543 : i1 to vector<16xi1>
    %reduce_sum3A_545 = tpu.scan <sum>, %convert_element_type3A_518 masked %reduce_sum3A_544 : vector<16xi32>, vector<16xi1> -> vector<16xi32>
    %reduce_sum3A_546 = vector.extract %reduce_sum3A_545[15] : i32 from vector<16xi32>
    %add3A_547 = arith.addi %reduce_sum3A_348, %reduce_sum3A_546 : i32
    %mul3A_548 = arith.constant 8 : i32
    %mul3A_549 = arith.muli %add3A, %mul3A_548 : i32
    %add3A_550 = arith.constant 1 : i32
    %add3A_551 = arith.addi %mul3A_549, %add3A_550 : i32
    %mul3A_552 = arith.constant 16 : i32
    %mul3A_553 = arith.muli %add3A_551, %mul3A_552 : i32
    %get3A_554 = arith.index_cast %mul3A_553 : i32 to index
    %get3A_555 = tpu.vector_load %arg7[%get3A_554] {strides = array<i32>} : memref<4096xi32, #tpu.memory_space<vmem>>, vector<16xi32>,
    %eq3A_556 = arith.cmpi eq, %get3A_555, %get3A_204 : vector<16xi32>
    %eq3A_557 = arith.cmpi eq, %get3A_555, %get3A_206 : vector<16xi32>
    %convert_element_type3A_558 = arith.extui %eq3A_556 : vector<16xi1> to vector<16xi32>
    %convert_element_type3A_559 = arith.extui %eq3A_557 : vector<16xi1> to vector<16xi32>
    %broadcast_in_dim3A_560 = arith.constant true
    %broadcast_in_dim3A_561 = vector.broadcast %broadcast_in_dim3A_560 : i1 to vector<16xi1>
    %masked_cumsum3A_562 = tpu.scan <sum>, %convert_element_type3A_558 masked %broadcast_in_dim3A_561 : vector<16xi32>, vector<16xi1> -> vector<16xi32>
    %broadcast_in_dim3A_563 = arith.constant true
    %broadcast_in_dim3A_564 = vector.broadcast %broadcast_in_dim3A_563 : i1 to vector<16xi1>
    %masked_cumsum3A_565 = tpu.scan <sum>, %convert_element_type3A_559 masked %broadcast_in_dim3A_564 : vector<16xi32>, vector<16xi1> -> vector<16xi32>
    %sub3A_566 = arith.constant 1 : i32
    %sub3A_567 = arith.subi %add3A_542, %sub3A_566 : i32
    %broadcast_in_dim3A_568 = vector.broadcast %sub3A_567 : i32 to vector<16xi32>
    %add3A_569 = arith.addi %masked_cumsum3A_562, %broadcast_in_dim3A_568 : vector<16xi32>
    %add3A_570 = arith.constant 4096 : i32
    %add3A_571 = arith.addi %add3A_570, %add3A_547 : i32
    %sub3A_572 = arith.constant 1 : i32
    %sub3A_573 = arith.subi %add3A_571, %sub3A_572 : i32
    %broadcast_in_dim3A_574 = vector.broadcast %sub3A_573 : i32 to vector<16xi32>
    %add3A_575 = arith.addi %masked_cumsum3A_565, %broadcast_in_dim3A_574 : vector<16xi32>
    %select_n3A_576 = arith.select %eq3A_556, %add3A_569, %add3A_575 : vector<16xi1>, vector<16xi32>
    %swap3A_577 = arith.constant 1 : i32
    %swap3A_578 = arith.index_cast %swap3A_577 : i32 to index
    %swap3A_579 = arith.constant 0 : index
    %swap3A_580 = tpu.vector_load %arg10[%swap3A_578, %swap3A_579] {strides = array<i32>} : memref<8x16xi32, #tpu.memory_space<vmem>>, vector<16xi32>,
    tpu.vector_store %arg10[%swap3A_578, %swap3A_579], %select_n3A_576 {strides = array<i32>} : memref<8x16xi32, #tpu.memory_space<vmem>>, vector<16xi32>,
    %reduce_sum3A_581 = arith.constant true
    %reduce_sum3A_582 = vector.broadcast %reduce_sum3A_581 : i1 to vector<16xi1>
    %reduce_sum3A_583 = tpu.scan <sum>, %convert_element_type3A_558 masked %reduce_sum3A_582 : vector<16xi32>, vector<16xi1> -> vector<16xi32>
    %reduce_sum3A_584 = vector.extract %reduce_sum3A_583[15] : i32 from vector<16xi32>
    %add3A_585 = arith.addi %add3A_542, %reduce_sum3A_584 : i32
    %reduce_sum3A_586 = arith.constant true
    %reduce_sum3A_587 = vector.broadcast %reduce_sum3A_586 : i1 to vector<16xi1>
    %reduce_sum3A_588 = tpu.scan <sum>, %convert_element_type3A_559 masked %reduce_sum3A_587 : vector<16xi32>, vector<16xi1> -> vector<16xi32>
    %reduce_sum3A_589 = vector.extract %reduce_sum3A_588[15] : i32 from vector<16xi32>
    %add3A_590 = arith.addi %add3A_547, %reduce_sum3A_589 : i32
    %mul3A_591 = arith.constant 8 : i32
    %mul3A_592 = arith.muli %add3A, %mul3A_591 : i32
    %add3A_593 = arith.constant 2 : i32
    %add3A_594 = arith.addi %mul3A_592, %add3A_593 : i32
    %mul3A_595 = arith.constant 16 : i32
    %mul3A_596 = arith.muli %add3A_594, %mul3A_595 : i32
    %get3A_597 = arith.index_cast %mul3A_596 : i32 to index
    %get3A_598 = tpu.vector_load %arg7[%get3A_597] {strides = array<i32>} : memref<4096xi32, #tpu.memory_space<vmem>>, vector<16xi32>,
    %eq3A_599 = arith.cmpi eq, %get3A_598, %get3A_204 : vector<16xi32>
    %eq3A_600 = arith.cmpi eq, %get3A_598, %get3A_206 : vector<16xi32>
    %convert_element_type3A_601 = arith.extui %eq3A_599 : vector<16xi1> to vector<16xi32>
    %convert_element_type3A_602 = arith.extui %eq3A_600 : vector<16xi1> to vector<16xi32>
    %broadcast_in_dim3A_603 = arith.constant true
    %broadcast_in_dim3A_604 = vector.broadcast %broadcast_in_dim3A_603 : i1 to vector<16xi1>
    %masked_cumsum3A_605 = tpu.scan <sum>, %convert_element_type3A_601 masked %broadcast_in_dim3A_604 : vector<16xi32>, vector<16xi1> -> vector<16xi32>
    %broadcast_in_dim3A_606 = arith.constant true
    %broadcast_in_dim3A_607 = vector.broadcast %broadcast_in_dim3A_606 : i1 to vector<16xi1>
    %masked_cumsum3A_608 = tpu.scan <sum>, %convert_element_type3A_602 masked %broadcast_in_dim3A_607 : vector<16xi32>, vector<16xi1> -> vector<16xi32>
    %sub3A_609 = arith.constant 1 : i32
    %sub3A_610 = arith.subi %add3A_585, %sub3A_609 : i32
    %broadcast_in_dim3A_611 = vector.broadcast %sub3A_610 : i32 to vector<16xi32>
    %add3A_612 = arith.addi %masked_cumsum3A_605, %broadcast_in_dim3A_611 : vector<16xi32>
    %add3A_613 = arith.constant 4096 : i32
    %add3A_614 = arith.addi %add3A_613, %add3A_590 : i32
    %sub3A_615 = arith.constant 1 : i32
    %sub3A_616 = arith.subi %add3A_614, %sub3A_615 : i32
    %broadcast_in_dim3A_617 = vector.broadcast %sub3A_616 : i32 to vector<16xi32>
    %add3A_618 = arith.addi %masked_cumsum3A_608, %broadcast_in_dim3A_617 : vector<16xi32>
    %select_n3A_619 = arith.select %eq3A_599, %add3A_612, %add3A_618 : vector<16xi1>, vector<16xi32>
    %swap3A_620 = arith.constant 2 : i32
    %swap3A_621 = arith.index_cast %swap3A_620 : i32 to index
    %swap3A_622 = arith.constant 0 : index
    %swap3A_623 = tpu.vector_load %arg10[%swap3A_621, %swap3A_622] {strides = array<i32>} : memref<8x16xi32, #tpu.memory_space<vmem>>, vector<16xi32>,
    tpu.vector_store %arg10[%swap3A_621, %swap3A_622], %select_n3A_619 {strides = array<i32>} : memref<8x16xi32, #tpu.memory_space<vmem>>, vector<16xi32>,
    %reduce_sum3A_624 = arith.constant true
    %reduce_sum3A_625 = vector.broadcast %reduce_sum3A_624 : i1 to vector<16xi1>
    %reduce_sum3A_626 = tpu.scan <sum>, %convert_element_type3A_601 masked %reduce_sum3A_625 : vector<16xi32>, vector<16xi1> -> vector<16xi32>
    %reduce_sum3A_627 = vector.extract %reduce_sum3A_626[15] : i32 from vector<16xi32>
    %add3A_628 = arith.addi %add3A_585, %reduce_sum3A_627 : i32
    %reduce_sum3A_629 = arith.constant true
    %reduce_sum3A_630 = vector.broadcast %reduce_sum3A_629 : i1 to vector<16xi1>
    %reduce_sum3A_631 = tpu.scan <sum>, %convert_element_type3A_602 masked %reduce_sum3A_630 : vector<16xi32>, vector<16xi1> -> vector<16xi32>
    %reduce_sum3A_632 = vector.extract %reduce_sum3A_631[15] : i32 from vector<16xi32>
    %add3A_633 = arith.addi %add3A_590, %reduce_sum3A_632 : i32
    %mul3A_634 = arith.constant 8 : i32
    %mul3A_635 = arith.muli %add3A, %mul3A_634 : i32
    %add3A_636 = arith.constant 3 : i32
    %add3A_637 = arith.addi %mul3A_635, %add3A_636 : i32
    %mul3A_638 = arith.constant 16 : i32
    %mul3A_639 = arith.muli %add3A_637, %mul3A_638 : i32
    %get3A_640 = arith.index_cast %mul3A_639 : i32 to index
    %get3A_641 = tpu.vector_load %arg7[%get3A_640] {strides = array<i32>} : memref<4096xi32, #tpu.memory_space<vmem>>, vector<16xi32>,
    %eq3A_642 = arith.cmpi eq, %get3A_641, %get3A_204 : vector<16xi32>
    %eq3A_643 = arith.cmpi eq, %get3A_641, %get3A_206 : vector<16xi32>
    %convert_element_type3A_644 = arith.extui %eq3A_642 : vector<16xi1> to vector<16xi32>
    %convert_element_type3A_645 = arith.extui %eq3A_643 : vector<16xi1> to vector<16xi32>
    %broadcast_in_dim3A_646 = arith.constant true
    %broadcast_in_dim3A_647 = vector.broadcast %broadcast_in_dim3A_646 : i1 to vector<16xi1>
    %masked_cumsum3A_648 = tpu.scan <sum>, %convert_element_type3A_644 masked %broadcast_in_dim3A_647 : vector<16xi32>, vector<16xi1> -> vector<16xi32>
    %broadcast_in_dim3A_649 = arith.constant true
    %broadcast_in_dim3A_650 = vector.broadcast %broadcast_in_dim3A_649 : i1 to vector<16xi1>
    %masked_cumsum3A_651 = tpu.scan <sum>, %convert_element_type3A_645 masked %broadcast_in_dim3A_650 : vector<16xi32>, vector<16xi1> -> vector<16xi32>
    %sub3A_652 = arith.constant 1 : i32
    %sub3A_653 = arith.subi %add3A_628, %sub3A_652 : i32
    %broadcast_in_dim3A_654 = vector.broadcast %sub3A_653 : i32 to vector<16xi32>
    %add3A_655 = arith.addi %masked_cumsum3A_648, %broadcast_in_dim3A_654 : vector<16xi32>
    %add3A_656 = arith.constant 4096 : i32
    %add3A_657 = arith.addi %add3A_656, %add3A_633 : i32
    %sub3A_658 = arith.constant 1 : i32
    %sub3A_659 = arith.subi %add3A_657, %sub3A_658 : i32
    %broadcast_in_dim3A_660 = vector.broadcast %sub3A_659 : i32 to vector<16xi32>
    %add3A_661 = arith.addi %masked_cumsum3A_651, %broadcast_in_dim3A_660 : vector<16xi32>
    %select_n3A_662 = arith.select %eq3A_642, %add3A_655, %add3A_661 : vector<16xi1>, vector<16xi32>
    %swap3A_663 = arith.constant 3 : i32
    %swap3A_664 = arith.index_cast %swap3A_663 : i32 to index
    %swap3A_665 = arith.constant 0 : index
    %swap3A_666 = tpu.vector_load %arg10[%swap3A_664, %swap3A_665] {strides = array<i32>} : memref<8x16xi32, #tpu.memory_space<vmem>>, vector<16xi32>,
    tpu.vector_store %arg10[%swap3A_664, %swap3A_665], %select_n3A_662 {strides = array<i32>} : memref<8x16xi32, #tpu.memory_space<vmem>>, vector<16xi32>,
    %reduce_sum3A_667 = arith.constant true
    %reduce_sum3A_668 = vector.broadcast %reduce_sum3A_667 : i1 to vector<16xi1>
    %reduce_sum3A_669 = tpu.scan <sum>, %convert_element_type3A_644 masked %reduce_sum3A_668 : vector<16xi32>, vector<16xi1> -> vector<16xi32>
    %reduce_sum3A_670 = vector.extract %reduce_sum3A_669[15] : i32 from vector<16xi32>
    %add3A_671 = arith.addi %add3A_628, %reduce_sum3A_670 : i32
    %reduce_sum3A_672 = arith.constant true
    %reduce_sum3A_673 = vector.broadcast %reduce_sum3A_672 : i1 to vector<16xi1>
    %reduce_sum3A_674 = tpu.scan <sum>, %convert_element_type3A_645 masked %reduce_sum3A_673 : vector<16xi32>, vector<16xi1> -> vector<16xi32>
    %reduce_sum3A_675 = vector.extract %reduce_sum3A_674[15] : i32 from vector<16xi32>
    %add3A_676 = arith.addi %add3A_633, %reduce_sum3A_675 : i32
    %mul3A_677 = arith.constant 8 : i32
    %mul3A_678 = arith.muli %add3A, %mul3A_677 : i32
    %add3A_679 = arith.constant 4 : i32
    %add3A_680 = arith.addi %mul3A_678, %add3A_679 : i32
    %mul3A_681 = arith.constant 16 : i32
    %mul3A_682 = arith.muli %add3A_680, %mul3A_681 : i32
    %get3A_683 = arith.index_cast %mul3A_682 : i32 to index
    %get3A_684 = tpu.vector_load %arg7[%get3A_683] {strides = array<i32>} : memref<4096xi32, #tpu.memory_space<vmem>>, vector<16xi32>,
    %eq3A_685 = arith.cmpi eq, %get3A_684, %get3A_204 : vector<16xi32>
    %eq3A_686 = arith.cmpi eq, %get3A_684, %get3A_206 : vector<16xi32>
    %convert_element_type3A_687 = arith.extui %eq3A_685 : vector<16xi1> to vector<16xi32>
    %convert_element_type3A_688 = arith.extui %eq3A_686 : vector<16xi1> to vector<16xi32>
    %broadcast_in_dim3A_689 = arith.constant true
    %broadcast_in_dim3A_690 = vector.broadcast %broadcast_in_dim3A_689 : i1 to vector<16xi1>
    %masked_cumsum3A_691 = tpu.scan <sum>, %convert_element_type3A_687 masked %broadcast_in_dim3A_690 : vector<16xi32>, vector<16xi1> -> vector<16xi32>
    %broadcast_in_dim3A_692 = arith.constant true
    %broadcast_in_dim3A_693 = vector.broadcast %broadcast_in_dim3A_692 : i1 to vector<16xi1>
    %masked_cumsum3A_694 = tpu.scan <sum>, %convert_element_type3A_688 masked %broadcast_in_dim3A_693 : vector<16xi32>, vector<16xi1> -> vector<16xi32>
    %sub3A_695 = arith.constant 1 : i32
    %sub3A_696 = arith.subi %add3A_671, %sub3A_695 : i32
    %broadcast_in_dim3A_697 = vector.broadcast %sub3A_696 : i32 to vector<16xi32>
    %add3A_698 = arith.addi %masked_cumsum3A_691, %broadcast_in_dim3A_697 : vector<16xi32>
    %add3A_699 = arith.constant 4096 : i32
    %add3A_700 = arith.addi %add3A_699, %add3A_676 : i32
    %sub3A_701 = arith.constant 1 : i32
    %sub3A_702 = arith.subi %add3A_700, %sub3A_701 : i32
    %broadcast_in_dim3A_703 = vector.broadcast %sub3A_702 : i32 to vector<16xi32>
    %add3A_704 = arith.addi %masked_cumsum3A_694, %broadcast_in_dim3A_703 : vector<16xi32>
    %select_n3A_705 = arith.select %eq3A_685, %add3A_698, %add3A_704 : vector<16xi1>, vector<16xi32>
    %swap3A_706 = arith.constant 4 : i32
    %swap3A_707 = arith.index_cast %swap3A_706 : i32 to index
    %swap3A_708 = arith.constant 0 : index
    %swap3A_709 = tpu.vector_load %arg10[%swap3A_707, %swap3A_708] {strides = array<i32>} : memref<8x16xi32, #tpu.memory_space<vmem>>, vector<16xi32>,
    tpu.vector_store %arg10[%swap3A_707, %swap3A_708], %select_n3A_705 {strides = array<i32>} : memref<8x16xi32, #tpu.memory_space<vmem>>, vector<16xi32>,
    %reduce_sum3A_710 = arith.constant true
    %reduce_sum3A_711 = vector.broadcast %reduce_sum3A_710 : i1 to vector<16xi1>
    %reduce_sum3A_712 = tpu.scan <sum>, %convert_element_type3A_687 masked %reduce_sum3A_711 : vector<16xi32>, vector<16xi1> -> vector<16xi32>
    %reduce_sum3A_713 = vector.extract %reduce_sum3A_712[15] : i32 from vector<16xi32>
    %add3A_714 = arith.addi %add3A_671, %reduce_sum3A_713 : i32
    %reduce_sum3A_715 = arith.constant true
    %reduce_sum3A_716 = vector.broadcast %reduce_sum3A_715 : i1 to vector<16xi1>
    %reduce_sum3A_717 = tpu.scan <sum>, %convert_element_type3A_688 masked %reduce_sum3A_716 : vector<16xi32>, vector<16xi1> -> vector<16xi32>
    %reduce_sum3A_718 = vector.extract %reduce_sum3A_717[15] : i32 from vector<16xi32>
    %add3A_719 = arith.addi %add3A_676, %reduce_sum3A_718 : i32
    %mul3A_720 = arith.constant 8 : i32
    %mul3A_721 = arith.muli %add3A, %mul3A_720 : i32
    %add3A_722 = arith.constant 5 : i32
    %add3A_723 = arith.addi %mul3A_721, %add3A_722 : i32
    %mul3A_724 = arith.constant 16 : i32
    %mul3A_725 = arith.muli %add3A_723, %mul3A_724 : i32
    %get3A_726 = arith.index_cast %mul3A_725 : i32 to index
    %get3A_727 = tpu.vector_load %arg7[%get3A_726] {strides = array<i32>} : memref<4096xi32, #tpu.memory_space<vmem>>, vector<16xi32>,
    %eq3A_728 = arith.cmpi eq, %get3A_727, %get3A_204 : vector<16xi32>
    %eq3A_729 = arith.cmpi eq, %get3A_727, %get3A_206 : vector<16xi32>
    %convert_element_type3A_730 = arith.extui %eq3A_728 : vector<16xi1> to vector<16xi32>
    %convert_element_type3A_731 = arith.extui %eq3A_729 : vector<16xi1> to vector<16xi32>
    %broadcast_in_dim3A_732 = arith.constant true
    %broadcast_in_dim3A_733 = vector.broadcast %broadcast_in_dim3A_732 : i1 to vector<16xi1>
    %masked_cumsum3A_734 = tpu.scan <sum>, %convert_element_type3A_730 masked %broadcast_in_dim3A_733 : vector<16xi32>, vector<16xi1> -> vector<16xi32>
    %broadcast_in_dim3A_735 = arith.constant true
    %broadcast_in_dim3A_736 = vector.broadcast %broadcast_in_dim3A_735 : i1 to vector<16xi1>
    %masked_cumsum3A_737 = tpu.scan <sum>, %convert_element_type3A_731 masked %broadcast_in_dim3A_736 : vector<16xi32>, vector<16xi1> -> vector<16xi32>
    %sub3A_738 = arith.constant 1 : i32
    %sub3A_739 = arith.subi %add3A_714, %sub3A_738 : i32
    %broadcast_in_dim3A_740 = vector.broadcast %sub3A_739 : i32 to vector<16xi32>
    %add3A_741 = arith.addi %masked_cumsum3A_734, %broadcast_in_dim3A_740 : vector<16xi32>
    %add3A_742 = arith.constant 4096 : i32
    %add3A_743 = arith.addi %add3A_742, %add3A_719 : i32
    %sub3A_744 = arith.constant 1 : i32
    %sub3A_745 = arith.subi %add3A_743, %sub3A_744 : i32
    %broadcast_in_dim3A_746 = vector.broadcast %sub3A_745 : i32 to vector<16xi32>
    %add3A_747 = arith.addi %masked_cumsum3A_737, %broadcast_in_dim3A_746 : vector<16xi32>
    %select_n3A_748 = arith.select %eq3A_728, %add3A_741, %add3A_747 : vector<16xi1>, vector<16xi32>
    %swap3A_749 = arith.constant 5 : i32
    %swap3A_750 = arith.index_cast %swap3A_749 : i32 to index
    %swap3A_751 = arith.constant 0 : index
    %swap3A_752 = tpu.vector_load %arg10[%swap3A_750, %swap3A_751] {strides = array<i32>} : memref<8x16xi32, #tpu.memory_space<vmem>>, vector<16xi32>,
    tpu.vector_store %arg10[%swap3A_750, %swap3A_751], %select_n3A_748 {strides = array<i32>} : memref<8x16xi32, #tpu.memory_space<vmem>>, vector<16xi32>,
    %reduce_sum3A_753 = arith.constant true
    %reduce_sum3A_754 = vector.broadcast %reduce_sum3A_753 : i1 to vector<16xi1>
    %reduce_sum3A_755 = tpu.scan <sum>, %convert_element_type3A_730 masked %reduce_sum3A_754 : vector<16xi32>, vector<16xi1> -> vector<16xi32>
    %reduce_sum3A_756 = vector.extract %reduce_sum3A_755[15] : i32 from vector<16xi32>
    %add3A_757 = arith.addi %add3A_714, %reduce_sum3A_756 : i32
    %reduce_sum3A_758 = arith.constant true
    %reduce_sum3A_759 = vector.broadcast %reduce_sum3A_758 : i1 to vector<16xi1>
    %reduce_sum3A_760 = tpu.scan <sum>, %convert_element_type3A_731 masked %reduce_sum3A_759 : vector<16xi32>, vector<16xi1> -> vector<16xi32>
    %reduce_sum3A_761 = vector.extract %reduce_sum3A_760[15] : i32 from vector<16xi32>
    %add3A_762 = arith.addi %add3A_719, %reduce_sum3A_761 : i32
    %mul3A_763 = arith.constant 8 : i32
    %mul3A_764 = arith.muli %add3A, %mul3A_763 : i32
    %add3A_765 = arith.constant 6 : i32
    %add3A_766 = arith.addi %mul3A_764, %add3A_765 : i32
    %mul3A_767 = arith.constant 16 : i32
    %mul3A_768 = arith.muli %add3A_766, %mul3A_767 : i32
    %get3A_769 = arith.index_cast %mul3A_768 : i32 to index
    %get3A_770 = tpu.vector_load %arg7[%get3A_769] {strides = array<i32>} : memref<4096xi32, #tpu.memory_space<vmem>>, vector<16xi32>,
    %eq3A_771 = arith.cmpi eq, %get3A_770, %get3A_204 : vector<16xi32>
    %eq3A_772 = arith.cmpi eq, %get3A_770, %get3A_206 : vector<16xi32>
    %convert_element_type3A_773 = arith.extui %eq3A_771 : vector<16xi1> to vector<16xi32>
    %convert_element_type3A_774 = arith.extui %eq3A_772 : vector<16xi1> to vector<16xi32>
    %broadcast_in_dim3A_775 = arith.constant true
    %broadcast_in_dim3A_776 = vector.broadcast %broadcast_in_dim3A_775 : i1 to vector<16xi1>
    %masked_cumsum3A_777 = tpu.scan <sum>, %convert_element_type3A_773 masked %broadcast_in_dim3A_776 : vector<16xi32>, vector<16xi1> -> vector<16xi32>
    %broadcast_in_dim3A_778 = arith.constant true
    %broadcast_in_dim3A_779 = vector.broadcast %broadcast_in_dim3A_778 : i1 to vector<16xi1>
    %masked_cumsum3A_780 = tpu.scan <sum>, %convert_element_type3A_774 masked %broadcast_in_dim3A_779 : vector<16xi32>, vector<16xi1> -> vector<16xi32>
    %sub3A_781 = arith.constant 1 : i32
    %sub3A_782 = arith.subi %add3A_757, %sub3A_781 : i32
    %broadcast_in_dim3A_783 = vector.broadcast %sub3A_782 : i32 to vector<16xi32>
    %add3A_784 = arith.addi %masked_cumsum3A_777, %broadcast_in_dim3A_783 : vector<16xi32>
    %add3A_785 = arith.constant 4096 : i32
    %add3A_786 = arith.addi %add3A_785, %add3A_762 : i32
    %sub3A_787 = arith.constant 1 : i32
    %sub3A_788 = arith.subi %add3A_786, %sub3A_787 : i32
    %broadcast_in_dim3A_789 = vector.broadcast %sub3A_788 : i32 to vector<16xi32>
    %add3A_790 = arith.addi %masked_cumsum3A_780, %broadcast_in_dim3A_789 : vector<16xi32>
    %select_n3A_791 = arith.select %eq3A_771, %add3A_784, %add3A_790 : vector<16xi1>, vector<16xi32>
    %swap3A_792 = arith.constant 6 : i32
    %swap3A_793 = arith.index_cast %swap3A_792 : i32 to index
    %swap3A_794 = arith.constant 0 : index
    %swap3A_795 = tpu.vector_load %arg10[%swap3A_793, %swap3A_794] {strides = array<i32>} : memref<8x16xi32, #tpu.memory_space<vmem>>, vector<16xi32>,
    tpu.vector_store %arg10[%swap3A_793, %swap3A_794], %select_n3A_791 {strides = array<i32>} : memref<8x16xi32, #tpu.memory_space<vmem>>, vector<16xi32>,
    %reduce_sum3A_796 = arith.constant true
    %reduce_sum3A_797 = vector.broadcast %reduce_sum3A_796 : i1 to vector<16xi1>
    %reduce_sum3A_798 = tpu.scan <sum>, %convert_element_type3A_773 masked %reduce_sum3A_797 : vector<16xi32>, vector<16xi1> -> vector<16xi32>
    %reduce_sum3A_799 = vector.extract %reduce_sum3A_798[15] : i32 from vector<16xi32>
    %add3A_800 = arith.addi %add3A_757, %reduce_sum3A_799 : i32
    %reduce_sum3A_801 = arith.constant true
    %reduce_sum3A_802 = vector.broadcast %reduce_sum3A_801 : i1 to vector<16xi1>
    %reduce_sum3A_803 = tpu.scan <sum>, %convert_element_type3A_774 masked %reduce_sum3A_802 : vector<16xi32>, vector<16xi1> -> vector<16xi32>
    %reduce_sum3A_804 = vector.extract %reduce_sum3A_803[15] : i32 from vector<16xi32>
    %add3A_805 = arith.addi %add3A_762, %reduce_sum3A_804 : i32
    %mul3A_806 = arith.constant 8 : i32
    %mul3A_807 = arith.muli %add3A, %mul3A_806 : i32
    %add3A_808 = arith.constant 7 : i32
    %add3A_809 = arith.addi %mul3A_807, %add3A_808 : i32
    %mul3A_810 = arith.constant 16 : i32
    %mul3A_811 = arith.muli %add3A_809, %mul3A_810 : i32
    %get3A_812 = arith.index_cast %mul3A_811 : i32 to index
    %get3A_813 = tpu.vector_load %arg7[%get3A_812] {strides = array<i32>} : memref<4096xi32, #tpu.memory_space<vmem>>, vector<16xi32>,
    %eq3A_814 = arith.cmpi eq, %get3A_813, %get3A_204 : vector<16xi32>
    %eq3A_815 = arith.cmpi eq, %get3A_813, %get3A_206 : vector<16xi32>
    %convert_element_type3A_816 = arith.extui %eq3A_814 : vector<16xi1> to vector<16xi32>
    %convert_element_type3A_817 = arith.extui %eq3A_815 : vector<16xi1> to vector<16xi32>
    %broadcast_in_dim3A_818 = arith.constant true
    %broadcast_in_dim3A_819 = vector.broadcast %broadcast_in_dim3A_818 : i1 to vector<16xi1>
    %masked_cumsum3A_820 = tpu.scan <sum>, %convert_element_type3A_816 masked %broadcast_in_dim3A_819 : vector<16xi32>, vector<16xi1> -> vector<16xi32>
    %broadcast_in_dim3A_821 = arith.constant true
    %broadcast_in_dim3A_822 = vector.broadcast %broadcast_in_dim3A_821 : i1 to vector<16xi1>
    %masked_cumsum3A_823 = tpu.scan <sum>, %convert_element_type3A_817 masked %broadcast_in_dim3A_822 : vector<16xi32>, vector<16xi1> -> vector<16xi32>
    %sub3A_824 = arith.constant 1 : i32
    %sub3A_825 = arith.subi %add3A_800, %sub3A_824 : i32
    %broadcast_in_dim3A_826 = vector.broadcast %sub3A_825 : i32 to vector<16xi32>
    %add3A_827 = arith.addi %masked_cumsum3A_820, %broadcast_in_dim3A_826 : vector<16xi32>
    %add3A_828 = arith.constant 4096 : i32
    %add3A_829 = arith.addi %add3A_828, %add3A_805 : i32
    %sub3A_830 = arith.constant 1 : i32
    %sub3A_831 = arith.subi %add3A_829, %sub3A_830 : i32
    %broadcast_in_dim3A_832 = vector.broadcast %sub3A_831 : i32 to vector<16xi32>
    %add3A_833 = arith.addi %masked_cumsum3A_823, %broadcast_in_dim3A_832 : vector<16xi32>
    %select_n3A_834 = arith.select %eq3A_814, %add3A_827, %add3A_833 : vector<16xi1>, vector<16xi32>
    %swap3A_835 = arith.constant 7 : i32
    %swap3A_836 = arith.index_cast %swap3A_835 : i32 to index
    %swap3A_837 = arith.constant 0 : index
    %swap3A_838 = tpu.vector_load %arg10[%swap3A_836, %swap3A_837] {strides = array<i32>} : memref<8x16xi32, #tpu.memory_space<vmem>>, vector<16xi32>,
    tpu.vector_store %arg10[%swap3A_836, %swap3A_837], %select_n3A_834 {strides = array<i32>} : memref<8x16xi32, #tpu.memory_space<vmem>>, vector<16xi32>,
    %reduce_sum3A_839 = arith.constant true
    %reduce_sum3A_840 = vector.broadcast %reduce_sum3A_839 : i1 to vector<16xi1>
    %reduce_sum3A_841 = tpu.scan <sum>, %convert_element_type3A_816 masked %reduce_sum3A_840 : vector<16xi32>, vector<16xi1> -> vector<16xi32>
    %reduce_sum3A_842 = vector.extract %reduce_sum3A_841[15] : i32 from vector<16xi32>
    %add3A_843 = arith.addi %add3A_800, %reduce_sum3A_842 : i32
    %reduce_sum3A_844 = arith.constant true
    %reduce_sum3A_845 = vector.broadcast %reduce_sum3A_844 : i1 to vector<16xi1>
    %reduce_sum3A_846 = tpu.scan <sum>, %convert_element_type3A_817 masked %reduce_sum3A_845 : vector<16xi32>, vector<16xi1> -> vector<16xi32>
    %reduce_sum3A_847 = vector.extract %reduce_sum3A_846[15] : i32 from vector<16xi32>
    %add3A_848 = arith.addi %add3A_805, %reduce_sum3A_847 : i32
    %add3A_849 = arith.constant 0 : i32
    %add3A_850 = arith.addi %mul3A_2, %add3A_849 : i32
    %dma_wait3A = arith.constant 0 : i32
    %dma_wait3A_851 = arith.constant 0 : i32
    %dma_wait3A_852 = arith.constant 0 : i32
    %dma_wait3A_853 = tpu.memref_slice %arg11[%dma_wait3A, %dma_wait3A_851, %dma_wait3A_852] : memref<6x16x1024xf32, #tpu.memory_space<vmem>> -> memref<1x16x1024xf32, #tpu.memory_space<vmem>>
    %dma_wait3A_854 = tpu.memref_squeeze %dma_wait3A_853 : memref<1x16x1024xf32, #tpu.memory_space<vmem>> -> memref<16x1024xf32, #tpu.memory_space<vmem>>
    %dma_wait3A_855 = arith.constant 0 : i32
    %dma_wait3A_856 = tpu.memref_slice %arg2[%add3A_850, %dma_wait3A_855] : memref<4096x1024xf32, #tpu.memory_space<hbm>> -> memref<16x1024xf32, #tpu.memory_space<hbm>>
    %dma_wait3A_857 = arith.constant 0 : i32
    %dma_wait3A_858 = arith.constant 0 : i32
    %dma_wait3A_859 = tpu.memref_slice %arg11[%dma_wait3A, %dma_wait3A_857, %dma_wait3A_858] : memref<6x16x1024xf32, #tpu.memory_space<vmem>> -> memref<1x16x1024xf32, #tpu.memory_space<vmem>>
    %dma_wait3A_860 = tpu.memref_squeeze %dma_wait3A_859 : memref<1x16x1024xf32, #tpu.memory_space<vmem>> -> memref<16x1024xf32, #tpu.memory_space<vmem>>
    %dma_wait3A_861 = arith.constant 0 : i32
    %dma_wait3A_862 = tpu.memref_slice %arg2[%add3A_850, %dma_wait3A_861] : memref<4096x1024xf32, #tpu.memory_space<hbm>> -> memref<16x1024xf32, #tpu.memory_space<hbm>>
    tpu.wait_dma2 semaphore(%arg13 : memref<!tpu.dma_semaphore, #tpu.memory_space<semaphore_mem>>) src(%dma_wait3A_862 : memref<16x1024xf32, #tpu.memory_space<hbm>>) dst(%dma_wait3A_860 : memref<16x1024xf32, #tpu.memory_space<vmem>>)
    %dma_start3A_863 = arith.constant 0 : i32
    %dma_start3A_864 = arith.constant 0 : i32
    %dma_start3A_865 = arith.constant 0 : i32
    %dma_start3A_866 = arith.constant 0 : i32
    %dma_start3A_867 = tpu.memref_slice %arg11[%dma_start3A_863, %dma_start3A_865, %dma_start3A_866] : memref<6x16x1024xf32, #tpu.memory_space<vmem>> -> memref<1x16x1024xf32, #tpu.memory_space<vmem>>
    %dma_start3A_868 = tpu.memref_squeeze %dma_start3A_867 : memref<1x16x1024xf32, #tpu.memory_space<vmem>> -> memref<16x1024xf32, #tpu.memory_space<vmem>>
    %dma_start3A_869 = arith.constant 0 : i32
    %dma_start3A_870 = tpu.memref_slice %arg10[%dma_start3A_864, %dma_start3A_869] : memref<8x16xi32, #tpu.memory_space<vmem>> -> memref<1x16xi32, #tpu.memory_space<vmem>>
    %dma_start3A_871 = tpu.memref_squeeze %dma_start3A_870 : memref<1x16xi32, #tpu.memory_space<vmem>> -> memref<16xi32, #tpu.memory_space<vmem>>
    %dma_start3A_872 = arith.constant 0 : i32
    %dma_start3A_873 = arith.constant 0 : i32
    %dma_start3A_874 = tpu.memref_slice %arg6[%dma_start3A_872, %dma_start3A_873] : memref<8192x1024xf32, #tpu.memory_space<hbm>> -> memref<8192x1024xf32, #tpu.memory_space<hbm>>
    tpu.enqueue_indirect_dma source(%dma_start3A_868 : memref<16x1024xf32, #tpu.memory_space<vmem>>) target(%dma_start3A_874 : memref<8192x1024xf32, #tpu.memory_space<hbm>>) offsets(%dma_start3A_871 : memref<16xi32, #tpu.memory_space<vmem>>) semaphore(%arg19 : memref<!tpu.dma_semaphore, #tpu.memory_space<semaphore_mem>>)
    %dma_wait3A_875 = arith.constant 0 : i32
    %dma_wait3A_876 = arith.constant 0 : i32
    %dma_wait3A_877 = arith.constant 0 : i32
    %dma_wait3A_878 = tpu.memref_slice %arg11[%dma_wait3A_875, %dma_wait3A_876, %dma_wait3A_877] : memref<6x16x1024xf32, #tpu.memory_space<vmem>> -> memref<1x16x1024xf32, #tpu.memory_space<vmem>>
    %dma_wait3A_879 = tpu.memref_squeeze %dma_wait3A_878 : memref<1x16x1024xf32, #tpu.memory_space<vmem>> -> memref<16x1024xf32, #tpu.memory_space<vmem>>
    %dma_wait3A_880 = arith.constant 0 : i32
    %dma_wait3A_881 = arith.constant 0 : i32
    %dma_wait3A_882 = tpu.memref_slice %arg6[%dma_wait3A_880, %dma_wait3A_881] : memref<8192x1024xf32, #tpu.memory_space<hbm>> -> memref<16x1024xf32, #tpu.memory_space<hbm>>
    %dma_wait3A_883 = arith.constant 0 : i32
    %dma_wait3A_884 = arith.constant 0 : i32
    %dma_wait3A_885 = tpu.memref_slice %arg6[%dma_wait3A_883, %dma_wait3A_884] : memref<8192x1024xf32, #tpu.memory_space<hbm>> -> memref<16x1024xf32, #tpu.memory_space<hbm>>
    %dma_wait3A_886 = arith.constant 0 : i32
    %dma_wait3A_887 = arith.constant 0 : i32
    %dma_wait3A_888 = tpu.memref_slice %arg11[%dma_wait3A_875, %dma_wait3A_886, %dma_wait3A_887] : memref<6x16x1024xf32, #tpu.memory_space<vmem>> -> memref<1x16x1024xf32, #tpu.memory_space<vmem>>
    %dma_wait3A_889 = tpu.memref_squeeze %dma_wait3A_888 : memref<1x16x1024xf32, #tpu.memory_space<vmem>> -> memref<16x1024xf32, #tpu.memory_space<vmem>>
    tpu.wait_dma2 semaphore(%arg19 : memref<!tpu.dma_semaphore, #tpu.memory_space<semaphore_mem>>) src(%dma_wait3A_889 : memref<16x1024xf32, #tpu.memory_space<vmem>>) dst(%dma_wait3A_885 : memref<16x1024xf32, #tpu.memory_space<hbm>>)
    %add3A_890 = arith.constant 96 : i32
    %add3A_891 = arith.addi %mul3A_2, %add3A_890 : i32
    %dma_start3A_892 = arith.constant 0 : i32
    %dma_start3A_893 = arith.constant 0 : i32
    %dma_start3A_894 = arith.constant 0 : i32
    %dma_start3A_895 = tpu.memref_slice %arg11[%dma_start3A_892, %dma_start3A_893, %dma_start3A_894] : memref<6x16x1024xf32, #tpu.memory_space<vmem>> -> memref<1x16x1024xf32, #tpu.memory_space<vmem>>
    %dma_start3A_896 = tpu.memref_squeeze %dma_start3A_895 : memref<1x16x1024xf32, #tpu.memory_space<vmem>> -> memref<16x1024xf32, #tpu.memory_space<vmem>>
    %dma_start3A_897 = arith.constant 0 : i32
    %dma_start3A_898 = tpu.memref_slice %arg2[%add3A_891, %dma_start3A_897] : memref<4096x1024xf32, #tpu.memory_space<hbm>> -> memref<16x1024xf32, #tpu.memory_space<hbm>>
    %dma_start3A_899 = arith.constant 0 : i32
    %dma_start3A_900 = arith.constant 0 : i32
    %dma_start3A_901 = tpu.memref_slice %arg11[%dma_start3A_892, %dma_start3A_899, %dma_start3A_900] : memref<6x16x1024xf32, #tpu.memory_space<vmem>> -> memref<1x16x1024xf32, #tpu.memory_space<vmem>>
    %dma_start3A_902 = tpu.memref_squeeze %dma_start3A_901 : memref<1x16x1024xf32, #tpu.memory_space<vmem>> -> memref<16x1024xf32, #tpu.memory_space<vmem>>
    %dma_start3A_903 = arith.constant 0 : i32
    %dma_start3A_904 = tpu.memref_slice %arg2[%add3A_891, %dma_start3A_903] : memref<4096x1024xf32, #tpu.memory_space<hbm>> -> memref<16x1024xf32, #tpu.memory_space<hbm>>
    tpu.enqueue_dma source(%dma_start3A_904 : memref<16x1024xf32, #tpu.memory_space<hbm>>) target(%dma_start3A_902 : memref<16x1024xf32, #tpu.memory_space<vmem>>) target_semaphore(%arg13 : memref<!tpu.dma_semaphore, #tpu.memory_space<semaphore_mem>>)
    %add3A_905 = arith.constant 16 : i32
    %add3A_906 = arith.addi %mul3A_2, %add3A_905 : i32
    %dma_wait3A_907 = arith.constant 1 : i32
    %dma_wait3A_908 = arith.constant 0 : i32
    %dma_wait3A_909 = arith.constant 0 : i32
    %dma_wait3A_910 = tpu.memref_slice %arg11[%dma_wait3A_907, %dma_wait3A_908, %dma_wait3A_909] : memref<6x16x1024xf32, #tpu.memory_space<vmem>> -> memref<1x16x1024xf32, #tpu.memory_space<vmem>>
    %dma_wait3A_911 = tpu.memref_squeeze %dma_wait3A_910 : memref<1x16x1024xf32, #tpu.memory_space<vmem>> -> memref<16x1024xf32, #tpu.memory_space<vmem>>
    %dma_wait3A_912 = arith.constant 0 : i32
    %dma_wait3A_913 = tpu.memref_slice %arg2[%add3A_906, %dma_wait3A_912] : memref<4096x1024xf32, #tpu.memory_space<hbm>> -> memref<16x1024xf32, #tpu.memory_space<hbm>>
    %dma_wait3A_914 = arith.constant 0 : i32
    %dma_wait3A_915 = arith.constant 0 : i32
    %dma_wait3A_916 = tpu.memref_slice %arg11[%dma_wait3A_907, %dma_wait3A_914, %dma_wait3A_915] : memref<6x16x1024xf32, #tpu.memory_space<vmem>> -> memref<1x16x1024xf32, #tpu.memory_space<vmem>>
    %dma_wait3A_917 = tpu.memref_squeeze %dma_wait3A_916 : memref<1x16x1024xf32, #tpu.memory_space<vmem>> -> memref<16x1024xf32, #tpu.memory_space<vmem>>
    %dma_wait3A_918 = arith.constant 0 : i32
    %dma_wait3A_919 = tpu.memref_slice %arg2[%add3A_906, %dma_wait3A_918] : memref<4096x1024xf32, #tpu.memory_space<hbm>> -> memref<16x1024xf32, #tpu.memory_space<hbm>>
    tpu.wait_dma2 semaphore(%arg14 : memref<!tpu.dma_semaphore, #tpu.memory_space<semaphore_mem>>) src(%dma_wait3A_919 : memref<16x1024xf32, #tpu.memory_space<hbm>>) dst(%dma_wait3A_917 : memref<16x1024xf32, #tpu.memory_space<vmem>>)
    %dma_start3A_920 = arith.constant 1 : i32
    %dma_start3A_921 = arith.constant 1 : i32
    %dma_start3A_922 = arith.constant 0 : i32
    %dma_start3A_923 = arith.constant 0 : i32
    %dma_start3A_924 = tpu.memref_slice %arg11[%dma_start3A_920, %dma_start3A_922, %dma_start3A_923] : memref<6x16x1024xf32, #tpu.memory_space<vmem>> -> memref<1x16x1024xf32, #tpu.memory_space<vmem>>
    %dma_start3A_925 = tpu.memref_squeeze %dma_start3A_924 : memref<1x16x1024xf32, #tpu.memory_space<vmem>> -> memref<16x1024xf32, #tpu.memory_space<vmem>>
    %dma_start3A_926 = arith.constant 0 : i32
    %dma_start3A_927 = tpu.memref_slice %arg10[%dma_start3A_921, %dma_start3A_926] : memref<8x16xi32, #tpu.memory_space<vmem>> -> memref<1x16xi32, #tpu.memory_space<vmem>>
    %dma_start3A_928 = tpu.memref_squeeze %dma_start3A_927 : memref<1x16xi32, #tpu.memory_space<vmem>> -> memref<16xi32, #tpu.memory_space<vmem>>
    %dma_start3A_929 = arith.constant 0 : i32
    %dma_start3A_930 = arith.constant 0 : i32
    %dma_start3A_931 = tpu.memref_slice %arg6[%dma_start3A_929, %dma_start3A_930] : memref<8192x1024xf32, #tpu.memory_space<hbm>> -> memref<8192x1024xf32, #tpu.memory_space<hbm>>
    tpu.enqueue_indirect_dma source(%dma_start3A_925 : memref<16x1024xf32, #tpu.memory_space<vmem>>) target(%dma_start3A_931 : memref<8192x1024xf32, #tpu.memory_space<hbm>>) offsets(%dma_start3A_928 : memref<16xi32, #tpu.memory_space<vmem>>) semaphore(%arg20 : memref<!tpu.dma_semaphore, #tpu.memory_space<semaphore_mem>>)
    %dma_wait3A_932 = arith.constant 1 : i32
    %dma_wait3A_933 = arith.constant 0 : i32
    %dma_wait3A_934 = arith.constant 0 : i32
    %dma_wait3A_935 = tpu.memref_slice %arg11[%dma_wait3A_932, %dma_wait3A_933, %dma_wait3A_934] : memref<6x16x1024xf32, #tpu.memory_space<vmem>> -> memref<1x16x1024xf32, #tpu.memory_space<vmem>>
    %dma_wait3A_936 = tpu.memref_squeeze %dma_wait3A_935 : memref<1x16x1024xf32, #tpu.memory_space<vmem>> -> memref<16x1024xf32, #tpu.memory_space<vmem>>
    %dma_wait3A_937 = arith.constant 0 : i32
    %dma_wait3A_938 = arith.constant 0 : i32
    %dma_wait3A_939 = tpu.memref_slice %arg6[%dma_wait3A_937, %dma_wait3A_938] : memref<8192x1024xf32, #tpu.memory_space<hbm>> -> memref<16x1024xf32, #tpu.memory_space<hbm>>
    %dma_wait3A_940 = arith.constant 0 : i32
    %dma_wait3A_941 = arith.constant 0 : i32
    %dma_wait3A_942 = tpu.memref_slice %arg6[%dma_wait3A_940, %dma_wait3A_941] : memref<8192x1024xf32, #tpu.memory_space<hbm>> -> memref<16x1024xf32, #tpu.memory_space<hbm>>
    %dma_wait3A_943 = arith.constant 0 : i32
    %dma_wait3A_944 = arith.constant 0 : i32
    %dma_wait3A_945 = tpu.memref_slice %arg11[%dma_wait3A_932, %dma_wait3A_943, %dma_wait3A_944] : memref<6x16x1024xf32, #tpu.memory_space<vmem>> -> memref<1x16x1024xf32, #tpu.memory_space<vmem>>
    %dma_wait3A_946 = tpu.memref_squeeze %dma_wait3A_945 : memref<1x16x1024xf32, #tpu.memory_space<vmem>> -> memref<16x1024xf32, #tpu.memory_space<vmem>>
    tpu.wait_dma2 semaphore(%arg20 : memref<!tpu.dma_semaphore, #tpu.memory_space<semaphore_mem>>) src(%dma_wait3A_946 : memref<16x1024xf32, #tpu.memory_space<vmem>>) dst(%dma_wait3A_942 : memref<16x1024xf32, #tpu.memory_space<hbm>>)
    %add3A_947 = arith.constant 112 : i32
    %add3A_948 = arith.addi %mul3A_2, %add3A_947 : i32
    %dma_start3A_949 = arith.constant 1 : i32
    %dma_start3A_950 = arith.constant 0 : i32
    %dma_start3A_951 = arith.constant 0 : i32
    %dma_start3A_952 = tpu.memref_slice %arg11[%dma_start3A_949, %dma_start3A_950, %dma_start3A_951] : memref<6x16x1024xf32, #tpu.memory_space<vmem>> -> memref<1x16x1024xf32, #tpu.memory_space<vmem>>
    %dma_start3A_953 = tpu.memref_squeeze %dma_start3A_952 : memref<1x16x1024xf32, #tpu.memory_space<vmem>> -> memref<16x1024xf32, #tpu.memory_space<vmem>>
    %dma_start3A_954 = arith.constant 0 : i32
    %dma_start3A_955 = tpu.memref_slice %arg2[%add3A_948, %dma_start3A_954] : memref<4096x1024xf32, #tpu.memory_space<hbm>> -> memref<16x1024xf32, #tpu.memory_space<hbm>>
    %dma_start3A_956 = arith.constant 0 : i32
    %dma_start3A_957 = arith.constant 0 : i32
    %dma_start3A_958 = tpu.memref_slice %arg11[%dma_start3A_949, %dma_start3A_956, %dma_start3A_957] : memref<6x16x1024xf32, #tpu.memory_space<vmem>> -> memref<1x16x1024xf32, #tpu.memory_space<vmem>>
    %dma_start3A_959 = tpu.memref_squeeze %dma_start3A_958 : memref<1x16x1024xf32, #tpu.memory_space<vmem>> -> memref<16x1024xf32, #tpu.memory_space<vmem>>
    %dma_start3A_960 = arith.constant 0 : i32
    %dma_start3A_961 = tpu.memref_slice %arg2[%add3A_948, %dma_start3A_960] : memref<4096x1024xf32, #tpu.memory_space<hbm>> -> memref<16x1024xf32, #tpu.memory_space<hbm>>
    tpu.enqueue_dma source(%dma_start3A_961 : memref<16x1024xf32, #tpu.memory_space<hbm>>) target(%dma_start3A_959 : memref<16x1024xf32, #tpu.memory_space<vmem>>) target_semaphore(%arg14 : memref<!tpu.dma_semaphore, #tpu.memory_space<semaphore_mem>>)
    %add3A_962 = arith.constant 32 : i32
    %add3A_963 = arith.addi %mul3A_2, %add3A_962 : i32
    %dma_wait3A_964 = arith.constant 2 : i32
    %dma_wait3A_965 = arith.constant 0 : i32
    %dma_wait3A_966 = arith.constant 0 : i32
    %dma_wait3A_967 = tpu.memref_slice %arg11[%dma_wait3A_964, %dma_wait3A_965, %dma_wait3A_966] : memref<6x16x1024xf32, #tpu.memory_space<vmem>> -> memref<1x16x1024xf32, #tpu.memory_space<vmem>>
    %dma_wait3A_968 = tpu.memref_squeeze %dma_wait3A_967 : memref<1x16x1024xf32, #tpu.memory_space<vmem>> -> memref<16x1024xf32, #tpu.memory_space<vmem>>
    %dma_wait3A_969 = arith.constant 0 : i32
    %dma_wait3A_970 = tpu.memref_slice %arg2[%add3A_963, %dma_wait3A_969] : memref<4096x1024xf32, #tpu.memory_space<hbm>> -> memref<16x1024xf32, #tpu.memory_space<hbm>>
    %dma_wait3A_971 = arith.constant 0 : i32
    %dma_wait3A_972 = arith.constant 0 : i32
    %dma_wait3A_973 = tpu.memref_slice %arg11[%dma_wait3A_964, %dma_wait3A_971, %dma_wait3A_972] : memref<6x16x1024xf32, #tpu.memory_space<vmem>> -> memref<1x16x1024xf32, #tpu.memory_space<vmem>>
    %dma_wait3A_974 = tpu.memref_squeeze %dma_wait3A_973 : memref<1x16x1024xf32, #tpu.memory_space<vmem>> -> memref<16x1024xf32, #tpu.memory_space<vmem>>
    %dma_wait3A_975 = arith.constant 0 : i32
    %dma_wait3A_976 = tpu.memref_slice %arg2[%add3A_963, %dma_wait3A_975] : memref<4096x1024xf32, #tpu.memory_space<hbm>> -> memref<16x1024xf32, #tpu.memory_space<hbm>>
    tpu.wait_dma2 semaphore(%arg15 : memref<!tpu.dma_semaphore, #tpu.memory_space<semaphore_mem>>) src(%dma_wait3A_976 : memref<16x1024xf32, #tpu.memory_space<hbm>>) dst(%dma_wait3A_974 : memref<16x1024xf32, #tpu.memory_space<vmem>>)
    %dma_start3A_977 = arith.constant 2 : i32
    %dma_start3A_978 = arith.constant 2 : i32
    %dma_start3A_979 = arith.constant 0 : i32
    %dma_start3A_980 = arith.constant 0 : i32
    %dma_start3A_981 = tpu.memref_slice %arg11[%dma_start3A_977, %dma_start3A_979, %dma_start3A_980] : memref<6x16x1024xf32, #tpu.memory_space<vmem>> -> memref<1x16x1024xf32, #tpu.memory_space<vmem>>
    %dma_start3A_982 = tpu.memref_squeeze %dma_start3A_981 : memref<1x16x1024xf32, #tpu.memory_space<vmem>> -> memref<16x1024xf32, #tpu.memory_space<vmem>>
    %dma_start3A_983 = arith.constant 0 : i32
    %dma_start3A_984 = tpu.memref_slice %arg10[%dma_start3A_978, %dma_start3A_983] : memref<8x16xi32, #tpu.memory_space<vmem>> -> memref<1x16xi32, #tpu.memory_space<vmem>>
    %dma_start3A_985 = tpu.memref_squeeze %dma_start3A_984 : memref<1x16xi32, #tpu.memory_space<vmem>> -> memref<16xi32, #tpu.memory_space<vmem>>
    %dma_start3A_986 = arith.constant 0 : i32
    %dma_start3A_987 = arith.constant 0 : i32
    %dma_start3A_988 = tpu.memref_slice %arg6[%dma_start3A_986, %dma_start3A_987] : memref<8192x1024xf32, #tpu.memory_space<hbm>> -> memref<8192x1024xf32, #tpu.memory_space<hbm>>
    tpu.enqueue_indirect_dma source(%dma_start3A_982 : memref<16x1024xf32, #tpu.memory_space<vmem>>) target(%dma_start3A_988 : memref<8192x1024xf32, #tpu.memory_space<hbm>>) offsets(%dma_start3A_985 : memref<16xi32, #tpu.memory_space<vmem>>) semaphore(%arg21 : memref<!tpu.dma_semaphore, #tpu.memory_space<semaphore_mem>>)
    %add3A_989 = arith.constant 48 : i32
    %add3A_990 = arith.addi %mul3A_2, %add3A_989 : i32
    %dma_wait3A_991 = arith.constant 3 : i32
    %dma_wait3A_992 = arith.constant 0 : i32
    %dma_wait3A_993 = arith.constant 0 : i32
    %dma_wait3A_994 = tpu.memref_slice %arg11[%dma_wait3A_991, %dma_wait3A_992, %dma_wait3A_993] : memref<6x16x1024xf32, #tpu.memory_space<vmem>> -> memref<1x16x1024xf32, #tpu.memory_space<vmem>>
    %dma_wait3A_995 = tpu.memref_squeeze %dma_wait3A_994 : memref<1x16x1024xf32, #tpu.memory_space<vmem>> -> memref<16x1024xf32, #tpu.memory_space<vmem>>
    %dma_wait3A_996 = arith.constant 0 : i32
    %dma_wait3A_997 = tpu.memref_slice %arg2[%add3A_990, %dma_wait3A_996] : memref<4096x1024xf32, #tpu.memory_space<hbm>> -> memref<16x1024xf32, #tpu.memory_space<hbm>>
    %dma_wait3A_998 = arith.constant 0 : i32
    %dma_wait3A_999 = arith.constant 0 : i32
    %dma_wait3A_1000 = tpu.memref_slice %arg11[%dma_wait3A_991, %dma_wait3A_998, %dma_wait3A_999] : memref<6x16x1024xf32, #tpu.memory_space<vmem>> -> memref<1x16x1024xf32, #tpu.memory_space<vmem>>
    %dma_wait3A_1001 = tpu.memref_squeeze %dma_wait3A_1000 : memref<1x16x1024xf32, #tpu.memory_space<vmem>> -> memref<16x1024xf32, #tpu.memory_space<vmem>>
    %dma_wait3A_1002 = arith.constant 0 : i32
    %dma_wait3A_1003 = tpu.memref_slice %arg2[%add3A_990, %dma_wait3A_1002] : memref<4096x1024xf32, #tpu.memory_space<hbm>> -> memref<16x1024xf32, #tpu.memory_space<hbm>>
    tpu.wait_dma2 semaphore(%arg16 : memref<!tpu.dma_semaphore, #tpu.memory_space<semaphore_mem>>) src(%dma_wait3A_1003 : memref<16x1024xf32, #tpu.memory_space<hbm>>) dst(%dma_wait3A_1001 : memref<16x1024xf32, #tpu.memory_space<vmem>>)
    %dma_start3A_1004 = arith.constant 3 : i32
    %dma_start3A_1005 = arith.constant 3 : i32
    %dma_start3A_1006 = arith.constant 0 : i32
    %dma_start3A_1007 = arith.constant 0 : i32
    %dma_start3A_1008 = tpu.memref_slice %arg11[%dma_start3A_1004, %dma_start3A_1006, %dma_start3A_1007] : memref<6x16x1024xf32, #tpu.memory_space<vmem>> -> memref<1x16x1024xf32, #tpu.memory_space<vmem>>
    %dma_start3A_1009 = tpu.memref_squeeze %dma_start3A_1008 : memref<1x16x1024xf32, #tpu.memory_space<vmem>> -> memref<16x1024xf32, #tpu.memory_space<vmem>>
    %dma_start3A_1010 = arith.constant 0 : i32
    %dma_start3A_1011 = tpu.memref_slice %arg10[%dma_start3A_1005, %dma_start3A_1010] : memref<8x16xi32, #tpu.memory_space<vmem>> -> memref<1x16xi32, #tpu.memory_space<vmem>>
    %dma_start3A_1012 = tpu.memref_squeeze %dma_start3A_1011 : memref<1x16xi32, #tpu.memory_space<vmem>> -> memref<16xi32, #tpu.memory_space<vmem>>
    %dma_start3A_1013 = arith.constant 0 : i32
    %dma_start3A_1014 = arith.constant 0 : i32
    %dma_start3A_1015 = tpu.memref_slice %arg6[%dma_start3A_1013, %dma_start3A_1014] : memref<8192x1024xf32, #tpu.memory_space<hbm>> -> memref<8192x1024xf32, #tpu.memory_space<hbm>>
    tpu.enqueue_indirect_dma source(%dma_start3A_1009 : memref<16x1024xf32, #tpu.memory_space<vmem>>) target(%dma_start3A_1015 : memref<8192x1024xf32, #tpu.memory_space<hbm>>) offsets(%dma_start3A_1012 : memref<16xi32, #tpu.memory_space<vmem>>) semaphore(%arg22 : memref<!tpu.dma_semaphore, #tpu.memory_space<semaphore_mem>>)
    %add3A_1016 = arith.constant 64 : i32
    %add3A_1017 = arith.addi %mul3A_2, %add3A_1016 : i32
    %dma_wait3A_1018 = arith.constant 4 : i32
    %dma_wait3A_1019 = arith.constant 0 : i32
    %dma_wait3A_1020 = arith.constant 0 : i32
    %dma_wait3A_1021 = tpu.memref_slice %arg11[%dma_wait3A_1018, %dma_wait3A_1019, %dma_wait3A_1020] : memref<6x16x1024xf32, #tpu.memory_space<vmem>> -> memref<1x16x1024xf32, #tpu.memory_space<vmem>>
    %dma_wait3A_1022 = tpu.memref_squeeze %dma_wait3A_1021 : memref<1x16x1024xf32, #tpu.memory_space<vmem>> -> memref<16x1024xf32, #tpu.memory_space<vmem>>
    %dma_wait3A_1023 = arith.constant 0 : i32
    %dma_wait3A_1024 = tpu.memref_slice %arg2[%add3A_1017, %dma_wait3A_1023] : memref<4096x1024xf32, #tpu.memory_space<hbm>> -> memref<16x1024xf32, #tpu.memory_space<hbm>>
    %dma_wait3A_1025 = arith.constant 0 : i32
    %dma_wait3A_1026 = arith.constant 0 : i32
    %dma_wait3A_1027 = tpu.memref_slice %arg11[%dma_wait3A_1018, %dma_wait3A_1025, %dma_wait3A_1026] : memref<6x16x1024xf32, #tpu.memory_space<vmem>> -> memref<1x16x1024xf32, #tpu.memory_space<vmem>>
    %dma_wait3A_1028 = tpu.memref_squeeze %dma_wait3A_1027 : memref<1x16x1024xf32, #tpu.memory_space<vmem>> -> memref<16x1024xf32, #tpu.memory_space<vmem>>
    %dma_wait3A_1029 = arith.constant 0 : i32
    %dma_wait3A_1030 = tpu.memref_slice %arg2[%add3A_1017, %dma_wait3A_1029] : memref<4096x1024xf32, #tpu.memory_space<hbm>> -> memref<16x1024xf32, #tpu.memory_space<hbm>>
    tpu.wait_dma2 semaphore(%arg17 : memref<!tpu.dma_semaphore, #tpu.memory_space<semaphore_mem>>) src(%dma_wait3A_1030 : memref<16x1024xf32, #tpu.memory_space<hbm>>) dst(%dma_wait3A_1028 : memref<16x1024xf32, #tpu.memory_space<vmem>>)
    %dma_start3A_1031 = arith.constant 4 : i32
    %dma_start3A_1032 = arith.constant 4 : i32
    %dma_start3A_1033 = arith.constant 0 : i32
    %dma_start3A_1034 = arith.constant 0 : i32
    %dma_start3A_1035 = tpu.memref_slice %arg11[%dma_start3A_1031, %dma_start3A_1033, %dma_start3A_1034] : memref<6x16x1024xf32, #tpu.memory_space<vmem>> -> memref<1x16x1024xf32, #tpu.memory_space<vmem>>
    %dma_start3A_1036 = tpu.memref_squeeze %dma_start3A_1035 : memref<1x16x1024xf32, #tpu.memory_space<vmem>> -> memref<16x1024xf32, #tpu.memory_space<vmem>>
    %dma_start3A_1037 = arith.constant 0 : i32
    %dma_start3A_1038 = tpu.memref_slice %arg10[%dma_start3A_1032, %dma_start3A_1037] : memref<8x16xi32, #tpu.memory_space<vmem>> -> memref<1x16xi32, #tpu.memory_space<vmem>>
    %dma_start3A_1039 = tpu.memref_squeeze %dma_start3A_1038 : memref<1x16xi32, #tpu.memory_space<vmem>> -> memref<16xi32, #tpu.memory_space<vmem>>
    %dma_start3A_1040 = arith.constant 0 : i32
    %dma_start3A_1041 = arith.constant 0 : i32
    %dma_start3A_1042 = tpu.memref_slice %arg6[%dma_start3A_1040, %dma_start3A_1041] : memref<8192x1024xf32, #tpu.memory_space<hbm>> -> memref<8192x1024xf32, #tpu.memory_space<hbm>>
    tpu.enqueue_indirect_dma source(%dma_start3A_1036 : memref<16x1024xf32, #tpu.memory_space<vmem>>) target(%dma_start3A_1042 : memref<8192x1024xf32, #tpu.memory_space<hbm>>) offsets(%dma_start3A_1039 : memref<16xi32, #tpu.memory_space<vmem>>) semaphore(%arg23 : memref<!tpu.dma_semaphore, #tpu.memory_space<semaphore_mem>>)
    %add3A_1043 = arith.constant 80 : i32
    %add3A_1044 = arith.addi %mul3A_2, %add3A_1043 : i32
    %dma_wait3A_1045 = arith.constant 5 : i32
    %dma_wait3A_1046 = arith.constant 0 : i32
    %dma_wait3A_1047 = arith.constant 0 : i32
    %dma_wait3A_1048 = tpu.memref_slice %arg11[%dma_wait3A_1045, %dma_wait3A_1046, %dma_wait3A_1047] : memref<6x16x1024xf32, #tpu.memory_space<vmem>> -> memref<1x16x1024xf32, #tpu.memory_space<vmem>>
    %dma_wait3A_1049 = tpu.memref_squeeze %dma_wait3A_1048 : memref<1x16x1024xf32, #tpu.memory_space<vmem>> -> memref<16x1024xf32, #tpu.memory_space<vmem>>
    %dma_wait3A_1050 = arith.constant 0 : i32
    %dma_wait3A_1051 = tpu.memref_slice %arg2[%add3A_1044, %dma_wait3A_1050] : memref<4096x1024xf32, #tpu.memory_space<hbm>> -> memref<16x1024xf32, #tpu.memory_space<hbm>>
    %dma_wait3A_1052 = arith.constant 0 : i32
    %dma_wait3A_1053 = arith.constant 0 : i32
    %dma_wait3A_1054 = tpu.memref_slice %arg11[%dma_wait3A_1045, %dma_wait3A_1052, %dma_wait3A_1053] : memref<6x16x1024xf32, #tpu.memory_space<vmem>> -> memref<1x16x1024xf32, #tpu.memory_space<vmem>>
    %dma_wait3A_1055 = tpu.memref_squeeze %dma_wait3A_1054 : memref<1x16x1024xf32, #tpu.memory_space<vmem>> -> memref<16x1024xf32, #tpu.memory_space<vmem>>
    %dma_wait3A_1056 = arith.constant 0 : i32
    %dma_wait3A_1057 = tpu.memref_slice %arg2[%add3A_1044, %dma_wait3A_1056] : memref<4096x1024xf32, #tpu.memory_space<hbm>> -> memref<16x1024xf32, #tpu.memory_space<hbm>>
    tpu.wait_dma2 semaphore(%arg18 : memref<!tpu.dma_semaphore, #tpu.memory_space<semaphore_mem>>) src(%dma_wait3A_1057 : memref<16x1024xf32, #tpu.memory_space<hbm>>) dst(%dma_wait3A_1055 : memref<16x1024xf32, #tpu.memory_space<vmem>>)
    %dma_start3A_1058 = arith.constant 5 : i32
    %dma_start3A_1059 = arith.constant 5 : i32
    %dma_start3A_1060 = arith.constant 0 : i32
    %dma_start3A_1061 = arith.constant 0 : i32
    %dma_start3A_1062 = tpu.memref_slice %arg11[%dma_start3A_1058, %dma_start3A_1060, %dma_start3A_1061] : memref<6x16x1024xf32, #tpu.memory_space<vmem>> -> memref<1x16x1024xf32, #tpu.memory_space<vmem>>
    %dma_start3A_1063 = tpu.memref_squeeze %dma_start3A_1062 : memref<1x16x1024xf32, #tpu.memory_space<vmem>> -> memref<16x1024xf32, #tpu.memory_space<vmem>>
    %dma_start3A_1064 = arith.constant 0 : i32
    %dma_start3A_1065 = tpu.memref_slice %arg10[%dma_start3A_1059, %dma_start3A_1064] : memref<8x16xi32, #tpu.memory_space<vmem>> -> memref<1x16xi32, #tpu.memory_space<vmem>>
    %dma_start3A_1066 = tpu.memref_squeeze %dma_start3A_1065 : memref<1x16xi32, #tpu.memory_space<vmem>> -> memref<16xi32, #tpu.memory_space<vmem>>
    %dma_start3A_1067 = arith.constant 0 : i32
    %dma_start3A_1068 = arith.constant 0 : i32
    %dma_start3A_1069 = tpu.memref_slice %arg6[%dma_start3A_1067, %dma_start3A_1068] : memref<8192x1024xf32, #tpu.memory_space<hbm>> -> memref<8192x1024xf32, #tpu.memory_space<hbm>>
    tpu.enqueue_indirect_dma source(%dma_start3A_1063 : memref<16x1024xf32, #tpu.memory_space<vmem>>) target(%dma_start3A_1069 : memref<8192x1024xf32, #tpu.memory_space<hbm>>) offsets(%dma_start3A_1066 : memref<16xi32, #tpu.memory_space<vmem>>) semaphore(%arg24 : memref<!tpu.dma_semaphore, #tpu.memory_space<semaphore_mem>>)
    %add3A_1070 = arith.constant 96 : i32
    %add3A_1071 = arith.addi %mul3A_2, %add3A_1070 : i32
    %dma_wait3A_1072 = arith.constant 0 : i32
    %dma_wait3A_1073 = arith.constant 0 : i32
    %dma_wait3A_1074 = arith.constant 0 : i32
    %dma_wait3A_1075 = tpu.memref_slice %arg11[%dma_wait3A_1072, %dma_wait3A_1073, %dma_wait3A_1074] : memref<6x16x1024xf32, #tpu.memory_space<vmem>> -> memref<1x16x1024xf32, #tpu.memory_space<vmem>>
    %dma_wait3A_1076 = tpu.memref_squeeze %dma_wait3A_1075 : memref<1x16x1024xf32, #tpu.memory_space<vmem>> -> memref<16x1024xf32, #tpu.memory_space<vmem>>
    %dma_wait3A_1077 = arith.constant 0 : i32
    %dma_wait3A_1078 = tpu.memref_slice %arg2[%add3A_1071, %dma_wait3A_1077] : memref<4096x1024xf32, #tpu.memory_space<hbm>> -> memref<16x1024xf32, #tpu.memory_space<hbm>>
    %dma_wait3A_1079 = arith.constant 0 : i32
    %dma_wait3A_1080 = arith.constant 0 : i32
    %dma_wait3A_1081 = tpu.memref_slice %arg11[%dma_wait3A_1072, %dma_wait3A_1079, %dma_wait3A_1080] : memref<6x16x1024xf32, #tpu.memory_space<vmem>> -> memref<1x16x1024xf32, #tpu.memory_space<vmem>>
    %dma_wait3A_1082 = tpu.memref_squeeze %dma_wait3A_1081 : memref<1x16x1024xf32, #tpu.memory_space<vmem>> -> memref<16x1024xf32, #tpu.memory_space<vmem>>
    %dma_wait3A_1083 = arith.constant 0 : i32
    %dma_wait3A_1084 = tpu.memref_slice %arg2[%add3A_1071, %dma_wait3A_1083] : memref<4096x1024xf32, #tpu.memory_space<hbm>> -> memref<16x1024xf32, #tpu.memory_space<hbm>>
    tpu.wait_dma2 semaphore(%arg13 : memref<!tpu.dma_semaphore, #tpu.memory_space<semaphore_mem>>) src(%dma_wait3A_1084 : memref<16x1024xf32, #tpu.memory_space<hbm>>) dst(%dma_wait3A_1082 : memref<16x1024xf32, #tpu.memory_space<vmem>>)
    %dma_start3A_1085 = arith.constant 0 : i32
    %dma_start3A_1086 = arith.constant 6 : i32
    %dma_start3A_1087 = arith.constant 0 : i32
    %dma_start3A_1088 = arith.constant 0 : i32
    %dma_start3A_1089 = tpu.memref_slice %arg11[%dma_start3A_1085, %dma_start3A_1087, %dma_start3A_1088] : memref<6x16x1024xf32, #tpu.memory_space<vmem>> -> memref<1x16x1024xf32, #tpu.memory_space<vmem>>
    %dma_start3A_1090 = tpu.memref_squeeze %dma_start3A_1089 : memref<1x16x1024xf32, #tpu.memory_space<vmem>> -> memref<16x1024xf32, #tpu.memory_space<vmem>>
    %dma_start3A_1091 = arith.constant 0 : i32
    %dma_start3A_1092 = tpu.memref_slice %arg10[%dma_start3A_1086, %dma_start3A_1091] : memref<8x16xi32, #tpu.memory_space<vmem>> -> memref<1x16xi32, #tpu.memory_space<vmem>>
    %dma_start3A_1093 = tpu.memref_squeeze %dma_start3A_1092 : memref<1x16xi32, #tpu.memory_space<vmem>> -> memref<16xi32, #tpu.memory_space<vmem>>
    %dma_start3A_1094 = arith.constant 0 : i32
    %dma_start3A_1095 = arith.constant 0 : i32
    %dma_start3A_1096 = tpu.memref_slice %arg6[%dma_start3A_1094, %dma_start3A_1095] : memref<8192x1024xf32, #tpu.memory_space<hbm>> -> memref<8192x1024xf32, #tpu.memory_space<hbm>>
    tpu.enqueue_indirect_dma source(%dma_start3A_1090 : memref<16x1024xf32, #tpu.memory_space<vmem>>) target(%dma_start3A_1096 : memref<8192x1024xf32, #tpu.memory_space<hbm>>) offsets(%dma_start3A_1093 : memref<16xi32, #tpu.memory_space<vmem>>) semaphore(%arg19 : memref<!tpu.dma_semaphore, #tpu.memory_space<semaphore_mem>>)
    %add3A_1097 = arith.constant 112 : i32
    %add3A_1098 = arith.addi %mul3A_2, %add3A_1097 : i32
    %dma_wait3A_1099 = arith.constant 1 : i32
    %dma_wait3A_1100 = arith.constant 0 : i32
    %dma_wait3A_1101 = arith.constant 0 : i32
    %dma_wait3A_1102 = tpu.memref_slice %arg11[%dma_wait3A_1099, %dma_wait3A_1100, %dma_wait3A_1101] : memref<6x16x1024xf32, #tpu.memory_space<vmem>> -> memref<1x16x1024xf32, #tpu.memory_space<vmem>>
    %dma_wait3A_1103 = tpu.memref_squeeze %dma_wait3A_1102 : memref<1x16x1024xf32, #tpu.memory_space<vmem>> -> memref<16x1024xf32, #tpu.memory_space<vmem>>
    %dma_wait3A_1104 = arith.constant 0 : i32
    %dma_wait3A_1105 = tpu.memref_slice %arg2[%add3A_1098, %dma_wait3A_1104] : memref<4096x1024xf32, #tpu.memory_space<hbm>> -> memref<16x1024xf32, #tpu.memory_space<hbm>>
    %dma_wait3A_1106 = arith.constant 0 : i32
    %dma_wait3A_1107 = arith.constant 0 : i32
    %dma_wait3A_1108 = tpu.memref_slice %arg11[%dma_wait3A_1099, %dma_wait3A_1106, %dma_wait3A_1107] : memref<6x16x1024xf32, #tpu.memory_space<vmem>> -> memref<1x16x1024xf32, #tpu.memory_space<vmem>>
    %dma_wait3A_1109 = tpu.memref_squeeze %dma_wait3A_1108 : memref<1x16x1024xf32, #tpu.memory_space<vmem>> -> memref<16x1024xf32, #tpu.memory_space<vmem>>
    %dma_wait3A_1110 = arith.constant 0 : i32
    %dma_wait3A_1111 = tpu.memref_slice %arg2[%add3A_1098, %dma_wait3A_1110] : memref<4096x1024xf32, #tpu.memory_space<hbm>> -> memref<16x1024xf32, #tpu.memory_space<hbm>>
    tpu.wait_dma2 semaphore(%arg14 : memref<!tpu.dma_semaphore, #tpu.memory_space<semaphore_mem>>) src(%dma_wait3A_1111 : memref<16x1024xf32, #tpu.memory_space<hbm>>) dst(%dma_wait3A_1109 : memref<16x1024xf32, #tpu.memory_space<vmem>>)
    %dma_start3A_1112 = arith.constant 1 : i32
    %dma_start3A_1113 = arith.constant 7 : i32
    %dma_start3A_1114 = arith.constant 0 : i32
    %dma_start3A_1115 = arith.constant 0 : i32
    %dma_start3A_1116 = tpu.memref_slice %arg11[%dma_start3A_1112, %dma_start3A_1114, %dma_start3A_1115] : memref<6x16x1024xf32, #tpu.memory_space<vmem>> -> memref<1x16x1024xf32, #tpu.memory_space<vmem>>
    %dma_start3A_1117 = tpu.memref_squeeze %dma_start3A_1116 : memref<1x16x1024xf32, #tpu.memory_space<vmem>> -> memref<16x1024xf32, #tpu.memory_space<vmem>>
    %dma_start3A_1118 = arith.constant 0 : i32
    %dma_start3A_1119 = tpu.memref_slice %arg10[%dma_start3A_1113, %dma_start3A_1118] : memref<8x16xi32, #tpu.memory_space<vmem>> -> memref<1x16xi32, #tpu.memory_space<vmem>>
    %dma_start3A_1120 = tpu.memref_squeeze %dma_start3A_1119 : memref<1x16xi32, #tpu.memory_space<vmem>> -> memref<16xi32, #tpu.memory_space<vmem>>
    %dma_start3A_1121 = arith.constant 0 : i32
    %dma_start3A_1122 = arith.constant 0 : i32
    %dma_start3A_1123 = tpu.memref_slice %arg6[%dma_start3A_1121, %dma_start3A_1122] : memref<8192x1024xf32, #tpu.memory_space<hbm>> -> memref<8192x1024xf32, #tpu.memory_space<hbm>>
    tpu.enqueue_indirect_dma source(%dma_start3A_1117 : memref<16x1024xf32, #tpu.memory_space<vmem>>) target(%dma_start3A_1123 : memref<8192x1024xf32, #tpu.memory_space<hbm>>) offsets(%dma_start3A_1120 : memref<16xi32, #tpu.memory_space<vmem>>) semaphore(%arg20 : memref<!tpu.dma_semaphore, #tpu.memory_space<semaphore_mem>>)
    %dma_wait3A_1124 = arith.constant 2 : i32
    %dma_wait3A_1125 = arith.constant 0 : i32
    %dma_wait3A_1126 = arith.constant 0 : i32
    %dma_wait3A_1127 = tpu.memref_slice %arg11[%dma_wait3A_1124, %dma_wait3A_1125, %dma_wait3A_1126] : memref<6x16x1024xf32, #tpu.memory_space<vmem>> -> memref<1x16x1024xf32, #tpu.memory_space<vmem>>
    %dma_wait3A_1128 = tpu.memref_squeeze %dma_wait3A_1127 : memref<1x16x1024xf32, #tpu.memory_space<vmem>> -> memref<16x1024xf32, #tpu.memory_space<vmem>>
    %dma_wait3A_1129 = arith.constant 0 : i32
    %dma_wait3A_1130 = arith.constant 0 : i32
    %dma_wait3A_1131 = tpu.memref_slice %arg6[%dma_wait3A_1129, %dma_wait3A_1130] : memref<8192x1024xf32, #tpu.memory_space<hbm>> -> memref<16x1024xf32, #tpu.memory_space<hbm>>
    %dma_wait3A_1132 = arith.constant 0 : i32
    %dma_wait3A_1133 = arith.constant 0 : i32
    %dma_wait3A_1134 = tpu.memref_slice %arg6[%dma_wait3A_1132, %dma_wait3A_1133] : memref<8192x1024xf32, #tpu.memory_space<hbm>> -> memref<16x1024xf32, #tpu.memory_space<hbm>>
    %dma_wait3A_1135 = arith.constant 0 : i32
    %dma_wait3A_1136 = arith.constant 0 : i32
    %dma_wait3A_1137 = tpu.memref_slice %arg11[%dma_wait3A_1124, %dma_wait3A_1135, %dma_wait3A_1136] : memref<6x16x1024xf32, #tpu.memory_space<vmem>> -> memref<1x16x1024xf32, #tpu.memory_space<vmem>>
    %dma_wait3A_1138 = tpu.memref_squeeze %dma_wait3A_1137 : memref<1x16x1024xf32, #tpu.memory_space<vmem>> -> memref<16x1024xf32, #tpu.memory_space<vmem>>
    tpu.wait_dma2 semaphore(%arg21 : memref<!tpu.dma_semaphore, #tpu.memory_space<semaphore_mem>>) src(%dma_wait3A_1138 : memref<16x1024xf32, #tpu.memory_space<vmem>>) dst(%dma_wait3A_1134 : memref<16x1024xf32, #tpu.memory_space<hbm>>)
    %dma_wait3A_1139 = arith.constant 3 : i32
    %dma_wait3A_1140 = arith.constant 0 : i32
    %dma_wait3A_1141 = arith.constant 0 : i32
    %dma_wait3A_1142 = tpu.memref_slice %arg11[%dma_wait3A_1139, %dma_wait3A_1140, %dma_wait3A_1141] : memref<6x16x1024xf32, #tpu.memory_space<vmem>> -> memref<1x16x1024xf32, #tpu.memory_space<vmem>>
    %dma_wait3A_1143 = tpu.memref_squeeze %dma_wait3A_1142 : memref<1x16x1024xf32, #tpu.memory_space<vmem>> -> memref<16x1024xf32, #tpu.memory_space<vmem>>
    %dma_wait3A_1144 = arith.constant 0 : i32
    %dma_wait3A_1145 = arith.constant 0 : i32
    %dma_wait3A_1146 = tpu.memref_slice %arg6[%dma_wait3A_1144, %dma_wait3A_1145] : memref<8192x1024xf32, #tpu.memory_space<hbm>> -> memref<16x1024xf32, #tpu.memory_space<hbm>>
    %dma_wait3A_1147 = arith.constant 0 : i32
    %dma_wait3A_1148 = arith.constant 0 : i32
    %dma_wait3A_1149 = tpu.memref_slice %arg6[%dma_wait3A_1147, %dma_wait3A_1148] : memref<8192x1024xf32, #tpu.memory_space<hbm>> -> memref<16x1024xf32, #tpu.memory_space<hbm>>
    %dma_wait3A_1150 = arith.constant 0 : i32
    %dma_wait3A_1151 = arith.constant 0 : i32
    %dma_wait3A_1152 = tpu.memref_slice %arg11[%dma_wait3A_1139, %dma_wait3A_1150, %dma_wait3A_1151] : memref<6x16x1024xf32, #tpu.memory_space<vmem>> -> memref<1x16x1024xf32, #tpu.memory_space<vmem>>
    %dma_wait3A_1153 = tpu.memref_squeeze %dma_wait3A_1152 : memref<1x16x1024xf32, #tpu.memory_space<vmem>> -> memref<16x1024xf32, #tpu.memory_space<vmem>>
    tpu.wait_dma2 semaphore(%arg22 : memref<!tpu.dma_semaphore, #tpu.memory_space<semaphore_mem>>) src(%dma_wait3A_1153 : memref<16x1024xf32, #tpu.memory_space<vmem>>) dst(%dma_wait3A_1149 : memref<16x1024xf32, #tpu.memory_space<hbm>>)
    %dma_wait3A_1154 = arith.constant 4 : i32
    %dma_wait3A_1155 = arith.constant 0 : i32
    %dma_wait3A_1156 = arith.constant 0 : i32
    %dma_wait3A_1157 = tpu.memref_slice %arg11[%dma_wait3A_1154, %dma_wait3A_1155, %dma_wait3A_1156] : memref<6x16x1024xf32, #tpu.memory_space<vmem>> -> memref<1x16x1024xf32, #tpu.memory_space<vmem>>
    %dma_wait3A_1158 = tpu.memref_squeeze %dma_wait3A_1157 : memref<1x16x1024xf32, #tpu.memory_space<vmem>> -> memref<16x1024xf32, #tpu.memory_space<vmem>>
    %dma_wait3A_1159 = arith.constant 0 : i32
    %dma_wait3A_1160 = arith.constant 0 : i32
    %dma_wait3A_1161 = tpu.memref_slice %arg6[%dma_wait3A_1159, %dma_wait3A_1160] : memref<8192x1024xf32, #tpu.memory_space<hbm>> -> memref<16x1024xf32, #tpu.memory_space<hbm>>
    %dma_wait3A_1162 = arith.constant 0 : i32
    %dma_wait3A_1163 = arith.constant 0 : i32
    %dma_wait3A_1164 = tpu.memref_slice %arg6[%dma_wait3A_1162, %dma_wait3A_1163] : memref<8192x1024xf32, #tpu.memory_space<hbm>> -> memref<16x1024xf32, #tpu.memory_space<hbm>>
    %dma_wait3A_1165 = arith.constant 0 : i32
    %dma_wait3A_1166 = arith.constant 0 : i32
    %dma_wait3A_1167 = tpu.memref_slice %arg11[%dma_wait3A_1154, %dma_wait3A_1165, %dma_wait3A_1166] : memref<6x16x1024xf32, #tpu.memory_space<vmem>> -> memref<1x16x1024xf32, #tpu.memory_space<vmem>>
    %dma_wait3A_1168 = tpu.memref_squeeze %dma_wait3A_1167 : memref<1x16x1024xf32, #tpu.memory_space<vmem>> -> memref<16x1024xf32, #tpu.memory_space<vmem>>
    tpu.wait_dma2 semaphore(%arg23 : memref<!tpu.dma_semaphore, #tpu.memory_space<semaphore_mem>>) src(%dma_wait3A_1168 : memref<16x1024xf32, #tpu.memory_space<vmem>>) dst(%dma_wait3A_1164 : memref<16x1024xf32, #tpu.memory_space<hbm>>)
    %dma_wait3A_1169 = arith.constant 5 : i32
    %dma_wait3A_1170 = arith.constant 0 : i32
    %dma_wait3A_1171 = arith.constant 0 : i32
    %dma_wait3A_1172 = tpu.memref_slice %arg11[%dma_wait3A_1169, %dma_wait3A_1170, %dma_wait3A_1171] : memref<6x16x1024xf32, #tpu.memory_space<vmem>> -> memref<1x16x1024xf32, #tpu.memory_space<vmem>>
    %dma_wait3A_1173 = tpu.memref_squeeze %dma_wait3A_1172 : memref<1x16x1024xf32, #tpu.memory_space<vmem>> -> memref<16x1024xf32, #tpu.memory_space<vmem>>
    %dma_wait3A_1174 = arith.constant 0 : i32
    %dma_wait3A_1175 = arith.constant 0 : i32
    %dma_wait3A_1176 = tpu.memref_slice %arg6[%dma_wait3A_1174, %dma_wait3A_1175] : memref<8192x1024xf32, #tpu.memory_space<hbm>> -> memref<16x1024xf32, #tpu.memory_space<hbm>>
    %dma_wait3A_1177 = arith.constant 0 : i32
    %dma_wait3A_1178 = arith.constant 0 : i32
    %dma_wait3A_1179 = tpu.memref_slice %arg6[%dma_wait3A_1177, %dma_wait3A_1178] : memref<8192x1024xf32, #tpu.memory_space<hbm>> -> memref<16x1024xf32, #tpu.memory_space<hbm>>
    %dma_wait3A_1180 = arith.constant 0 : i32
    %dma_wait3A_1181 = arith.constant 0 : i32
    %dma_wait3A_1182 = tpu.memref_slice %arg11[%dma_wait3A_1169, %dma_wait3A_1180, %dma_wait3A_1181] : memref<6x16x1024xf32, #tpu.memory_space<vmem>> -> memref<1x16x1024xf32, #tpu.memory_space<vmem>>
    %dma_wait3A_1183 = tpu.memref_squeeze %dma_wait3A_1182 : memref<1x16x1024xf32, #tpu.memory_space<vmem>> -> memref<16x1024xf32, #tpu.memory_space<vmem>>
    tpu.wait_dma2 semaphore(%arg24 : memref<!tpu.dma_semaphore, #tpu.memory_space<semaphore_mem>>) src(%dma_wait3A_1183 : memref<16x1024xf32, #tpu.memory_space<vmem>>) dst(%dma_wait3A_1179 : memref<16x1024xf32, #tpu.memory_space<hbm>>)
    %dma_wait3A_1184 = arith.constant 0 : i32
    %dma_wait3A_1185 = arith.constant 0 : i32
    %dma_wait3A_1186 = arith.constant 0 : i32
    %dma_wait3A_1187 = tpu.memref_slice %arg11[%dma_wait3A_1184, %dma_wait3A_1185, %dma_wait3A_1186] : memref<6x16x1024xf32, #tpu.memory_space<vmem>> -> memref<1x16x1024xf32, #tpu.memory_space<vmem>>
    %dma_wait3A_1188 = tpu.memref_squeeze %dma_wait3A_1187 : memref<1x16x1024xf32, #tpu.memory_space<vmem>> -> memref<16x1024xf32, #tpu.memory_space<vmem>>
    %dma_wait3A_1189 = arith.constant 0 : i32
    %dma_wait3A_1190 = arith.constant 0 : i32
    %dma_wait3A_1191 = tpu.memref_slice %arg6[%dma_wait3A_1189, %dma_wait3A_1190] : memref<8192x1024xf32, #tpu.memory_space<hbm>> -> memref<16x1024xf32, #tpu.memory_space<hbm>>
    %dma_wait3A_1192 = arith.constant 0 : i32
    %dma_wait3A_1193 = arith.constant 0 : i32
    %dma_wait3A_1194 = tpu.memref_slice %arg6[%dma_wait3A_1192, %dma_wait3A_1193] : memref<8192x1024xf32, #tpu.memory_space<hbm>> -> memref<16x1024xf32, #tpu.memory_space<hbm>>
    %dma_wait3A_1195 = arith.constant 0 : i32
    %dma_wait3A_1196 = arith.constant 0 : i32
    %dma_wait3A_1197 = tpu.memref_slice %arg11[%dma_wait3A_1184, %dma_wait3A_1195, %dma_wait3A_1196] : memref<6x16x1024xf32, #tpu.memory_space<vmem>> -> memref<1x16x1024xf32, #tpu.memory_space<vmem>>
    %dma_wait3A_1198 = tpu.memref_squeeze %dma_wait3A_1197 : memref<1x16x1024xf32, #tpu.memory_space<vmem>> -> memref<16x1024xf32, #tpu.memory_space<vmem>>
    tpu.wait_dma2 semaphore(%arg19 : memref<!tpu.dma_semaphore, #tpu.memory_space<semaphore_mem>>) src(%dma_wait3A_1198 : memref<16x1024xf32, #tpu.memory_space<vmem>>) dst(%dma_wait3A_1194 : memref<16x1024xf32, #tpu.memory_space<hbm>>)
    %dma_wait3A_1199 = arith.constant 1 : i32
    %dma_wait3A_1200 = arith.constant 0 : i32
    %dma_wait3A_1201 = arith.constant 0 : i32
    %dma_wait3A_1202 = tpu.memref_slice %arg11[%dma_wait3A_1199, %dma_wait3A_1200, %dma_wait3A_1201] : memref<6x16x1024xf32, #tpu.memory_space<vmem>> -> memref<1x16x1024xf32, #tpu.memory_space<vmem>>
    %dma_wait3A_1203 = tpu.memref_squeeze %dma_wait3A_1202 : memref<1x16x1024xf32, #tpu.memory_space<vmem>> -> memref<16x1024xf32, #tpu.memory_space<vmem>>
    %dma_wait3A_1204 = arith.constant 0 : i32
    %dma_wait3A_1205 = arith.constant 0 : i32
    %dma_wait3A_1206 = tpu.memref_slice %arg6[%dma_wait3A_1204, %dma_wait3A_1205] : memref<8192x1024xf32, #tpu.memory_space<hbm>> -> memref<16x1024xf32, #tpu.memory_space<hbm>>
    %dma_wait3A_1207 = arith.constant 0 : i32
    %dma_wait3A_1208 = arith.constant 0 : i32
    %dma_wait3A_1209 = tpu.memref_slice %arg6[%dma_wait3A_1207, %dma_wait3A_1208] : memref<8192x1024xf32, #tpu.memory_space<hbm>> -> memref<16x1024xf32, #tpu.memory_space<hbm>>
    %dma_wait3A_1210 = arith.constant 0 : i32
    %dma_wait3A_1211 = arith.constant 0 : i32
    %dma_wait3A_1212 = tpu.memref_slice %arg11[%dma_wait3A_1199, %dma_wait3A_1210, %dma_wait3A_1211] : memref<6x16x1024xf32, #tpu.memory_space<vmem>> -> memref<1x16x1024xf32, #tpu.memory_space<vmem>>
    %dma_wait3A_1213 = tpu.memref_squeeze %dma_wait3A_1212 : memref<1x16x1024xf32, #tpu.memory_space<vmem>> -> memref<16x1024xf32, #tpu.memory_space<vmem>>
    tpu.wait_dma2 semaphore(%arg20 : memref<!tpu.dma_semaphore, #tpu.memory_space<semaphore_mem>>) src(%dma_wait3A_1213 : memref<16x1024xf32, #tpu.memory_space<vmem>>) dst(%dma_wait3A_1209 : memref<16x1024xf32, #tpu.memory_space<hbm>>)
    %add3A_1214 = arith.addi %select_n3A_418, %select_n3A_490 : i32
    %while3A_1215 = arith.constant 0 : i32
    %while3A_1216 = arith.constant 0 : i32
    %while3A_1217 = arith.subi %add3A_1214, %while3A_1215 : i32
    %while3A_1218 = arith.addi %while3A_1215, %while3A_1217 : i32
    %while3A_1219 = arith.constant 1 : i32
    %while3A_1220 = arith.divsi %while3A_1217, %while3A_1219 : i32
    %while3A_1221 = arith.muli %while3A_1220, %while3A_1219 : i32
    %while3A_1222 = arith.addi %while3A_1215, %while3A_1221 : i32
    %while3A_1223 = arith.constant 1 : i32
    %while3A_1224 = scf.for %while3A_1235 = %while3A_1215 to %while3A_1222 step %while3A_1223 iter_args(%while3A_1236 = %while3A_1216) -> (i32)  : i32 {
      %dma_wait3A_1237 = arith.constant 0 : i32
      %dma_wait3A_1238 = arith.constant 0 : i32
      %dma_wait3A_1239 = tpu.memref_slice %arg6[%dma_wait3A_1237, %dma_wait3A_1238] : memref<8192x1024xf32, #tpu.memory_space<hbm>> -> memref<16x1024xf32, #tpu.memory_space<hbm>>
      %dma_wait3A_1240 = arith.constant 0 : i32
      %dma_wait3A_1241 = arith.constant 0 : i32
      %dma_wait3A_1242 = tpu.memref_slice %arg6[%dma_wait3A_1240, %dma_wait3A_1241] : memref<8192x1024xf32, #tpu.memory_space<hbm>> -> memref<16x1024xf32, #tpu.memory_space<hbm>>
      tpu.wait_dma2 semaphore(%arg25 : memref<!tpu.dma_semaphore, #tpu.memory_space<semaphore_mem>>) src(%dma_wait3A_1242 : memref<16x1024xf32, #tpu.memory_space<hbm>>) dst(%arg12 : memref<16x1024xf32, #tpu.memory_space<vmem>>)
      %while3A_1243 = arith.constant 0 : i32
      scf.yield %while3A_1243 : i32
    }
    %while3A_1225 = arith.constant 1 : i32
    %while3A_1226 = scf.for %while3A_1235 = %while3A_1222 to %while3A_1218 step %while3A_1225 iter_args(%while3A_1236 = %while3A_1224) -> (i32)  : i32 {
      %dma_wait3A_1237 = arith.constant 0 : i32
      %dma_wait3A_1238 = arith.constant 0 : i32
      %dma_wait3A_1239 = tpu.memref_slice %arg6[%dma_wait3A_1237, %dma_wait3A_1238] : memref<8192x1024xf32, #tpu.memory_space<hbm>> -> memref<16x1024xf32, #tpu.memory_space<hbm>>
      %dma_wait3A_1240 = arith.constant 0 : i32
      %dma_wait3A_1241 = arith.constant 0 : i32
      %dma_wait3A_1242 = tpu.memref_slice %arg6[%dma_wait3A_1240, %dma_wait3A_1241] : memref<8192x1024xf32, #tpu.memory_space<hbm>> -> memref<16x1024xf32, #tpu.memory_space<hbm>>
      tpu.wait_dma2 semaphore(%arg25 : memref<!tpu.dma_semaphore, #tpu.memory_space<semaphore_mem>>) src(%dma_wait3A_1242 : memref<16x1024xf32, #tpu.memory_space<hbm>>) dst(%arg12 : memref<16x1024xf32, #tpu.memory_space<vmem>>)
      %while3A_1243 = arith.constant 0 : i32
      scf.yield %while3A_1243 : i32
    }
    %lt3A_1227 = arith.cmpi slt, %add3A, %sub3A_389 : i32
    %convert_element_type3A_1228 = arith.extui %lt3A_1227 : i1 to i32
    %cond3A_1229 = arith.constant 0 : i32
    %cond3A_1230 = arith.cmpi ne, %convert_element_type3A_1228, %cond3A_1229 : i32
    scf.if %cond3A_1230 {
      %dma_wait3A_1235 = arith.constant 0 : i32
      %dma_wait3A_1236 = arith.constant 0 : i32
      %dma_wait3A_1237 = tpu.memref_slice %arg12[%dma_wait3A_1235, %dma_wait3A_1236] : memref<16x1024xf32, #tpu.memory_space<vmem>> -> memref<1x1024xf32, #tpu.memory_space<vmem>>
      %dma_wait3A_1238 = arith.constant 0 : i32
      %dma_wait3A_1239 = arith.constant 0 : i32
      %dma_wait3A_1240 = tpu.memref_slice %arg6[%dma_wait3A_1238, %dma_wait3A_1239] : memref<8192x1024xf32, #tpu.memory_space<hbm>> -> memref<1x1024xf32, #tpu.memory_space<hbm>>
      %dma_wait3A_1241 = arith.constant 0 : i32
      %dma_wait3A_1242 = arith.constant 0 : i32
      %dma_wait3A_1243 = tpu.memref_slice %arg12[%dma_wait3A_1241, %dma_wait3A_1242] : memref<16x1024xf32, #tpu.memory_space<vmem>> -> memref<1x1024xf32, #tpu.memory_space<vmem>>
      %dma_wait3A_1244 = arith.constant 0 : i32
      %dma_wait3A_1245 = arith.constant 0 : i32
      %dma_wait3A_1246 = tpu.memref_slice %arg6[%dma_wait3A_1244, %dma_wait3A_1245] : memref<8192x1024xf32, #tpu.memory_space<hbm>> -> memref<1x1024xf32, #tpu.memory_space<hbm>>
      tpu.wait_dma2 semaphore(%arg25 : memref<!tpu.dma_semaphore, #tpu.memory_space<semaphore_mem>>) src(%dma_wait3A_1246 : memref<1x1024xf32, #tpu.memory_space<hbm>>) dst(%dma_wait3A_1243 : memref<1x1024xf32, #tpu.memory_space<vmem>>)
    } else {
    }
    %lt3A_1231 = arith.cmpi slt, %add3A, %sub3A_461 : i32
    %convert_element_type3A_1232 = arith.extui %lt3A_1231 : i1 to i32
    %cond3A_1233 = arith.constant 0 : i32
    %cond3A_1234 = arith.cmpi ne, %convert_element_type3A_1232, %cond3A_1233 : i32
    scf.if %cond3A_1234 {
      %dma_wait3A_1235 = arith.constant 0 : i32
      %dma_wait3A_1236 = arith.constant 0 : i32
      %dma_wait3A_1237 = tpu.memref_slice %arg12[%dma_wait3A_1235, %dma_wait3A_1236] : memref<16x1024xf32, #tpu.memory_space<vmem>> -> memref<1x1024xf32, #tpu.memory_space<vmem>>
      %dma_wait3A_1238 = arith.constant 0 : i32
      %dma_wait3A_1239 = arith.constant 0 : i32
      %dma_wait3A_1240 = tpu.memref_slice %arg6[%dma_wait3A_1238, %dma_wait3A_1239] : memref<8192x1024xf32, #tpu.memory_space<hbm>> -> memref<1x1024xf32, #tpu.memory_space<hbm>>
      %dma_wait3A_1241 = arith.constant 0 : i32
      %dma_wait3A_1242 = arith.constant 0 : i32
      %dma_wait3A_1243 = tpu.memref_slice %arg12[%dma_wait3A_1241, %dma_wait3A_1242] : memref<16x1024xf32, #tpu.memory_space<vmem>> -> memref<1x1024xf32, #tpu.memory_space<vmem>>
      %dma_wait3A_1244 = arith.constant 0 : i32
      %dma_wait3A_1245 = arith.constant 0 : i32
      %dma_wait3A_1246 = tpu.memref_slice %arg6[%dma_wait3A_1244, %dma_wait3A_1245] : memref<8192x1024xf32, #tpu.memory_space<hbm>> -> memref<1x1024xf32, #tpu.memory_space<hbm>>
      tpu.wait_dma2 semaphore(%arg25 : memref<!tpu.dma_semaphore, #tpu.memory_space<semaphore_mem>>) src(%dma_wait3A_1246 : memref<1x1024xf32, #tpu.memory_space<hbm>>) dst(%dma_wait3A_1243 : memref<1x1024xf32, #tpu.memory_space<vmem>>)
    } else {
    }
    return
  }
}

</mosaic_0001>

<sc_bundles>
// kernel: kernel.3.cloned.1.call-start
scs
__scs_entry_jumppad:
0x0: {  	(pc) =	sbr.rel $0x88, $3  }
0x1: {  	(tag) =	ssettag $0x0;
	lr =	simm.s32 $0x1  }
0x2: {  	[smem:$0x3F9D] =	sst lr;
	_ =	strace $0xD0000000  }
0x3: {  	_ = 	snop  }
0x4: {  	_ = 	snop  }
0x5: {  	_ = 	snop  }
0x6: {  	_ = 	snop  }
0x7: {  	_ = 	snop  }
__scs_overlays_trampoline_lowered:
0x8: {  	[smem:$0x3FAC] =	sst s0  }
0x9: {  	[smem:$0x3FAD] =	sst s1  }
0xa: {  	[smem:$0x3FAE] =	sst s2  }
0xb: {  	[smem:$0x3FAF] =	sst s3  }
0xc: {  	[smem:$0x3FB0] =	sst s4  }
0xd: {  	[smem:$0x3FB1] =	sst s5  }
0xe: {  	[smem:$0x3FB2] =	sst s6  }
0xf: {  	[smem:$0x3FB3] =	sst s7  }
0x10: {  	[smem:$0x3FB4] =	sst s8  }
0x11: {  	[smem:$0x3FB5] =	sst s9;
	s0 =	simm.s32 @!p0 $0x0  }
0x12: {  	s1 =	sld [smem:$0x3F9B];
	s0 =	simm.s32 @p0 $0x1  }
0x13: {  	[smem:$0x3FB6] =	sst s0;
	s0 =	simm.s32 @!p1 $0x0  }
0x14: {  	s2 =	sld [smem:$0x3F9A];
	s0 =	simm.s32 @p1 $0x1  }
0x15: {  	[smem:$0x3FB7] =	sst s0;
	s0 =	simm.s32 @!p2 $0x0  }
0x16: {  	s3 =	sld [smem:$0x3FDB];
	s0 =	simm.s32 @p2 $0x1  }
0x17: {  	s4 =	simm.s32 $0x1BF5;
	[smem:$0x3FB9] =	sst s0  }
0x18: {  	s0 =	sld [smem:$0x3F9C];
	_ =	swait.ge [sflag:s4], $0x0  }
0x19: {  	s7 =	sld [smem:$0x3F9D]  }
0x1a: {  	s8 =	sadd.s32 $0xFFFFE003, lr  }
0x1b: {  	s9 =	sadd.s32 $0xFFFFFEF7, lr;
	s5 =	simm.s32 $0xFFFFFFFF;
	p2 =	slt.u32 s8, $0xFFFFF086  }
0x1c: {  	p1 =	slt.u32 s9, $0xF7A;
	s5 =	simm.s32 @!p2 $0x0  }
0x1d: {  	s5 =	simm.s32 @p1 $0x1;
	p0 =	seq.s32 s7, s2  }
0x1e: {  	s7 =	smul.u32 @!p0 $0xF7A, s2;
	p2 =	seq.s32 @!p0 s5, $0x0  }
0x1f: {  	s9 =	smul.u32 $0xF7A, s1;
	s8 =	simm.s32 @!p0 $0x1BF5;
	p2 =	por !p2, p0  }
0x20: {  	[sflag:s8] =	ssyncset.s32 @!p0 $0xFFFFF086;
	s6 =	sadd.s32 @!p0 s3, s7;
	s7 =	simm.s32 @!p0 $0x108  }
0x21: {  	s3 =	sadd.s32 s3, s9;
	s6 =	sadd.s32 @!p0 $0x88, s6;
	s7 =	simm.s32 @p2 $0x1082  }
0x22: {  	[simem:s7], [sflag:s8] =	dma.local @!p0 [hbm:s6], $0xF7A  }
0x23: {  	s9 =	sor.u32 $0xD0000000, s2;
	s6 =	simm.s32 $0x108;
	_ =	swait.ge @!p0 [sflag:s8], $0x0  }
0x24: {  	s3 =	sadd.s32 $0x88, s3;
	s6 =	simm.s32 @!p1 $0x1082;
	[sflag:s4] =	ssyncset.s32 $0xFFFFF086  }
0x25: {  	[simem:s6], [sflag:s4] =	dma.local [hbm:s3], $0xF7A  }
0x26: {  	[smem:$0x3F9D] =	sst s1;
	(tag) =	ssettag s2;
	_ =	strace s9  }
0x27: {  	s1 =	sld [smem:$0x3FAD]  }
0x28: {  	s2 =	sld [smem:$0x3FAE]  }
0x29: {  	s4 =	sld [smem:$0x3FB0]  }
0x2a: {  	p0 =	seq.s32 s5, $0x0;
	s5 =	sld [smem:$0x3FB1]  }
0x2b: {  	s6 =	sld [smem:$0x3FB2]  }
0x2c: {  	s7 =	sld [smem:$0x3FB3]  }
0x2d: {  	s3 =	simm.s32 $0x108;
	s8 =	sld [smem:$0x3FB4]  }
0x2e: {  	s3 =	simm.s32 @!p0 $0x1082;
	s9 =	sld [smem:$0x3FB5]  }
0x2f: {  	lr =	sadd.s32 s0, s3;
	s0 =	sld [smem:$0x3FAC]  }
0x30: {  	s3 =	sld [smem:$0x3FAF]  }
0x31: {  	[smem:$0x3FB8] =	sst s10  }
0x32: {  	s10 =	sld [smem:$0x3FB6];
	_ =	sdelay $0x3  }
0x33: {  	p0 =	seq.s32 s10, $0x1;
	s10 =	sld [smem:$0x3FB8];
	_ =	sdelay $0x3  }
0x34: {  	[smem:$0x3FB8] =	sst s10  }
0x35: {  	s10 =	sld [smem:$0x3FB7];
	_ =	sdelay $0x3  }
0x36: {  	p1 =	seq.s32 s10, $0x1;
	s10 =	sld [smem:$0x3FB8];
	_ =	sdelay $0x3  }
0x37: {  	[smem:$0x3FB8] =	sst s10  }
0x38: {  	s10 =	sld [smem:$0x3FB9]  }
0x39: {  	_ = 	snop;
	(pc) =	sbr.ind lr, $3  }
0x3a: {  	_ = 	snop  }
0x3b: {  	_ = 	snop  }
0x3c: {  	p2 =	seq.s32 s10, $0x1;
	s10 =	sld [smem:$0x3FB8]  }
0x3d: {  	_ =	shalt  }
0x3e: {  	_ =	shalt  }
0x3f: {  	_ =	shalt  }
0x40: {  	_ =	shalt  }
0x41: {  	_ =	shalt  }
0x42: {  	_ =	shalt  }
0x43: {  	_ =	shalt  }
0x44: {  	_ =	shalt  }
0x45: {  	_ =	shalt  }
0x46: {  	_ =	shalt  }
0x47: {  	_ =	shalt  }
0x48: {  	_ =	shalt  }
0x49: {  	_ =	shalt  }
0x4a: {  	_ =	shalt  }
0x4b: {  	_ =	shalt  }
0x4c: {  	_ =	shalt  }
0x4d: {  	_ =	shalt  }
0x4e: {  	_ =	shalt  }
0x4f: {  	_ =	shalt  }
0x50: {  	_ =	shalt  }
0x51: {  	_ =	shalt  }
0x52: {  	_ =	shalt  }
0x53: {  	_ =	shalt  }
0x54: {  	_ =	shalt  }
0x55: {  	_ =	shalt  }
0x56: {  	_ =	shalt  }
0x57: {  	_ =	shalt  }
0x58: {  	_ =	shalt  }
0x59: {  	_ =	shalt  }
0x5a: {  	_ =	shalt  }
0x5b: {  	_ =	shalt  }
0x5c: {  	_ =	shalt  }
0x5d: {  	_ =	shalt  }
0x5e: {  	_ =	shalt  }
0x5f: {  	_ =	shalt  }
0x60: {  	_ =	shalt  }
0x61: {  	_ =	shalt  }
0x62: {  	_ =	shalt  }
0x63: {  	_ =	shalt  }
0x64: {  	_ =	shalt  }
0x65: {  	_ =	shalt  }
0x66: {  	_ =	shalt  }
0x67: {  	_ =	shalt  }
0x68: {  	_ =	shalt  }
0x69: {  	_ =	shalt  }
0x6a: {  	_ =	shalt  }
0x6b: {  	_ =	shalt  }
0x6c: {  	_ =	shalt  }
0x6d: {  	_ =	shalt  }
0x6e: {  	_ =	shalt  }
0x6f: {  	_ =	shalt  }
0x70: {  	_ =	shalt  }
0x71: {  	_ =	shalt  }
0x72: {  	_ =	shalt  }
0x73: {  	_ =	shalt  }
0x74: {  	_ =	shalt  }
0x75: {  	_ =	shalt  }
0x76: {  	_ =	shalt  }
0x77: {  	_ =	shalt  }
0x78: {  	_ =	shalt  }
0x79: {  	_ =	shalt  }
0x7a: {  	_ =	shalt  }
0x7b: {  	_ =	shalt  }
0x7c: {  	_ =	shalt  }
0x7d: {  	_ =	shalt  }
0x7e: {  	_ =	shalt  }
0x7f: {  	_ =	shalt  }
0x80: {  	_ =	shalt  }
0x81: {  	_ =	shalt  }
0x82: {  	_ =	shalt  }
0x83: {  	_ =	shalt  }
0x84: {  	_ =	shalt  }
0x85: {  	_ =	shalt  }
0x86: {  	_ =	shalt  }
0x87: {  	_ =	shalt  }
.Lfunc_end0:
.L_simem_size_0:
called_computation_lowered:
.L_overlay_start_0:
0x88: {  	s2 =	sld [smem:$0x3FD9]  }
0x89: {  	s3 =	sld [smem:$0x3FFE];
	_ =	sdelay $0x1  }
0x8a: {  	s1 =	srdreg.scid  }
0x8b: {  	s0 =	sand.u32 $0x1, s1  }
0x8c: {  	s17 =	sshll.u32 s0, $0xA;
	s2 =	sadd.s32 s3, s2  }
0x8d: {  	s2 =	sadd.s32 s2, s17  }
0x8e: {  	[smem:$0x3FC4] =	sst s2  }
0x8f: {  	_ = 	snop  }
0x90: {  	s2 =	sld [smem:$0x3FC9]  }
0x91: {  	s18 =	sld [smem:$0x3FC8]  }
0x92: {  	s4 =	sld [smem:$0x3FD0];
	(tm) =	ssettm $0x1  }
0x93: {  	s5 =	sld [smem:$0x3FFB];
	_ =	sdelay $0x3  }
0x94: {  	_ =	strace s5  }
0x95: {  	s5 =	sld [smem:$0x3FFC];
	_ =	sdelay $0x3  }
0x96: {  	_ =	strace s5  }
0x97: {  	s5 =	sld [smem:$0x3FFD];
	_ =	sdelay $0x3  }
0x98: {  	_ =	strace s5  }
0x99: {  	_ =	strace $0x8FFFFFFF  }
0x9a: {  	s19 =	sld [smem:$0x3FDB];
	_ =	sdelay $0x1  }
0x9b: {  	s6 =	simm.s32 $_scs_section_size  }
0x9c: {  	s7 =	simm.s32 $_size__tile_overlayer_lowered;
	s8 =	simm.s32 $_tile_overlayer_lowered  }
0x9d: {  	s22 =	simm.s32 $0x1BFF;
	s21 =	sshll.u32 s8, $0x1;
	s5 =	sadd.s32 s6, s19  }
0x9e: {  	s9 =	simm.s32 $0x0;
	s20 =	sshll.u32 s7, $0x1;
	s7 =	sadd.s32 s21, s5  }
0x9f: {  	[timem:s9], [sflag:s22] =	dma.local [hbm:s7], s20  }
0xa0: {  	_ =	swait.ge [sflag:s22], s20  }
0xa1: {  	s6 =	ssub.s32 $0x0, s20;
	[sflag:s22] =	ssyncset.done $0x0  }
0xa2: {  	[sflag:s22] =	ssyncadd.s32 s6;
	_ =	sdelay $0x1  }
0xa3: {  	s23 =	simm.s32 $0x1B8B  }
0xa4: {  	_ =	swait.ge [sflag:s23], $0x1  }
0xa5: {  	[sflag:s23] =	ssyncset.done $0x0  }
0xa6: {  	s25 =	simm.s32 $0x1B8E;
	s24 =	sld [smem:$0x3FFE];
	[sflag:s23] =	ssyncadd.s32 $0xFFFFFFFF  }
0xa7: {  	s26 =	simm.s32 $execute0_lowered;
	[smem:$0x3FD2] =	sst s25  }
0xa8: {  	s7 =	sshll.u32 s26, $0x1;
	_ =	strace $0x80000046;
	[dreg:$0x1] =	wrdreg $0xFFFFFFFF  }
0xa9: {  	s28 =	simm.s32 $_size_execute0_lowered;
	s5 =	sadd.s32 s5, s7;
	[dreg:$0x0] =	wrdreg $0x0  }
0xaa: {  	s7 =	sshll.u32 s28, $0x1;
	[dreg:$0x2] =	wrdreg s5  }
0xab: {  	[dreg:$0x3] =	wrdreg s7  }
0xac: {  	[dreg:$0x4] =	wrdreg $0xC0  }
0xad: {  	_ =	task [dreg:s9], $0x5FFFF  }
0xae: {  	[dreg:$0x1] =	wrdreg $0xFFFFFFFF  }
0xaf: {  	[dreg:$0x0] =	wrdreg $0x60  }
0xb0: {  	[dreg:$0x2] =	wrdreg s2  }
0xb1: {  	[dreg:$0x3] =	wrdreg s18  }
0xb2: {  	[dreg:$0x4] =	wrdreg s24  }
0xb3: {  	[dreg:$0x5] =	wrdreg s4  }
0xb4: {  	[dreg:$0x6] =	wrdreg $0x9  }
0xb5: {  	_ =	task.clear_ibuf [dreg:s9], $0x7FFFF;
	_ =	strace $0x90000046  }
0xb6: {  	s29 =	simm.s32 $0x9;
	_ =	strace $0x80000048  }
0xb7: {  	_ =	swait.ge [sflag:s29], $0x1  }
0xb8: {  	[sflag:s29] =	ssyncadd.s32 $0xFFFFFFFF  }
0xb9: {  	_ =	strace $0x90000048  }
0xba: {  	_ =	sfence  }
0xbb: {  	s30 =	sld [smem:$0x0];
	_ =	sdelay $0x2  }
0xbc: {  	s31 =	sshll.u32 s1, $0xD;
	s1 =	sshrl.u32 s1, $0x2  }
0xbd: {  	s3 =	sand.u32 $0x4000, s31;
	s1 =	sadd.s32 s1, s30  }
0xbe: {  	s0 =	sor.u32 s3, s0;
	s1 =	sshll.u32 s1, $0x11  }
0xbf: {  	s0 =	sor.u32 s1, s0  }
0xc0: {  	s0 =	sadd.s32 $0x8F2B, s0  }
0xc1: {  	[sflag:s0] =	ssyncadd.remote.s32 $0x1  }
0xc2: {  	_ =	sfence.sel $0xFFFF  }
0xc3: {  	[dreg:$0x0] =	wrdreg $0xFFFFFFFF;
	(pc) =	sbr.abs _section_cstart, $3  }
0xc4: {  	[dreg:$0x1] =	wrdreg $0xFFFFFFFF  }
0xc5: {  	_ =	task.clear_ibuf [dreg:s9], $0x2FFFF;
	_ =	strace $0x9FFFFFFF  }
0xc6: {  	(tm) =	ssettm $0x7FFFFFFF  }
0xc7: {  	_ =	shalt  }
tec
execute0_lowered:
.L_overlay_start_1:
0x0: {  	(tag) =	ssettag $0x1  }
0x1: {  	s0 =	rddreg [dreg:$0x0]  }
0x2: {  	s1 =	rddreg [dreg:$0x2]  }
0x3: {  	s3 =	rddreg [dreg:$0x3]  }
0x4: {  	s4 =	simm.s32 $0x0;
	s2 =	srdreg.scid;
	s9 =	stileid.u32  }
0x5: {  	s28 =	simm.s32 $0x1500;
	s30 =	simm.s32 $0x7;
	s10 =	simm.s32 $0x2  }
0x6: {  	s29 =	simm.s32 $0x6D00;
	[smem:$0x7FF] =	sst s4;
	s2 =	sand.u32 $0x1, s2  }
0x7: {  	s5 =	sshll.u32 s9, $0x1;
	s7 =	sadd.s32 $0x400, s1;
	s1 =	sadd.s32 $0x600, s1  }
0x8: {  	s21 =	sshll.u32 s9, $0xA;
	s24 =	sshll.u32 s9, $0xF;
	_ =	strace $0x80000047  }
0x9: {  	s6 =	ssub.s32 $0x2, s2;
	s5 =	sor.u32 s2, s5;
	[dreg:$0x5] =	wrdreg s7  }
0xa: {  	[dreg:$0x6] =	wrdreg s1;
	s22 =	sshll.u32 s2, $0x9;
	s23 =	sshll.u32 s2, $0xE  }
0xb: {  	s7 =	simm.s32 $0x8500;
	s11 =	sshrl.u32 s6, $0x1;
	s8 =	sshll.u32 s5, $0xE  }
0xc: {  	s18 =	sor.u32 $0x1000, s5;
	s25 =	sadd.s32 $0xFFFFFFFF, s5;
	s1 =	sor.u32 s24, s23  }
0xd: {  	p0 =	seq.s32 s5, $0x0;
	p1 =	seq.s32 s5, $0x1F;
	[dreg:$0x15] =	wrdreg s5  }
0xe: {  	s23 =	simm.s32 $0x7500;
	s12 =	ssub.s32 s6, s11;
	[dreg:$0xd] =	wrdreg s18  }
0xf: {  	s0 =	sadd.s32 s0, s8;
	s18 =	sadd.s32 $0x300, s3;
	[dreg:$0x11] =	wrdreg s25  }
0x10: {  	s26 =	sxor.u32 $0x3FC000, s1;
	s31 =	sxor.u32 $0x7FC000, s1;
	[dreg:$0x7] =	wrdreg s0  }
0x11: {  	s11 =	simm.s32 $0x11500;
	s6 =	simm.s32 $0x19500;
	[dreg:$0x12] =	wrdreg s26  }
0x12: {  	s1 =	simm.s32 $0x0;
	s13 =	sadd.s32 $0x800, s0;
	[dreg:$0x13] =	wrdreg s31  }
0x13: {  	s14 =	sadd.s32 $0x1000, s0;
	s15 =	sadd.s32 $0x1800, s0;
	[dreg:$0x8] =	wrdreg s13  }
0x14: {  	s16 =	sadd.s32 $0x2000, s0;
	s17 =	sadd.s32 $0x2800, s0;
	[dreg:$0x9] =	wrdreg s14  }
0x15: {  	s19 =	sadd.s32 $0x3000, s0;
	s0 =	sadd.s32 $0x3800, s0;
	[dreg:$0xa] =	wrdreg s15  }
0x16: {  	s20 =	smax.u32 s12, $0x1;
	s12 =	simm.s32 $0x15500;
	[dreg:$0xb] =	wrdreg s16  }
0x17: {  	s26 =	simm.s32 $0x4D00;
	[dreg:$0xc] =	wrdreg s17;
	s14 =	sshll.u32 s5, $0x7  }
.Ltmp0:
0x18: {  	s16 =	sadd.s32 $0x100, s3;
	[dreg:$0xe] =	wrdreg s19;
	(pc) =	sbr.rel .LBB2_1-.Ltmp0, $4  }
0x19: {  	v0 =	vimm.f32 $0.0e+00;
	s17 =	sadd.s32 $0x200, s3;
	[dreg:$0xf] =	wrdreg s0;
	s0 =	sor.u32 s22, s21  }
0x1a: {  	v4 =	vlaneseq.u32;
	vm0 =	vmmov $0xffff;
	v2 =	vimm.s32 $0x0;
	[dreg:$0x10] =	wrdreg s20;
	s13 =	simm.s32 $0x5500;
	s0 =	sadd.s32 $0x3C0, s0  }
0x1b: {  	v1 =	vimm.s32 $0x0;
	v2 =	vsel vm0, $0xFFFFFFFF, v2;
	v3 =	vshrl.u32 v4, $0x3;
	s21 =	simm.s32 $0xD;
	s19 =	simm.s32 $0x3D00;
	s0 =	sshrl.u32 s0, $0x2  }
0x1c: {  	[tilespmem:$0x1FFF0] =	vst v2;
	v2 =	vand.u32 $0x7, v4;
	v3 =	vmul.u32 $0x8, v3;
	v4 =	vor.u32 $0x8, v4;
	s20 =	simm.s32 $0x4500;
	s22 =	simm.s32 $0x6500;
	[dreg:$0x14] =	wrdreg s0  }
.LBB2_53:
0x1d: {  	[sflag:s21] =	ssyncadd.s32 $0xFFFFC000  }
.LBB2_54:
0x1e: {  	s0 =	simm.s32 @!p2 $0xD  }
0x1f: {  	_ =	swait.ge @!p2 [sflag:s0], $0x400  }
0x20: {  	[sflag:s0] =	ssyncset.done @!p2 $0x0  }
0x21: {  	[sflag:s0] =	ssyncadd.s32 @!p2 $0xFFFFFC00;
	s0 =	simm.s32 @!p3 $0xD  }
0x22: {  	_ =	swait.ge @!p3 [sflag:s0], $0x400  }
0x23: {  	s1 =	sadd.s32 $0x1, s1;
	s2 =	rddreg [dreg:$0x10]  }
0x24: {  	p2 =	sne.s32 s1, s2  }
.Ltmp1:
0x25: {  	_ = 	snop;
	(pc) =	sbr.rel @!p2 .LBB2_55-.Ltmp1, $3  }
0x26: {  	_ =	sdelay $0x1  }
0x27: {  	[sflag:s0] =	ssyncset.done @!p3 $0x0  }
0x28: {  	s5 =	rddreg [dreg:$0x15];
	[sflag:s0] =	ssyncadd.s32 @!p3 $0xFFFFFC00  }
.LBB2_1:
0x29: {  	[dreg:$0x16] =	wrdreg s1  }
0x2a: {  	s0 =	rddreg [dreg:$0x7]  }
0x2b: {  	[tilespmem:s28], [sflag:$0x1] =	stream.linear.gather [hbm4b:s0+s4], $0x4000, $0x38;
	[tilespmem:$0x1D500] =	vst v63  }
0x2c: {  	s25 =	rddreg [dreg:$0x8]  }
0x2d: {  	[tilespmem:s13], [sflag:$0x2] =	stream.linear.gather [hbm4b:s25+s4], $0x4000, $0x38;
	[tilespmem:$0x1D500] =	vst v63  }
0x2e: {  	s31 =	simm.s32 $0x9500;
	s28 =	rddreg [dreg:$0x9]  }
0x2f: {  	[tilespmem:s31], [sflag:$0x3] =	stream.linear.gather [hbm4b:s28+s4], $0x4000, $0x38;
	[tilespmem:$0x1D500] =	vst v63  }
0x30: {  	s2 =	rddreg [dreg:$0xa];
	s8 =	simm.s32 $0xD500  }
0x31: {  	[tilespmem:s8], [sflag:$0x4] =	stream.linear.gather [hbm4b:s2+s4], $0x4000, $0x38;
	[tilespmem:$0x1D500] =	vst v63  }
0x32: {  	s9 =	rddreg [dreg:$0xb]  }
0x33: {  	[tilespmem:s11], [sflag:$0x5] =	stream.linear.gather [hbm4b:s9+s4], $0x4000, $0x38;
	[tilespmem:$0x1D500] =	vst v63  }
0x34: {  	s11 =	rddreg [dreg:$0xc]  }
0x35: {  	[tilespmem:s12], [sflag:$0x6] =	stream.linear.gather [hbm4b:s11+s4], $0x4000, $0x38;
	[tilespmem:$0x1D500] =	vst v63  }
0x36: {  	s12 =	rddreg [dreg:$0x1]  }
0x37: {  	[tilespmem:s4], [sflag:$0xE] =	stream.linear.gather [hbm4b:s12+s4], $0x1000, $0x38;
	[tilespmem:$0x1D500] =	vst v63  }
0x38: {  	s15 =	simm.s32 $0xF;
	s13 =	rddreg [dreg:$0x5];
	s2 =	simm.s32 $0x1000  }
0x39: {  	[tilespmem:s2], [sflag:$0xF] =	stream.linear.gather [hbm4b:s13+s4], $0x80, $0x38;
	[tilespmem:$0x1D500] =	vst v63  }
0x3a: {  	_ =	swait.ge [sflag:s15], $0x80  }
0x3b: {  	[sflag:s15] =	ssyncset.done $0x0  }
0x3c: {  	s25 =	simm.s32 $0x1080;
	s24 =	rddreg [dreg:$0x6];
	[sflag:s15] =	ssyncadd.s32 $0xFFFFFF80  }
0x3d: {  	[tilespmem:s25], [sflag:$0xF] =	stream.linear.gather [hbm4b:s24+s4], $0x80, $0x38;
	[tilespmem:$0x1D500] =	vst v63  }
0x3e: {  	_ =	swait.ge [sflag:s15], $0x80  }
0x3f: {  	s28 =	sand.u32 $0x70, s4;
	s31 =	sand.u32 $0x1C00, s4;
	[sflag:s15] =	ssyncset.done $0x0  }
0x40: {  	s0 =	sor.u32 s28, s31;
	[sflag:s15] =	ssyncadd.s32 $0xFFFFFF80  }
0x41: {  	s8 =	simm.s32 $0x10;
	s9 =	simm.s32 $0x0;
	[tilespmem:s0+$0x19500] =	vst v0  }
.LBB2_2:
0x42: {  	p2 =	sne.s32 s8, $0x3F0  }
.Ltmp2:
0x43: {  	_ = 	snop;
	(pc) =	sbr.rel @p2 .LBB2_2-.Ltmp2, $4  }
0x44: {  	s9 =	sadd.s32 $0x80, s9  }
0x45: {  	s0 =	sand.u32 $0x70, s8;
	s2 =	sand.u32 $0x1C00, s9  }
0x46: {  	s0 =	sor.u32 s0, s2  }
0x47: {  	s8 =	sadd.s32 $0x10, s8;
	s2 =	simm.s32 $0x0;
	[tilespmem:s0+$0x19500] =	vst v0  }
0x48: {  	s0 =	sand.u32 $0x70, s2;
	s8 =	sand.u32 $0x1C00, s2  }
0x49: {  	s8 =	sor.u32 s0, s8  }
0x4a: {  	s9 =	simm.s32 $0x10;
	s11 =	simm.s32 $0x0;
	[tilespmem:s8+$0x19580] =	vst v0  }
.LBB2_4:
0x4b: {  	p2 =	sne.s32 s9, $0x3F0  }
.Ltmp3:
0x4c: {  	_ = 	snop;
	(pc) =	sbr.rel @p2 .LBB2_4-.Ltmp3, $4  }
0x4d: {  	s11 =	sadd.s32 $0x80, s11  }
0x4e: {  	s0 =	sand.u32 $0x70, s9;
	s12 =	sand.u32 $0x1C00, s11  }
0x4f: {  	s0 =	sor.u32 s0, s12  }
0x50: {  	s9 =	sadd.s32 $0x10, s9;
	[tilespmem:s0+$0x19580] =	vst v0  }
0x51: {  	s9 =	simm.s32 $0x10;
	[tilespmem:s8+$0x19600] =	vst v0  }
.LBB2_6:
0x52: {  	p2 =	sne.s32 s9, $0x3F0  }
.Ltmp4:
0x53: {  	_ = 	snop;
	(pc) =	sbr.rel @p2 .LBB2_6-.Ltmp4, $4  }
0x54: {  	s2 =	sadd.s32 $0x80, s2  }
0x55: {  	s0 =	sand.u32 $0x70, s9;
	s8 =	sand.u32 $0x1C00, s2  }
0x56: {  	s0 =	sor.u32 s0, s8  }
0x57: {  	s9 =	sadd.s32 $0x10, s9;
	s8 =	simm.s32 $0x0;
	[tilespmem:s0+$0x19600] =	vst v0  }
0x58: {  	s0 =	sand.u32 $0x70, s8;
	s2 =	sand.u32 $0x1C00, s8  }
0x59: {  	s2 =	sor.u32 s0, s2  }
0x5a: {  	s9 =	simm.s32 $0x10;
	s11 =	simm.s32 $0x0;
	[tilespmem:s2+$0x19680] =	vst v0  }
.LBB2_8:
0x5b: {  	p2 =	sne.s32 s9, $0x3F0  }
.Ltmp5:
0x5c: {  	_ = 	snop;
	(pc) =	sbr.rel @p2 .LBB2_8-.Ltmp5, $4  }
0x5d: {  	s11 =	sadd.s32 $0x80, s11  }
0x5e: {  	s0 =	sand.u32 $0x70, s9;
	s12 =	sand.u32 $0x1C00, s11  }
0x5f: {  	s0 =	sor.u32 s0, s12  }
0x60: {  	s9 =	sadd.s32 $0x10, s9;
	[tilespmem:s0+$0x19680] =	vst v0  }
0x61: {  	s11 =	simm.s32 $0x10;
	[tilespmem:s2+$0x19700] =	vst v0  }
.LBB2_10:
0x62: {  	p2 =	sne.s32 s11, $0x3F0  }
.Ltmp6:
0x63: {  	_ = 	snop;
	(pc) =	sbr.rel @p2 .LBB2_10-.Ltmp6, $4  }
0x64: {  	s8 =	sadd.s32 $0x80, s8  }
0x65: {  	s0 =	sand.u32 $0x70, s11;
	s2 =	sand.u32 $0x1C00, s8  }
0x66: {  	s0 =	sor.u32 s0, s2  }
0x67: {  	s11 =	sadd.s32 $0x10, s11;
	s9 =	simm.s32 $0x0;
	[tilespmem:s0+$0x19700] =	vst v0  }
0x68: {  	s0 =	sand.u32 $0x70, s9;
	s2 =	sand.u32 $0x1C00, s9  }
0x69: {  	s2 =	sor.u32 s0, s2  }
0x6a: {  	s8 =	simm.s32 $0x10;
	s11 =	simm.s32 $0x0;
	[tilespmem:s2+$0x19780] =	vst v0  }
.LBB2_12:
0x6b: {  	p2 =	sne.s32 s8, $0x3F0  }
.Ltmp7:
0x6c: {  	_ = 	snop;
	(pc) =	sbr.rel @p2 .LBB2_12-.Ltmp7, $4  }
0x6d: {  	s11 =	sadd.s32 $0x80, s11  }
0x6e: {  	s0 =	sand.u32 $0x70, s8;
	s12 =	sand.u32 $0x1C00, s11  }
0x6f: {  	s0 =	sor.u32 s0, s12  }
0x70: {  	s8 =	sadd.s32 $0x10, s8;
	[tilespmem:s0+$0x19780] =	vst v0  }
0x71: {  	s8 =	simm.s32 $0x10;
	[tilespmem:s2+$0x19800] =	vst v0  }
.LBB2_14:
0x72: {  	p2 =	sne.s32 s8, $0x3F0  }
.Ltmp8:
0x73: {  	_ = 	snop;
	(pc) =	sbr.rel @p2 .LBB2_14-.Ltmp8, $4  }
0x74: {  	s9 =	sadd.s32 $0x80, s9  }
0x75: {  	s0 =	sand.u32 $0x70, s8;
	s2 =	sand.u32 $0x1C00, s9  }
0x76: {  	s0 =	sor.u32 s0, s2  }
0x77: {  	s8 =	sadd.s32 $0x10, s8;
	s2 =	simm.s32 $0x0;
	[tilespmem:s0+$0x19800] =	vst v0  }
0x78: {  	s0 =	sor.u32 s2, s2  }
0x79: {  	s8 =	simm.s32 $0x10;
	s9 =	simm.s32 $0x0;
	s11 =	sor.u32 $0x380, s0  }
.LBB2_16:
0x7a: {  	p2 =	sne.s32 s8, $0x3F0  }
0x7b: {  	[tilespmem:s11+$0x19500] =	vst v0;
	s9 =	sadd.s32 $0x80, s9;
	s0 =	smov.u32 s8;
	s8 =	sadd.s32 $0x10, s8  }
.Ltmp9:
0x7c: {  	(pc) =	sbr.rel @p2 .LBB2_16-.Ltmp9, $3  }
0x7d: {  	_ =	sdelay $0x1  }
0x7e: {  	s0 =	sor.u32 s9, s0  }
0x7f: {  	s11 =	sor.u32 $0x380, s0  }
0x80: {  	s0 =	sand.u32 $0x70, s2;
	s8 =	sand.u32 $0x1C00, s2  }
0x81: {  	[tilespmem:s11+$0x19500] =	vst v0;
	s0 =	sor.u32 s0, s8  }
0x82: {  	s9 =	simm.s32 $0x10;
	[tilespmem:s0+$0x1B500] =	vst v0  }
.LBB2_18:
0x83: {  	p2 =	sne.s32 s9, $0x3F0  }
.Ltmp10:
0x84: {  	_ = 	snop;
	(pc) =	sbr.rel @p2 .LBB2_18-.Ltmp10, $4  }
0x85: {  	s2 =	sadd.s32 $0x80, s2  }
0x86: {  	s0 =	sand.u32 $0x70, s9;
	s8 =	sand.u32 $0x1C00, s2  }
0x87: {  	s0 =	sor.u32 s0, s8  }
0x88: {  	s9 =	sadd.s32 $0x10, s9;
	s8 =	simm.s32 $0x0;
	[tilespmem:s0+$0x1B500] =	vst v0  }
0x89: {  	s0 =	sand.u32 $0x70, s8;
	s2 =	sand.u32 $0x1C00, s8  }
0x8a: {  	s2 =	sor.u32 s0, s2  }
0x8b: {  	s9 =	simm.s32 $0x10;
	s11 =	simm.s32 $0x0;
	[tilespmem:s2+$0x1B580] =	vst v0  }
.LBB2_20:
0x8c: {  	p2 =	sne.s32 s9, $0x3F0  }
.Ltmp11:
0x8d: {  	_ = 	snop;
	(pc) =	sbr.rel @p2 .LBB2_20-.Ltmp11, $4  }
0x8e: {  	s11 =	sadd.s32 $0x80, s11  }
0x8f: {  	s0 =	sand.u32 $0x70, s9;
	s12 =	sand.u32 $0x1C00, s11  }
0x90: {  	s0 =	sor.u32 s0, s12  }
0x91: {  	s9 =	sadd.s32 $0x10, s9;
	[tilespmem:s0+$0x1B580] =	vst v0  }
0x92: {  	s9 =	simm.s32 $0x10;
	[tilespmem:s2+$0x1B600] =	vst v0  }
.LBB2_22:
0x93: {  	p2 =	sne.s32 s9, $0x3F0  }
.Ltmp12:
0x94: {  	_ = 	snop;
	(pc) =	sbr.rel @p2 .LBB2_22-.Ltmp12, $4  }
0x95: {  	s8 =	sadd.s32 $0x80, s8  }
0x96: {  	s0 =	sand.u32 $0x70, s9;
	s2 =	sand.u32 $0x1C00, s8  }
0x97: {  	s0 =	sor.u32 s0, s2  }
0x98: {  	s9 =	sadd.s32 $0x10, s9;
	s2 =	simm.s32 $0x0;
	[tilespmem:s0+$0x1B600] =	vst v0  }
0x99: {  	s0 =	sand.u32 $0x70, s2;
	s8 =	sand.u32 $0x1C00, s2  }
0x9a: {  	s8 =	sor.u32 s0, s8  }
0x9b: {  	s9 =	simm.s32 $0x10;
	s11 =	simm.s32 $0x0;
	[tilespmem:s8+$0x1B680] =	vst v0  }
.LBB2_24:
0x9c: {  	p2 =	sne.s32 s9, $0x3F0  }
.Ltmp13:
0x9d: {  	_ = 	snop;
	(pc) =	sbr.rel @p2 .LBB2_24-.Ltmp13, $4  }
0x9e: {  	s11 =	sadd.s32 $0x80, s11  }
0x9f: {  	s0 =	sand.u32 $0x70, s9;
	s12 =	sand.u32 $0x1C00, s11  }
0xa0: {  	s0 =	sor.u32 s0, s12  }
0xa1: {  	s9 =	sadd.s32 $0x10, s9;
	[tilespmem:s0+$0x1B680] =	vst v0  }
0xa2: {  	s9 =	simm.s32 $0x10;
	[tilespmem:s8+$0x1B700] =	vst v0  }
.LBB2_26:
0xa3: {  	p2 =	sne.s32 s9, $0x3F0  }
.Ltmp14:
0xa4: {  	_ = 	snop;
	(pc) =	sbr.rel @p2 .LBB2_26-.Ltmp14, $4  }
0xa5: {  	s2 =	sadd.s32 $0x80, s2  }
0xa6: {  	s0 =	sand.u32 $0x70, s9;
	s8 =	sand.u32 $0x1C00, s2  }
0xa7: {  	s0 =	sor.u32 s0, s8  }
0xa8: {  	s9 =	sadd.s32 $0x10, s9;
	s8 =	simm.s32 $0x0;
	[tilespmem:s0+$0x1B700] =	vst v0  }
0xa9: {  	s0 =	sand.u32 $0x70, s8;
	s2 =	sand.u32 $0x1C00, s8  }
0xaa: {  	s0 =	sor.u32 s0, s2  }
0xab: {  	s9 =	simm.s32 $0x0;
	s2 =	simm.s32 $0x10;
	[tilespmem:s0+$0x1B780] =	vst v0  }
.LBB2_28:
0xac: {  	p2 =	sne.s32 s2, $0x3F0  }
.Ltmp15:
0xad: {  	_ = 	snop;
	(pc) =	sbr.rel @p2 .LBB2_28-.Ltmp15, $4  }
0xae: {  	s9 =	sadd.s32 $0x80, s9  }
0xaf: {  	s0 =	sand.u32 $0x70, s2;
	s11 =	sand.u32 $0x1C00, s9  }
0xb0: {  	s0 =	sor.u32 s0, s11  }
0xb1: {  	s2 =	sadd.s32 $0x10, s2;
	[tilespmem:s0+$0x1B780] =	vst v0  }
0xb2: {  	s0 =	simm.s32 $0x0  }
.LBB2_30:
0xb3: {  	p2 =	sne.s32 s0, $0x3F0  }
.Ltmp16:
0xb4: {  	_ = 	snop;
	(pc) =	sbr.rel @p2 .LBB2_30-.Ltmp16, $4  }
0xb5: {  	_ = 	snop  }
0xb6: {  	s2 =	sand.u32 $0x70, s0;
	s9 =	sand.u32 $0x1C00, s8  }
0xb7: {  	s2 =	sor.u32 s2, s9  }
0xb8: {  	s8 =	sadd.s32 $0x80, s8;
	s0 =	sadd.s32 $0x10, s0;
	[tilespmem:s2+$0x1B800] =	vst v0  }
0xb9: {  	s2 =	simm.s32 $0x0  }
0xba: {  	s0 =	sand.u32 $0x70, s2;
	s8 =	sand.u32 $0x1C00, s2  }
0xbb: {  	s0 =	sor.u32 s0, s8  }
0xbc: {  	s8 =	simm.s32 $0x10;
	[tilespmem:s0+$0x1B880] =	vst v0  }
.LBB2_32:
0xbd: {  	p2 =	sne.s32 s8, $0x3F0  }
.Ltmp17:
0xbe: {  	_ = 	snop;
	(pc) =	sbr.rel @p2 .LBB2_32-.Ltmp17, $4  }
0xbf: {  	s2 =	sadd.s32 $0x80, s2  }
0xc0: {  	s0 =	sand.u32 $0x70, s8;
	s9 =	sand.u32 $0x1C00, s2  }
0xc1: {  	s0 =	sor.u32 s0, s9  }
0xc2: {  	s8 =	sadd.s32 $0x10, s8;
	[tilespmem:s0+$0x1B880] =	vst v0  }
0xc3: {  	s0 =	simm.s32 $0xE  }
0xc4: {  	_ =	swait.ge [sflag:s0], $0x1000  }
0xc5: {  	[sflag:s0] =	ssyncset.done $0x0  }
0xc6: {  	[sflag:s0] =	ssyncadd.s32 $0xFFFFF000  }
0xc7: {  	v5 =	vld [tilespmem:$0x1000]  }
.Ltmp18:
0xc8: {  	v6 =	vld [tilespmem:$0x1080];
	(pc) =	sbr.rel @p0 .LBB2_37-.Ltmp18, $2  }
0xc9: {  	_ =	sdelay $0x2  }
0xca: {  	s8 =	simm.s32 $0x40;
	v7 =	vimm.s32 $0x0;
	v16 =	vimm.s32 $0x0;
	v17 =	vimm.s32 $0x0  }
0xcb: {  	v8 =	vld [tilespmem:s8+$0x30]  }
0xcc: {  	v9 =	vld [tilespmem:s8+$0x20]  }
0xcd: {  	v15 =	vld [tilespmem:s8+$0x10]  }
0xce: {  	v10 =	vld [tilespmem:s8+$0x0]  }
0xcf: {  	v12 =	vld [tilespmem:s8+$0xFFFFFFF0];
	p2 =	sne.s32 s5, $0x1  }
.Ltmp19:
0xd0: {  	v11 =	vld [tilespmem:s8+$0xFFFFFFE0];
	(pc) =	sbr.rel @!p2 .LBB2_36-.Ltmp19, $4  }
0xd1: {  	v13 =	vld [tilespmem:s8+$0xFFFFFFD0]  }
0xd2: {  	v14 =	vld [tilespmem:s8+$0xFFFFFFC0];
	vm4 =	veq.s32 v8, v5;
	vm5 =	veq.s32 v9, v5;
	vm2 =	veq.s32 v9, v6  }
0xd3: {  	vm1 =	veq.s32 v8, v6;
	vm6 =	veq.s32 v10, v5;
	vm8 =	veq.s32 v15, v5  }
0xd4: {  	s9 =	sadd.s32 $0xFFFFFFFF, s5;
	vm3 =	veq.s32 v15, v6;
	v8 =	vimm.s32 $0x0;
	v9 =	vimm.s32 $0x0  }
.LBB2_35:
0xd5: {  	p2 =	sne.s32 s9, $0x1;
	vm10 =	veq.s32 v12, v5;
	vm9 =	veq.s32 v12, v6;
	vm7 =	veq.s32 v10, v6  }
0xd6: {  	vm12 =	veq.s32 v11, v5;
	vm13 =	veq.s32 v11, v6;
	vm11 =	veq.s32 v13, v5  }
0xd7: {  	vm0 =	veq.s32 v13, v6;
	vm14 =	veq.s32 v14, v5;
	vm15 =	veq.s32 v14, v6  }
0xd8: {  	v15 =	vsel vm4, $0x1, v1;
	v13 =	vsel vm8, $0x1, v1;
	v14 =	vsel vm5, $0x1, v1  }
0xd9: {  	v16 =	vsel vm6, $0x1, v1;
	v10 =	vsel vm12, $0x1, v1;
	v11 =	vsel vm10, $0x1, v1  }
0xda: {  	s8 =	sadd.s32 $0x80, s8;
	v18 =	vsel vm11, $0x1, v1;
	v12 =	vsel vm14, $0x1, v1;
	v17 =	vsel vm15, $0x1, v1  }
0xdb: {  	v8 =	vadd.s32 v12, v8;
	v9 =	vadd.s32 v17, v9;
	v12 =	vsel vm0, $0x1, v1;
	v19 =	vld [tilespmem:s8+$0x30]  }
0xdc: {  	v8 =	vadd.s32 v18, v8;
	v9 =	vadd.s32 v12, v9;
	v12 =	vsel vm13, $0x1, v1;
	v17 =	vld [tilespmem:s8+$0x20]  }
0xdd: {  	v8 =	vadd.s32 v10, v8;
	v9 =	vadd.s32 v12, v9;
	v12 =	vsel vm9, $0x1, v1;
	v18 =	vld [tilespmem:s8+$0x10]  }
0xde: {  	v8 =	vadd.s32 v11, v8;
	v9 =	vadd.s32 v12, v9;
	v11 =	vsel vm7, $0x1, v1;
	v10 =	vld [tilespmem:s8+$0x0]  }
0xdf: {  	v8 =	vadd.s32 v16, v8;
	v9 =	vadd.s32 v11, v9;
	v16 =	vsel vm3, $0x1, v1;
	v12 =	vld [tilespmem:s8+$0xFFFFFFF0]  }
.Ltmp20:
0xe0: {  	v8 =	vadd.s32 v13, v8;
	v9 =	vadd.s32 v16, v9;
	v16 =	vsel vm2, $0x1, v1;
	v11 =	vld [tilespmem:s8+$0xFFFFFFE0];
	(pc) =	sbr.rel @p2 .LBB2_35-.Ltmp20, $4  }
0xe1: {  	v8 =	vadd.s32 v14, v8;
	v9 =	vadd.s32 v16, v9;
	v16 =	vsel vm1, $0x1, v1;
	v13 =	vld [tilespmem:s8+$0xFFFFFFD0]  }
0xe2: {  	vm4 =	veq.s32 v19, v5;
	v8 =	vadd.s32 v15, v8;
	v9 =	vadd.s32 v16, v9;
	v14 =	vld [tilespmem:s8+$0xFFFFFFC0]  }
0xe3: {  	vm1 =	veq.s32 v19, v6;
	vm5 =	veq.s32 v17, v5;
	vm2 =	veq.s32 v17, v6  }
0xe4: {  	s9 =	sadd.s32 $0xFFFFFFFF, s9;
	vm8 =	veq.s32 v18, v5;
	vm3 =	veq.s32 v18, v6;
	vm6 =	veq.s32 v10, v5  }
.LBB2_36:
0xe5: {  	vm0 =	veq.s32 v12, v5;
	vm7 =	veq.s32 v12, v6;
	vm9 =	veq.s32 v10, v6  }
0xe6: {  	vm11 =	veq.s32 v11, v5;
	vm12 =	veq.s32 v11, v6;
	v54 =	vsel vm8, $0x1, v1  }
0xe7: {  	v55 =	vsel vm5, $0x1, v1;
	v56 =	vsel vm4, $0x1, v1;
	v15 =	vsel vm6, $0x1, v1  }
0xe8: {  	vm10 =	veq.s32 v13, v5;
	vm15 =	veq.s32 v13, v6;
	v57 =	vsel vm11, $0x1, v1  }
0xe9: {  	v58 =	vsel vm0, $0x1, v1;
	vm13 =	veq.s32 v14, v5;
	vm14 =	veq.s32 v14, v6  }
0xea: {  	v18 =	vsel vm10, $0x1, v1;
	v16 =	vsel vm13, $0x1, v1;
	v17 =	vsel vm14, $0x1, v1  }
0xeb: {  	v8 =	vadd.s32 v16, v8;
	v9 =	vadd.s32 v17, v9;
	v16 =	vsel vm15, $0x1, v1  }
0xec: {  	v8 =	vadd.s32 v18, v8;
	v9 =	vadd.s32 v16, v9;
	v16 =	vsel vm12, $0x1, v1  }
0xed: {  	v59 =	vsel vm7, $0x1, v1;
	v8 =	vadd.s32 v57, v8;
	v9 =	vadd.s32 v16, v9  }
0xee: {  	v60 =	vsel vm9, $0x1, v1;
	v8 =	vadd.s32 v58, v8;
	v9 =	vadd.s32 v59, v9  }
0xef: {  	v61 =	vsel vm3, $0x1, v1;
	v8 =	vadd.s32 v15, v8;
	v9 =	vadd.s32 v60, v9  }
0xf0: {  	v62 =	vsel vm2, $0x1, v1;
	v8 =	vadd.s32 v54, v8;
	v9 =	vadd.s32 v61, v9  }
0xf1: {  	v63 =	vsel vm1, $0x1, v1;
	v8 =	vadd.s32 v55, v8;
	v9 =	vadd.s32 v62, v9  }
0xf2: {  	v16 =	vadd.s32 v56, v8;
	v17 =	vadd.s32 v63, v9  }
.LBB2_37:
0xf3: {  	v14 =	vld [tilespmem:s14+$0x0]  }
0xf4: {  	v15 =	vld [tilespmem:s14+$0x10]  }
0xf5: {  	v13 =	vld [tilespmem:s14+$0x20]  }
.Ltmp21:
0xf6: {  	v12 =	vld [tilespmem:s14+$0x30];
	(pc) =	sbr.rel @!p1 .LBB2_39-.Ltmp21, $4  }
0xf7: {  	v11 =	vld [tilespmem:s14+$0x40]  }
0xf8: {  	v10 =	vld [tilespmem:s14+$0x50]  }
0xf9: {  	v9 =	vld [tilespmem:s14+$0x60]  }
0xfa: {  	v8 =	vld [tilespmem:s14+$0x70]  }
.Ltmp22:
0xfb: {  	(pc) =	sbr.rel .LBB2_42-.Ltmp22, $2  }
0xfc: {  	_ =	sdelay $0x2  }
0xfd: {  	v18 =	vimm.s32 $0x0  }
.LBB2_39:
0xfe: {  	s1 =	rddreg [dreg:$0x14]  }
0xff: {  	v18 =	vld [tilespmem:s1+$0x0]  }
0x100: {  	v19 =	vld [tilespmem:s1+$0xFFFFFFF0]  }
0x101: {  	v20 =	vld [tilespmem:s1+$0xFFFFFFE0]  }
0x102: {  	v21 =	vld [tilespmem:s1+$0xFFFFFFD0]  }
0x103: {  	v22 =	vld [tilespmem:s1+$0xFFFFFFC0]  }
0x104: {  	v23 =	vld [tilespmem:s1+$0xFFFFFFB0]  }
0x105: {  	v24 =	vld [tilespmem:s1+$0xFFFFFFA0]  }
0x106: {  	v25 =	vld [tilespmem:s1+$0xFFFFFF90]  }
0x107: {  	vm0 =	veq.s32 v18, v5;
	vm8 =	veq.s32 v19, v5  }
0x108: {  	s0 =	rddreg [dreg:$0x11];
	vm2 =	veq.s32 v19, v6;
	vm1 =	veq.s32 v18, v6;
	vm9 =	veq.s32 v21, v5  }
0x109: {  	s8 =	sadd.s32 $0x1, s0;
	vm10 =	veq.s32 v20, v5;
	vm3 =	veq.s32 v20, v6;
	vm11 =	veq.s32 v22, v5  }
0x10a: {  	p2 =	slt.u32 s8, $0x1E;
	vm5 =	veq.s32 v22, v6;
	vm4 =	veq.s32 v21, v6;
	vm12 =	veq.s32 v24, v5  }
.Ltmp23:
0x10b: {  	vm13 =	veq.s32 v23, v5;
	vm6 =	veq.s32 v23, v6;
	vm14 =	veq.s32 v25, v5;
	(pc) =	sbr.rel @!p2 .LBB2_41-.Ltmp23, $4  }
0x10c: {  	vm15 =	veq.s32 v25, v6;
	vm7 =	veq.s32 v24, v6;
	v22 =	vimm.s32 $0x0  }
0x10d: {  	v20 =	vsel vm10, $0x1, v1;
	v19 =	vsel vm8, $0x1, v1;
	v18 =	vsel vm0, $0x1, v1  }
0x10e: {  	v24 =	vsel vm13, $0x1, v1;
	v23 =	vsel vm11, $0x1, v1;
	v21 =	vsel vm9, $0x1, v1  }
0x10f: {  	s9 =	sadd.s32 $0x80, s1;
	v26 =	vsel vm14, $0x1, v1;
	v27 =	vsel vm15, $0x1, v1;
	v25 =	vsel vm12, $0x1, v1  }
.LBB2_40:
0x110: {  	v28 =	vld [tilespmem:s9+$0x0];
	v7 =	vadd.s32 v26, v7;
	v22 =	vadd.s32 v27, v22;
	v26 =	vsel vm7, $0x1, v1  }
0x111: {  	v27 =	vld [tilespmem:s9+$0xFFFFFFF0];
	v7 =	vadd.s32 v25, v7;
	v22 =	vadd.s32 v26, v22;
	v25 =	vsel vm6, $0x1, v1  }
0x112: {  	v26 =	vld [tilespmem:s9+$0xFFFFFFE0];
	v7 =	vadd.s32 v24, v7;
	v22 =	vadd.s32 v25, v22;
	v24 =	vsel vm5, $0x1, v1  }
0x113: {  	v25 =	vld [tilespmem:s9+$0xFFFFFFD0];
	v7 =	vadd.s32 v23, v7;
	v22 =	vadd.s32 v24, v22;
	v23 =	vsel vm4, $0x1, v1  }
0x114: {  	v24 =	vld [tilespmem:s9+$0xFFFFFFC0];
	v7 =	vadd.s32 v21, v7;
	v21 =	vadd.s32 v23, v22;
	v22 =	vsel vm3, $0x1, v1  }
0x115: {  	v23 =	vld [tilespmem:s9+$0xFFFFFFB0];
	v7 =	vadd.s32 v20, v7;
	v20 =	vadd.s32 v22, v21;
	v21 =	vsel vm2, $0x1, v1  }
0x116: {  	v29 =	vld [tilespmem:s9+$0xFFFFFFA0];
	v7 =	vadd.s32 v19, v7;
	v19 =	vadd.s32 v21, v20;
	v20 =	vsel vm1, $0x1, v1  }
0x117: {  	vm0 =	veq.s32 v28, v5;
	v21 =	vld [tilespmem:s9+$0xFFFFFF90];
	v7 =	vadd.s32 v18, v7;
	v22 =	vadd.s32 v20, v19  }
0x118: {  	vm8 =	veq.s32 v27, v5;
	vm2 =	veq.s32 v27, v6;
	vm1 =	veq.s32 v28, v6  }
0x119: {  	s8 =	sadd.s32 $0x1, s8;
	vm10 =	veq.s32 v26, v5;
	vm3 =	veq.s32 v26, v6;
	vm9 =	veq.s32 v25, v5  }
0x11a: {  	p2 =	slt.u32 s8, $0x1E;
	vm4 =	veq.s32 v25, v6;
	vm11 =	veq.s32 v24, v5;
	vm5 =	veq.s32 v24, v6  }
.Ltmp24:
0x11b: {  	vm13 =	veq.s32 v23, v5;
	vm6 =	veq.s32 v23, v6;
	vm12 =	veq.s32 v29, v5;
	(pc) =	sbr.rel @p2 .LBB2_40-.Ltmp24, $4  }
0x11c: {  	vm7 =	veq.s32 v29, v6;
	vm14 =	veq.s32 v21, v5;
	vm15 =	veq.s32 v21, v6  }
0x11d: {  	v19 =	vsel vm8, $0x1, v1;
	v18 =	vsel vm0, $0x1, v1;
	v20 =	vsel vm10, $0x1, v1  }
0x11e: {  	v23 =	vsel vm11, $0x1, v1;
	v24 =	vsel vm13, $0x1, v1;
	v21 =	vsel vm9, $0x1, v1  }
0x11f: {  	s9 =	sadd.s32 $0x80, s9;
	v25 =	vsel vm12, $0x1, v1;
	v26 =	vsel vm14, $0x1, v1;
	v27 =	vsel vm15, $0x1, v1  }
.LBB2_41:
0x120: {  	v7 =	vadd.s32 v26, v7;
	v22 =	vadd.s32 v27, v22;
	v57 =	vsel vm7, $0x1, v1  }
0x121: {  	v58 =	vsel vm6, $0x1, v1;
	v7 =	vadd.s32 v25, v7;
	v22 =	vadd.s32 v57, v22  }
0x122: {  	v59 =	vsel vm5, $0x1, v1;
	v7 =	vadd.s32 v24, v7;
	v22 =	vadd.s32 v58, v22  }
0x123: {  	v60 =	vsel vm4, $0x1, v1;
	v7 =	vadd.s32 v23, v7;
	v22 =	vadd.s32 v59, v22  }
0x124: {  	v62 =	vsel vm3, $0x1, v1;
	v7 =	vadd.s32 v21, v7;
	v61 =	vadd.s32 v60, v22  }
0x125: {  	v63 =	vsel vm2, $0x1, v1;
	v7 =	vadd.s32 v20, v7;
	v20 =	vadd.s32 v62, v61  }
0x126: {  	v7 =	vadd.s32 v19, v7;
	v19 =	vadd.s32 v63, v20;
	v20 =	vsel vm1, $0x1, v1  }
0x127: {  	v7 =	vadd.s32 v18, v7;
	v18 =	vadd.s32 v20, v19  }
.LBB2_42:
0x128: {  	vm0 =	veq.s32 v14, v5;
	vm1 =	veq.s32 v15, v5  }
0x129: {  	vm14 =	veq.s32 v13, v5;
	v19 =	vsel vm0, $0x1, v1;
	v20 =	vsel vm1, $0x1, v1  }
0x12a: {  	vm15 =	veq.s32 v12, v5;
	v55 =	vsel vm14, $0x1, v1;
	v19 =	vadd.s32 v19, v20  }
0x12b: {  	vm4 =	veq.s32 v11, v5;
	v56 =	vsel vm15, $0x1, v1;
	v19 =	vadd.s32 v55, v19  }
0x12c: {  	v57 =	vsel vm4, $0x1, v1;
	vm5 =	veq.s32 v10, v5;
	v19 =	vadd.s32 v56, v19  }
0x12d: {  	v58 =	vsel vm5, $0x1, v1;
	vm6 =	veq.s32 v9, v5;
	v19 =	vadd.s32 v57, v19  }
0x12e: {  	v59 =	vsel vm6, $0x1, v1;
	vm7 =	veq.s32 v8, v5;
	v19 =	vadd.s32 v58, v19  }
0x12f: {  	(xrf0) =	vadd.scan.msk.s32 $0xffff, v16;
	v60 =	vsel vm7, $0x1, v1;
	v19 =	vadd.s32 v59, v19  }
0x130: {  	(xrf0) =	vadd.scan.msk.s32 $0xffff, v17;
	v61 =	vadd.s32 v60, v19  }
0x131: {  	(xrf0) =	vadd.scan.msk.s32 $0xffff, v61  }
0x132: {  	(xrf0) =	vadd.scan.msk.s32 $0xffff, v7;
	_ =	sdelay $0x2  }
0x133: {  	v7, _, _ =	vpop (xrf0)  }
0x134: {  	v62, _, _ =	vpop (xrf0);
	(v2sf) =	vpush v7, $0xF  }
0x135: {  	(v2sf) =	vpush v62, $0xF;
	v7, _, _ =	vpop (xrf0)  }
0x136: {  	(v2sf) =	vpush v7, $0xF;
	v7, _, _ =	vpop (xrf0)  }
0x137: {  	(v2sf) =	vpush v7, $0xF;
	_ =	sdelay $0x5  }
0x138: {  	vm8 =	veq.s32 v14, v6;
	vm9 =	veq.s32 v15, v6  }
0x139: {  	vm10 =	veq.s32 v13, v6;
	v63 =	vsel vm9, $0x1, v1;
	v7 =	vsel vm8, $0x1, v1  }
0x13a: {  	vm11 =	veq.s32 v12, v6;
	v13 =	vsel vm10, $0x1, v1;
	v7 =	vadd.s32 v7, v63  }
0x13b: {  	vm12 =	veq.s32 v11, v6;
	v12 =	vsel vm11, $0x1, v1;
	v7 =	vadd.s32 v13, v7  }
0x13c: {  	v11 =	vsel vm12, $0x1, v1;
	vm13 =	veq.s32 v10, v6;
	v7 =	vadd.s32 v12, v7  }
0x13d: {  	v10 =	vsel vm13, $0x1, v1;
	vm14 =	veq.s32 v9, v6;
	v7 =	vadd.s32 v11, v7  }
0x13e: {  	v9 =	vsel vm14, $0x1, v1;
	vm15 =	veq.s32 v8, v6;
	v7 =	vadd.s32 v10, v7;
	s24 =	spop (v2sf)  }
0x13f: {  	v8 =	vsel vm15, $0x1, v1;
	v7 =	vadd.s32 v9, v7;
	s25 =	spop (v2sf)  }
0x140: {  	v7 =	vadd.s32 v8, v7;
	s0 =	spop (v2sf)  }
0x141: {  	(xrf0) =	vadd.scan.msk.s32 $0xffff, v7;
	s0 =	sadd.s32 s24, s0;
	s2 =	spop (v2sf)  }
0x142: {  	(xrf0) =	vadd.scan.msk.s32 $0xffff, v18;
	s8 =	sadd.s32 s2, s0  }
0x143: {  	s0 =	simm.s32 $0x1;
	s2 =	ssub.s32 $0x1000, s8;
	p2 =	sne.s32 s8, $0x1000  }
0x144: {  	s9 =	sshra.s32 s2, $0x1F;
	s0 =	simm.s32 @!p2 $0x0  }
0x145: {  	s11 =	sand.u32 $0xF, s2;
	s0 =	sor.u32 s0, s9  }
0x146: {  	p3 =	sne.s32 s11, $0x0;
	p4 =	sne.s32 s0, $0x1  }
0x147: {  	v7, _, _ =	vpop (xrf0);
	s13 =	sshrl.u32 s9, $0x1C;
	p2 =	por !p3, !p4  }
0x148: {  	(v2sf) =	vpush v7, $0xF;
	v7, _, _ =	vpop (xrf0);
	s9 =	simm.s32 $0x1;
	s0 =	sadd.s32 s13, s2;
	p2 =	por !p2, !p2  }
0x149: {  	(v2sf) =	vpush v7, $0xF;
	s0 =	sshra.s32 s0, $0x4;
	s9 =	simm.s32 @!p2 $0x0  }
0x14a: {  	s13 =	ssub.s32 s0, s9  }
0x14b: {  	s0 =	ssub.s32 s13, s5  }
0x14c: {  	s15 =	sadd.s32 $0x1F, s0  }
0x14d: {  	s28 =	sand.u32 $0x1F, s15  }
0x14e: {  	p5 =	slt.s32 s0, $0xFFFFFFE2;
	s12 =	sshra.s32 s15, $0x1F;
	p6 =	sne.s32 s28, $0x0  }
0x14f: {  	s31 =	sshrl.u32 s12, $0x1B;
	p2 =	por !p5, !p6  }
0x150: {  	s9 =	simm.s32 $0x1;
	s0 =	sadd.s32 s31, s15;
	p2 =	por !p2, !p2  }
0x151: {  	s0 =	sshra.s32 s0, $0x5;
	s9 =	simm.s32 @!p2 $0x0  }
0x152: {  	s1 =	ssub.s32 s0, s9  }
0x153: {  	p2 =	slt.s32 s1, $0x1  }
.Ltmp25:
0x154: {  	_ = 	snop;
	(pc) =	sbr.rel @p2 .LBB2_46-.Ltmp25, $3  }
0x155: {  	_ =	sdelay $0x1  }
0x156: {  	s12 =	spop (v2sf)  }
0x157: {  	s11 =	spop (v2sf)  }
0x158: {  	p2 =	sne.s32 s1, $0x1  }
.Ltmp26:
0x159: {  	_ = 	snop;
	(pc) =	sbr.rel @!p2 .LBB2_45-.Ltmp26, $4  }
0x15a: {  	_ = 	snop  }
0x15b: {  	s31 =	rddreg [dreg:$0x12]  }
0x15c: {  	s0 =	sshrl.u32 s31, $0x3  }
0x15d: {  	s15 =	sadd.s32 $0xFFFFFFFF, s1;
	s31 =	sadd.s32 $0xFFF80000, s31;
	s0 =	sadd.s32 s3, s0  }
.LBB2_44:
0x15e: {  	[hbm4b:s0+s4] =	stream.linear.scatter [tilespmem:s6], [sflag:$0xD], $0x4000, $0x38;
	[tilespmem:$0x1D500] =	vst v63  }
0x15f: {  	p2 =	sne.s32 s15, $0x1  }
.Ltmp27:
0x160: {  	s15 =	sadd.s32 $0xFFFFFFFF, s15;
	(pc) =	sbr.rel @p2 .LBB2_44-.Ltmp27, $3  }
0x161: {  	_ =	sdelay $0x1  }
0x162: {  	s0 =	sshrl.u32 s31, $0x3  }
0x163: {  	s31 =	sadd.s32 $0xFFF80000, s31;
	s0 =	sadd.s32 s3, s0  }
.LBB2_45:
0x164: {  	[hbm4b:s0+s4] =	stream.linear.scatter [tilespmem:s6], [sflag:$0xD], $0x4000, $0x38;
	[tilespmem:$0x1D500] =	vst v63  }
.LBB2_46:
0x165: {  	s0 =	sshll.u32 s13, $0x4  }
0x166: {  	s0 =	ssub.s32 s2, s0  }
0x167: {  	p2 =	sge.s32 s5, s0  }
0x168: {  	s0 =	sadd.s32 @!p2 s5, s8  }
0x169: {  	s2 =	sshll.u32 @!p2 s0, $0xA;
	s0 =	sshll.u32 @!p2 s0, $0x7  }
0x16a: {  	s2 =	sand.u32 @!p2 $0xFFFFE000, s2;
	s0 =	sand.u32 @!p2 $0x380, s0  }
0x16b: {  	s0 =	sor.u32 @!p2 s0, s2  }
0x16c: {  	s0 =	sshrl.u32 @!p2 s0, $0x3  }
0x16d: {  	s8 =	simm.s32 @!p2 $0x0;
	s2 =	simm.s32 @!p2 $0x19500;
	s0 =	sadd.s32 @!p2 s3, s0  }
0x16e: {  	[hbm4b:s0+s8] =	stream.linear.scatter @!p2 [tilespmem:s2], [sflag:$0xD], $0x80, $0x38;
	[tilespmem:$0x1D500] =	vst v63  }
0x16f: {  	s13 =	simm.s32 @!p2 $0x19900;
	s2 =	sadd.s32 @!p2 $0x80, s0  }
0x170: {  	[hbm4b:s2+s8] =	stream.linear.scatter @!p2 [tilespmem:s13], [sflag:$0xD], $0x80, $0x38;
	[tilespmem:$0x1D500] =	vst v63  }
0x171: {  	s2 =	sadd.s32 @!p2 $0x100, s0;
	s13 =	simm.s32 @!p2 $0x19D00  }
0x172: {  	[hbm4b:s2+s8] =	stream.linear.scatter @!p2 [tilespmem:s13], [sflag:$0xD], $0x80, $0x38;
	[tilespmem:$0x1D500] =	vst v63  }
0x173: {  	s2 =	sadd.s32 @!p2 $0x180, s0;
	s13 =	simm.s32 @!p2 $0x1A100  }
0x174: {  	[hbm4b:s2+s8] =	stream.linear.scatter @!p2 [tilespmem:s13], [sflag:$0xD], $0x80, $0x38;
	[tilespmem:$0x1D500] =	vst v63  }
0x175: {  	s2 =	sadd.s32 @!p2 $0x200, s0;
	s13 =	simm.s32 @!p2 $0x1A500  }
0x176: {  	[hbm4b:s2+s8] =	stream.linear.scatter @!p2 [tilespmem:s13], [sflag:$0xD], $0x80, $0x38;
	[tilespmem:$0x1D500] =	vst v63  }
0x177: {  	s2 =	sadd.s32 @!p2 $0x280, s0;
	s13 =	simm.s32 @!p2 $0x1A900  }
0x178: {  	[hbm4b:s2+s8] =	stream.linear.scatter @!p2 [tilespmem:s13], [sflag:$0xD], $0x80, $0x38;
	[tilespmem:$0x1D500] =	vst v63  }
0x179: {  	s31 =	sadd.s32 s25, s12;
	s12 =	sadd.s32 @!p2 $0x300, s0;
	s13 =	simm.s32 @!p2 $0x1AD00  }
0x17a: {  	[hbm4b:s12+s8] =	stream.linear.scatter @!p2 [tilespmem:s13], [sflag:$0xD], $0x80, $0x38;
	[tilespmem:$0x1D500] =	vst v63  }
0x17b: {  	s0 =	sadd.s32 @!p2 $0x380, s0;
	s2 =	sadd.s32 s11, s31;
	s11 =	simm.s32 @!p2 $0x1B100  }
0x17c: {  	[hbm4b:s0+s8] =	stream.linear.scatter @!p2 [tilespmem:s11], [sflag:$0xD], $0x80, $0x38;
	[tilespmem:$0x1D500] =	vst v63  }
0x17d: {  	p3 =	sne.s32 s2, $0x1000;
	s0 =	ssub.s32 $0x1000, s2;
	s8 =	simm.s32 $0x1  }
0x17e: {  	[dreg:$0x17] =	wrdreg s1;
	s1 =	sshra.s32 s0, $0x1F;
	s8 =	simm.s32 @!p3 $0x0  }
0x17f: {  	s9 =	sand.u32 $0xF, s0;
	s8 =	sor.u32 s8, s1  }
0x180: {  	p4 =	sne.s32 s9, $0x0;
	p6 =	sne.s32 s8, $0x1  }
0x181: {  	s13 =	sshrl.u32 s1, $0x1C;
	p3 =	por !p4, !p6  }
0x182: {  	s11 =	simm.s32 $0x1;
	s8 =	sadd.s32 s13, s0;
	p3 =	por !p3, !p3  }
0x183: {  	s8 =	sshra.s32 s8, $0x4;
	s11 =	simm.s32 @!p3 $0x0  }
0x184: {  	s11 =	ssub.s32 s8, s11  }
0x185: {  	s8 =	ssub.s32 s11, s5  }
0x186: {  	s15 =	sadd.s32 $0x1F, s8  }
0x187: {  	s28 =	sand.u32 $0x1F, s15  }
0x188: {  	p5 =	slt.s32 s8, $0xFFFFFFE2;
	s31 =	sshra.s32 s15, $0x1F;
	p6 =	sne.s32 s28, $0x0  }
0x189: {  	s8 =	sshrl.u32 s31, $0x1B;
	p3 =	por !p5, !p6  }
0x18a: {  	s12 =	simm.s32 $0x1;
	s8 =	sadd.s32 s8, s15;
	p3 =	por !p3, !p3  }
0x18b: {  	s8 =	sshra.s32 s8, $0x5;
	s12 =	simm.s32 @!p3 $0x0  }
0x18c: {  	s8 =	ssub.s32 s8, s12  }
0x18d: {  	p3 =	slt.s32 s8, $0x1  }
.Ltmp28:
0x18e: {  	_ = 	snop;
	(pc) =	sbr.rel @p3 .LBB2_50-.Ltmp28, $3  }
0x18f: {  	_ =	sdelay $0x1  }
0x190: {  	s11 =	sshll.u32 s11, $0x4  }
0x191: {  	s11 =	ssub.s32 s0, s11  }
0x192: {  	p3 =	sne.s32 s8, $0x1  }
.Ltmp29:
0x193: {  	_ = 	snop;
	(pc) =	sbr.rel @!p3 .LBB2_49-.Ltmp29, $4  }
0x194: {  	_ = 	snop  }
0x195: {  	s13 =	rddreg [dreg:$0x13]  }
0x196: {  	s0 =	sshrl.u32 s13, $0x3  }
0x197: {  	s12 =	sadd.s32 $0xFFFFFFFF, s8;
	s13 =	sadd.s32 $0xFFF80000, s13;
	s0 =	sadd.s32 s3, s0  }
.LBB2_48:
0x198: {  	[hbm4b:s0+s4] =	stream.linear.scatter [tilespmem:s6], [sflag:$0xD], $0x4000, $0x38;
	[tilespmem:$0x1D500] =	vst v63  }
0x199: {  	p3 =	sne.s32 s12, $0x1  }
.Ltmp30:
0x19a: {  	s12 =	sadd.s32 $0xFFFFFFFF, s12;
	(pc) =	sbr.rel @p3 .LBB2_48-.Ltmp30, $3  }
0x19b: {  	_ =	sdelay $0x1  }
0x19c: {  	s0 =	sshrl.u32 s13, $0x3  }
0x19d: {  	s13 =	sadd.s32 $0xFFF80000, s13;
	s0 =	sadd.s32 s3, s0  }
.LBB2_49:
0x19e: {  	[hbm4b:s0+s4] =	stream.linear.scatter [tilespmem:s6], [sflag:$0xD], $0x4000, $0x38;
	[tilespmem:$0x1D500] =	vst v63  }
.LBB2_50:
0x19f: {  	p3 =	sge.s32 s5, s11;
	s0 =	rddreg [dreg:$0xd]  }
0x1a0: {  	s0 =	sadd.s32 @!p3 s2, s0  }
0x1a1: {  	s2 =	sshll.u32 @!p3 s0, $0xA;
	s0 =	sshll.u32 @!p3 s0, $0x7  }
0x1a2: {  	s2 =	sand.u32 @!p3 $0xFFFFE000, s2;
	s0 =	sand.u32 @!p3 $0x380, s0  }
0x1a3: {  	s0 =	sor.u32 @!p3 s0, s2  }
0x1a4: {  	s0 =	sshrl.u32 @!p3 s0, $0x3  }
0x1a5: {  	s11 =	simm.s32 @!p3 $0x19500;
	s2 =	simm.s32 @!p3 $0x0;
	s0 =	sadd.s32 @!p3 s3, s0  }
0x1a6: {  	[hbm4b:s0+s2] =	stream.linear.scatter @!p3 [tilespmem:s11], [sflag:$0xD], $0x80, $0x38;
	[tilespmem:$0x1D500] =	vst v63  }
0x1a7: {  	s12 =	simm.s32 @!p3 $0x19900;
	s11 =	sadd.s32 @!p3 $0x80, s0  }
0x1a8: {  	[hbm4b:s11+s2] =	stream.linear.scatter @!p3 [tilespmem:s12], [sflag:$0xD], $0x80, $0x38;
	[tilespmem:$0x1D500] =	vst v63  }
0x1a9: {  	s11 =	sadd.s32 @!p3 $0x100, s0;
	s12 =	simm.s32 @!p3 $0x19D00  }
0x1aa: {  	[hbm4b:s11+s2] =	stream.linear.scatter @!p3 [tilespmem:s12], [sflag:$0xD], $0x80, $0x38;
	[tilespmem:$0x1D500] =	vst v63  }
0x1ab: {  	s11 =	sadd.s32 @!p3 $0x180, s0;
	s12 =	simm.s32 @!p3 $0x1A100  }
0x1ac: {  	[hbm4b:s11+s2] =	stream.linear.scatter @!p3 [tilespmem:s12], [sflag:$0xD], $0x80, $0x38;
	[tilespmem:$0x1D500] =	vst v63  }
0x1ad: {  	s11 =	sadd.s32 @!p3 $0x200, s0;
	s12 =	simm.s32 @!p3 $0x1A500  }
0x1ae: {  	[hbm4b:s11+s2] =	stream.linear.scatter @!p3 [tilespmem:s12], [sflag:$0xD], $0x80, $0x38;
	[tilespmem:$0x1D500] =	vst v63  }
0x1af: {  	s11 =	sadd.s32 @!p3 $0x280, s0;
	s12 =	simm.s32 @!p3 $0x1A900  }
0x1b0: {  	[hbm4b:s11+s2] =	stream.linear.scatter @!p3 [tilespmem:s12], [sflag:$0xD], $0x80, $0x38;
	[tilespmem:$0x1D500] =	vst v63  }
0x1b1: {  	s11 =	sadd.s32 @!p3 $0x300, s0;
	s12 =	simm.s32 @!p3 $0x1AD00  }
0x1b2: {  	[hbm4b:s11+s2] =	stream.linear.scatter @!p3 [tilespmem:s12], [sflag:$0xD], $0x80, $0x38;
	[tilespmem:$0x1D500] =	vst v63  }
0x1b3: {  	s0 =	sadd.s32 @!p3 $0x380, s0;
	s11 =	simm.s32 @!p3 $0x1B100  }
0x1b4: {  	[hbm4b:s0+s2] =	stream.linear.scatter @!p3 [tilespmem:s11], [sflag:$0xD], $0x80, $0x38;
	[tilespmem:$0x1D500] =	vst v63  }
0x1b5: {  	v7 =	vld [tilespmem:s14+$0x0];
	_ =	sdelay $0x4  }
0x1b6: {  	vm0 =	veq.s32 v7, v5  }
0x1b7: {  	vm1 =	veq.s32 v7, v6;
	v7 =	vsel vm0, $0x1, v1  }
0x1b8: {  	v8 =	vsel vm1, $0x1, v1;
	(xrf0) =	vadd.scan.msk.s32 $0xffff, v7  }
0x1b9: {  	(xrf0) =	vadd.scan.msk.s32 $0xffff, v8;
	_ =	sdelay $0x4  }
0x1ba: {  	v7, _, _ =	vpop (xrf0)  }
0x1bb: {  	s13 =	sadd.s32 $0xFFFFFFFF, s24;
	s15 =	sadd.s32 $0xFFF, s25;
	v8, _, _ =	vpop (xrf0)  }
0x1bc: {  	v9 =	vadd.s32 s13, v7;
	(v2sf) =	vpush v7, $0xF;
	v10 =	vadd.s32 s15, v8  }
0x1bd: {  	(v2sf) =	vpush v8, $0xF;
	v7 =	vsel vm0, v9, v10  }
0x1be: {  	[tilespmem:$0x1100] =	vst v7  }
0x1bf: {  	v33 =	vld [tilespmem:s14+$0x10];
	_ =	sdelay $0x4  }
0x1c0: {  	vm13 =	veq.s32 v33, v5  }
0x1c1: {  	vm14 =	veq.s32 v33, v6;
	v34 =	vsel vm13, $0x1, v1  }
0x1c2: {  	v35 =	vsel vm14, $0x1, v1;
	(xrf0) =	vadd.scan.msk.s32 $0xffff, v34  }
0x1c3: {  	(xrf0) =	vadd.scan.msk.s32 $0xffff, v35;
	_ =	sdelay $0x3  }
0x1c4: {  	s24 =	spop (v2sf)  }
0x1c5: {  	s25 =	spop (v2sf);
	v8, _, _ =	vpop (xrf0)  }
0x1c6: {  	s0 =	sadd.s32 s24, s13;
	s2 =	sadd.s32 s25, s15;
	v9, _, _ =	vpop (xrf0)  }
0x1c7: {  	v36 =	vadd.s32 s0, v8;
	(v2sf) =	vpush v8, $0xF;
	v11 =	vadd.s32 s2, v9  }
0x1c8: {  	(v2sf) =	vpush v9, $0xF;
	v37 =	vsel vm13, v36, v11  }
0x1c9: {  	[tilespmem:$0x1180] =	vst v37  }
0x1ca: {  	v8 =	vld [tilespmem:s14+$0x20];
	_ =	sdelay $0x4  }
0x1cb: {  	vm15 =	veq.s32 v8, v5  }
0x1cc: {  	vm4 =	veq.s32 v8, v6;
	v38 =	vsel vm15, $0x1, v1  }
0x1cd: {  	v39 =	vsel vm4, $0x1, v1;
	(xrf0) =	vadd.scan.msk.s32 $0xffff, v38  }
0x1ce: {  	(xrf0) =	vadd.scan.msk.s32 $0xffff, v39;
	_ =	sdelay $0x3  }
0x1cf: {  	s31 =	spop (v2sf)  }
0x1d0: {  	s1 =	spop (v2sf);
	v8, _, _ =	vpop (xrf0)  }
0x1d1: {  	s0 =	sadd.s32 s31, s0;
	s2 =	sadd.s32 s1, s2;
	v9, _, _ =	vpop (xrf0)  }
0x1d2: {  	v40 =	vadd.s32 s0, v8;
	(v2sf) =	vpush v8, $0xF;
	v41 =	vadd.s32 s2, v9  }
0x1d3: {  	(v2sf) =	vpush v9, $0xF;
	v42 =	vsel vm15, v40, v41  }
0x1d4: {  	[tilespmem:$0x1200] =	vst v42  }
0x1d5: {  	v8 =	vld [tilespmem:s14+$0x30];
	_ =	sdelay $0x4  }
0x1d6: {  	vm5 =	veq.s32 v8, v5  }
0x1d7: {  	vm6 =	veq.s32 v8, v6;
	v43 =	vsel vm5, $0x1, v1  }
0x1d8: {  	v44 =	vsel vm6, $0x1, v1;
	(xrf0) =	vadd.scan.msk.s32 $0xffff, v43  }
0x1d9: {  	(xrf0) =	vadd.scan.msk.s32 $0xffff, v44;
	_ =	sdelay $0x3  }
0x1da: {  	s5 =	spop (v2sf)  }
0x1db: {  	s9 =	spop (v2sf);
	v8, _, _ =	vpop (xrf0)  }
0x1dc: {  	s0 =	sadd.s32 s5, s0;
	s2 =	sadd.s32 s9, s2;
	v9, _, _ =	vpop (xrf0)  }
0x1dd: {  	v45 =	vadd.s32 s0, v8;
	(v2sf) =	vpush v8, $0xF;
	v46 =	vadd.s32 s2, v9  }
0x1de: {  	(v2sf) =	vpush v9, $0xF;
	v47 =	vsel vm5, v45, v46  }
0x1df: {  	[tilespmem:$0x1280] =	vst v47  }
0x1e0: {  	v8 =	vld [tilespmem:s14+$0x40];
	_ =	sdelay $0x4  }
0x1e1: {  	vm7 =	veq.s32 v8, v5  }
0x1e2: {  	vm8 =	veq.s32 v8, v6;
	v48 =	vsel vm7, $0x1, v1  }
0x1e3: {  	v49 =	vsel vm8, $0x1, v1;
	(xrf0) =	vadd.scan.msk.s32 $0xffff, v48  }
0x1e4: {  	(xrf0) =	vadd.scan.msk.s32 $0xffff, v49;
	_ =	sdelay $0x3  }
0x1e5: {  	s12 =	spop (v2sf)  }
0x1e6: {  	s13 =	spop (v2sf);
	v8, _, _ =	vpop (xrf0)  }
0x1e7: {  	s0 =	sadd.s32 s12, s0;
	s2 =	sadd.s32 s13, s2;
	v9, _, _ =	vpop (xrf0)  }
0x1e8: {  	v50 =	vadd.s32 s0, v8;
	(v2sf) =	vpush v8, $0xF;
	v51 =	vadd.s32 s2, v9  }
0x1e9: {  	(v2sf) =	vpush v9, $0xF;
	v52 =	vsel vm7, v50, v51  }
0x1ea: {  	[tilespmem:$0x1300] =	vst v52  }
0x1eb: {  	v8 =	vld [tilespmem:s14+$0x50];
	_ =	sdelay $0x4  }
0x1ec: {  	vm9 =	veq.s32 v8, v5  }
0x1ed: {  	vm10 =	veq.s32 v8, v6;
	v53 =	vsel vm9, $0x1, v1  }
0x1ee: {  	v54 =	vsel vm10, $0x1, v1;
	(xrf0) =	vadd.scan.msk.s32 $0xffff, v53  }
0x1ef: {  	(xrf0) =	vadd.scan.msk.s32 $0xffff, v54;
	_ =	sdelay $0x3  }
0x1f0: {  	s15 =	spop (v2sf)  }
0x1f1: {  	s24 =	spop (v2sf);
	v8, _, _ =	vpop (xrf0)  }
0x1f2: {  	s0 =	sadd.s32 s15, s0;
	s2 =	sadd.s32 s24, s2;
	v9, _, _ =	vpop (xrf0)  }
0x1f3: {  	v55 =	vadd.s32 s0, v8;
	(v2sf) =	vpush v8, $0xF;
	v56 =	vadd.s32 s2, v9  }
0x1f4: {  	(v2sf) =	vpush v9, $0xF;
	v57 =	vsel vm9, v55, v56  }
0x1f5: {  	[tilespmem:$0x1380] =	vst v57  }
0x1f6: {  	v8 =	vld [tilespmem:s14+$0x60];
	_ =	sdelay $0x4  }
0x1f7: {  	vm11 =	veq.s32 v8, v5  }
0x1f8: {  	vm12 =	veq.s32 v8, v6;
	v58 =	vsel vm11, $0x1, v1  }
0x1f9: {  	v59 =	vsel vm12, $0x1, v1;
	(xrf0) =	vadd.scan.msk.s32 $0xffff, v58  }
0x1fa: {  	(xrf0) =	vadd.scan.msk.s32 $0xffff, v59;
	_ =	sdelay $0x3  }
0x1fb: {  	s25 =	spop (v2sf)  }
0x1fc: {  	s31 =	spop (v2sf);
	v8, _, _ =	vpop (xrf0)  }
0x1fd: {  	s0 =	sadd.s32 s25, s0;
	s2 =	sadd.s32 s31, s2;
	v9, _, _ =	vpop (xrf0)  }
0x1fe: {  	v60 =	vadd.s32 s0, v8;
	(v2sf) =	vpush v8, $0xF;
	v61 =	vadd.s32 s2, v9  }
0x1ff: {  	(v2sf) =	vpush v9, $0xF;
	v62 =	vsel vm11, v60, v61  }
0x200: {  	[tilespmem:$0x1400] =	vst v62  }
0x201: {  	v8 =	vld [tilespmem:s14+$0x70];
	_ =	sdelay $0x4  }
0x202: {  	vm13 =	veq.s32 v8, v5  }
0x203: {  	vm14 =	veq.s32 v8, v6;
	v5 =	vsel vm13, $0x1, v1  }
0x204: {  	v6 =	vsel vm14, $0x1, v1;
	(xrf0) =	vadd.scan.msk.s32 $0xffff, v5  }
0x205: {  	(xrf0) =	vadd.scan.msk.s32 $0xffff, v6;
	_ =	sdelay $0x2  }
0x206: {  	v6 =	vand.u32 $0x7, v7  }
0x207: {  	v5 =	vshll.u32 v7, $0x3;
	s1 =	spop (v2sf)  }
0x208: {  	v5 =	vand.u32 $0xFFFFFFC0, v5;
	s5 =	spop (v2sf);
	v7, _, _ =	vpop (xrf0)  }
0x209: {  	v5 =	vor.u32 v6, v5;
	s0 =	sadd.s32 s1, s0;
	s2 =	sadd.s32 s5, s2;
	v6, _, _ =	vpop (xrf0)  }
0x20a: {  	v7 =	vadd.s32 s0, v7;
	v6 =	vadd.s32 s2, v6  }
0x20b: {  	v6 =	vsel vm13, v7, v6  }
0x20c: {  	s28 =	simm.s32 $0x1;
	[tilespmem:$0x1480] =	vst v6  }
0x20d: {  	v63 =	vperm.xlane v5, v2;
	_ =	swait.ge [sflag:s28], $0x4000  }
0x20e: {  	v6 =	vld [tilespmem:$0x1FFF0]  }
0x20f: {  	v7 =	vadd.s32 v3, v63;
	_ =	sdelay $0x2  }
0x210: {  	[sflag:s28] =	ssyncset.done $0x0  }
0x211: {  	s15 =	simm.s32 $0x1500;
	[sflag:s28] =	ssyncadd.s32 $0xFFFFC000;
	vm15 =	vnez.u8 v6  }
0x212: {  	[hbm4b:s3+s4] =	stream.indirect_vreg.scatter [tilespmem:s15], [sflag:$0x7], $0x80, v7, vm15, $0xb8;
	[tilespmem:$0x1D500] =	vst v63  }
0x213: {  	s9 =	simm.s32 $0x1D00;
	v5 =	vperm.xlane v5, v4  }
0x214: {  	[hbm4b:s16+s4] =	stream.indirect_vreg.scatter [tilespmem:s9], [sflag:$0x7], $0x80, v7, vm15, $0xb8;
	[tilespmem:$0x1D500] =	vst v63  }
0x215: {  	s13 =	simm.s32 $0x2500;
	v5 =	vadd.s32 v3, v5  }
0x216: {  	[hbm4b:s17+s4] =	stream.indirect_vreg.scatter [tilespmem:s13], [sflag:$0x7], $0x80, v7, vm15, $0xb8;
	[tilespmem:$0x1D500] =	vst v63  }
0x217: {  	s24 =	simm.s32 $0x2D00  }
0x218: {  	[hbm4b:s18+s4] =	stream.indirect_vreg.scatter [tilespmem:s24], [sflag:$0x7], $0x80, v7, vm15, $0xb8;
	[tilespmem:$0x1D500] =	vst v63  }
0x219: {  	s25 =	simm.s32 $0x3500  }
0x21a: {  	[hbm4b:s3+s4] =	stream.indirect_vreg.scatter [tilespmem:s25], [sflag:$0x7], $0x80, v5, vm15, $0xb8;
	[tilespmem:$0x1D500] =	vst v63  }
0x21b: {  	_ = 	snop  }
0x21c: {  	[hbm4b:s16+s4] =	stream.indirect_vreg.scatter [tilespmem:s19], [sflag:$0x7], $0x80, v5, vm15, $0xb8;
	[tilespmem:$0x1D500] =	vst v63  }
0x21d: {  	_ = 	snop  }
0x21e: {  	[hbm4b:s17+s4] =	stream.indirect_vreg.scatter [tilespmem:s20], [sflag:$0x7], $0x80, v5, vm15, $0xb8;
	[tilespmem:$0x1D500] =	vst v63  }
0x21f: {  	_ = 	snop  }
0x220: {  	[hbm4b:s18+s4] =	stream.indirect_vreg.scatter [tilespmem:s26], [sflag:$0x7], $0x80, v5, vm15, $0xb8;
	[tilespmem:$0x1D500] =	vst v63  }
0x221: {  	_ =	swait.ge [sflag:s30], $0x4000  }
0x222: {  	[sflag:s30] =	ssyncset.done $0x0  }
0x223: {  	s11 =	rddreg [dreg:$0xe];
	[sflag:s30] =	ssyncadd.s32 $0xFFFFC000  }
0x224: {  	[tilespmem:s15], [sflag:$0x1] =	stream.linear.gather [hbm4b:s11+s4], $0x4000, $0x38;
	[tilespmem:$0x1D500] =	vst v63  }
0x225: {  	_ =	swait.ge [sflag:s10], $0x4000  }
0x226: {  	[sflag:s10] =	ssyncset.done $0x0  }
0x227: {  	[sflag:s10] =	ssyncadd.s32 $0xFFFFC000  }
0x228: {  	v5 =	vld [tilespmem:$0x1180];
	_ =	sdelay $0x4  }
0x229: {  	v6 =	vshll.u32 v5, $0x3  }
0x22a: {  	v5 =	vand.u32 $0x7, v5;
	v6 =	vand.u32 $0xFFFFFFC0, v6  }
0x22b: {  	v5 =	vor.u32 v5, v6  }
0x22c: {  	v6 =	vperm.xlane v5, v2;
	_ =	sdelay $0x1  }
0x22d: {  	v6 =	vadd.s32 v3, v6;
	_ =	sdelay $0x3  }
0x22e: {  	s31 =	simm.s32 $0x5500  }
0x22f: {  	[hbm4b:s3+s4] =	stream.indirect_vreg.scatter [tilespmem:s31], [sflag:$0x8], $0x80, v6, vm15, $0xb8;
	[tilespmem:$0x1D500] =	vst v63  }
0x230: {  	s2 =	simm.s32 $0x5D00;
	v5 =	vperm.xlane v5, v4  }
0x231: {  	[hbm4b:s16+s4] =	stream.indirect_vreg.scatter [tilespmem:s2], [sflag:$0x8], $0x80, v6, vm15, $0xb8;
	[tilespmem:$0x1D500] =	vst v63  }
0x232: {  	v5 =	vadd.s32 v3, v5  }
0x233: {  	[hbm4b:s17+s4] =	stream.indirect_vreg.scatter [tilespmem:s22], [sflag:$0x8], $0x80, v6, vm15, $0xb8;
	[tilespmem:$0x1D500] =	vst v63  }
0x234: {  	_ = 	snop  }
0x235: {  	[hbm4b:s18+s4] =	stream.indirect_vreg.scatter [tilespmem:s29], [sflag:$0x8], $0x80, v6, vm15, $0xb8;
	[tilespmem:$0x1D500] =	vst v63  }
0x236: {  	_ = 	snop  }
0x237: {  	[hbm4b:s3+s4] =	stream.indirect_vreg.scatter [tilespmem:s23], [sflag:$0x8], $0x80, v5, vm15, $0xb8;
	[tilespmem:$0x1D500] =	vst v63  }
0x238: {  	s5 =	simm.s32 $0x7D00  }
0x239: {  	[hbm4b:s16+s4] =	stream.indirect_vreg.scatter [tilespmem:s5], [sflag:$0x8], $0x80, v5, vm15, $0xb8;
	[tilespmem:$0x1D500] =	vst v63  }
0x23a: {  	_ = 	snop  }
0x23b: {  	[hbm4b:s17+s4] =	stream.indirect_vreg.scatter [tilespmem:s7], [sflag:$0x8], $0x80, v5, vm15, $0xb8;
	[tilespmem:$0x1D500] =	vst v63  }
0x23c: {  	s1 =	simm.s32 $0x8;
	s9 =	simm.s32 $0x8D00  }
0x23d: {  	[hbm4b:s18+s4] =	stream.indirect_vreg.scatter [tilespmem:s9], [sflag:$0x8], $0x80, v5, vm15, $0xb8;
	[tilespmem:$0x1D500] =	vst v63  }
0x23e: {  	_ =	swait.ge [sflag:s1], $0x4000  }
0x23f: {  	[sflag:s1] =	ssyncset.done $0x0  }
0x240: {  	s11 =	simm.s32 $0x3;
	s12 =	rddreg [dreg:$0xf];
	[sflag:s1] =	ssyncadd.s32 $0xFFFFC000  }
0x241: {  	[tilespmem:s31], [sflag:$0x2] =	stream.linear.gather [hbm4b:s12+s4], $0x4000, $0x38;
	[tilespmem:$0x1D500] =	vst v63  }
0x242: {  	_ =	swait.ge [sflag:s11], $0x4000  }
0x243: {  	[sflag:s11] =	ssyncset.done $0x0  }
0x244: {  	[sflag:s11] =	ssyncadd.s32 $0xFFFFC000  }
0x245: {  	v5 =	vld [tilespmem:$0x1200];
	_ =	sdelay $0x4  }
0x246: {  	v6 =	vshll.u32 v5, $0x3  }
0x247: {  	v5 =	vand.u32 $0x7, v5;
	v6 =	vand.u32 $0xFFFFFFC0, v6  }
0x248: {  	v5 =	vor.u32 v5, v6  }
0x249: {  	v6 =	vperm.xlane v5, v2;
	_ =	sdelay $0x1  }
0x24a: {  	v6 =	vadd.s32 v3, v6;
	_ =	sdelay $0x3  }
0x24b: {  	s12 =	simm.s32 $0x9500  }
0x24c: {  	[hbm4b:s3+s4] =	stream.indirect_vreg.scatter [tilespmem:s12], [sflag:$0x9], $0x80, v6, vm15, $0xb8;
	[tilespmem:$0x1D500] =	vst v63  }
0x24d: {  	s11 =	simm.s32 $0x9D00;
	v5 =	vperm.xlane v5, v4  }
0x24e: {  	[hbm4b:s16+s4] =	stream.indirect_vreg.scatter [tilespmem:s11], [sflag:$0x9], $0x80, v6, vm15, $0xb8;
	[tilespmem:$0x1D500] =	vst v63  }
0x24f: {  	v5 =	vadd.s32 v3, v5;
	s12 =	simm.s32 $0xA500  }
0x250: {  	[hbm4b:s17+s4] =	stream.indirect_vreg.scatter [tilespmem:s12], [sflag:$0x9], $0x80, v6, vm15, $0xb8;
	[tilespmem:$0x1D500] =	vst v63  }
0x251: {  	s11 =	simm.s32 $0xAD00  }
0x252: {  	[hbm4b:s18+s4] =	stream.indirect_vreg.scatter [tilespmem:s11], [sflag:$0x9], $0x80, v6, vm15, $0xb8;
	[tilespmem:$0x1D500] =	vst v63  }
0x253: {  	s12 =	simm.s32 $0xB500  }
0x254: {  	[hbm4b:s3+s4] =	stream.indirect_vreg.scatter [tilespmem:s12], [sflag:$0x9], $0x80, v5, vm15, $0xb8;
	[tilespmem:$0x1D500] =	vst v63  }
0x255: {  	s11 =	simm.s32 $0xBD00  }
0x256: {  	[hbm4b:s16+s4] =	stream.indirect_vreg.scatter [tilespmem:s11], [sflag:$0x9], $0x80, v5, vm15, $0xb8;
	[tilespmem:$0x1D500] =	vst v63  }
0x257: {  	s12 =	simm.s32 $0xC500  }
0x258: {  	[hbm4b:s17+s4] =	stream.indirect_vreg.scatter [tilespmem:s12], [sflag:$0x9], $0x80, v5, vm15, $0xb8;
	[tilespmem:$0x1D500] =	vst v63  }
0x259: {  	s11 =	simm.s32 $0xCD00;
	s12 =	simm.s32 $0x4  }
0x25a: {  	[hbm4b:s18+s4] =	stream.indirect_vreg.scatter [tilespmem:s11], [sflag:$0x9], $0x80, v5, vm15, $0xb8;
	[tilespmem:$0x1D500] =	vst v63  }
0x25b: {  	_ =	swait.ge [sflag:s12], $0x4000  }
0x25c: {  	[sflag:s12] =	ssyncset.done $0x0  }
0x25d: {  	[sflag:s12] =	ssyncadd.s32 $0xFFFFC000  }
0x25e: {  	v5 =	vld [tilespmem:$0x1280];
	_ =	sdelay $0x4  }
0x25f: {  	v6 =	vshll.u32 v5, $0x3  }
0x260: {  	v5 =	vand.u32 $0x7, v5;
	v6 =	vand.u32 $0xFFFFFFC0, v6  }
0x261: {  	v5 =	vor.u32 v5, v6  }
0x262: {  	v6 =	vperm.xlane v5, v2;
	_ =	sdelay $0x1  }
0x263: {  	v6 =	vadd.s32 v3, v6;
	_ =	sdelay $0x3  }
0x264: {  	s11 =	simm.s32 $0xD500  }
0x265: {  	[hbm4b:s3+s4] =	stream.indirect_vreg.scatter [tilespmem:s11], [sflag:$0xA], $0x80, v6, vm15, $0xb8;
	[tilespmem:$0x1D500] =	vst v63  }
0x266: {  	s12 =	simm.s32 $0xDD00;
	v5 =	vperm.xlane v5, v4  }
0x267: {  	[hbm4b:s16+s4] =	stream.indirect_vreg.scatter [tilespmem:s12], [sflag:$0xA], $0x80, v6, vm15, $0xb8;
	[tilespmem:$0x1D500] =	vst v63  }
0x268: {  	v5 =	vadd.s32 v3, v5;
	s11 =	simm.s32 $0xE500  }
0x269: {  	[hbm4b:s17+s4] =	stream.indirect_vreg.scatter [tilespmem:s11], [sflag:$0xA], $0x80, v6, vm15, $0xb8;
	[tilespmem:$0x1D500] =	vst v63  }
0x26a: {  	s12 =	simm.s32 $0xED00  }
0x26b: {  	[hbm4b:s18+s4] =	stream.indirect_vreg.scatter [tilespmem:s12], [sflag:$0xA], $0x80, v6, vm15, $0xb8;
	[tilespmem:$0x1D500] =	vst v63  }
0x26c: {  	s11 =	simm.s32 $0xF500  }
0x26d: {  	[hbm4b:s3+s4] =	stream.indirect_vreg.scatter [tilespmem:s11], [sflag:$0xA], $0x80, v5, vm15, $0xb8;
	[tilespmem:$0x1D500] =	vst v63  }
0x26e: {  	s12 =	simm.s32 $0xFD00  }
0x26f: {  	[hbm4b:s16+s4] =	stream.indirect_vreg.scatter [tilespmem:s12], [sflag:$0xA], $0x80, v5, vm15, $0xb8;
	[tilespmem:$0x1D500] =	vst v63  }
0x270: {  	s11 =	simm.s32 $0x10500  }
0x271: {  	[hbm4b:s17+s4] =	stream.indirect_vreg.scatter [tilespmem:s11], [sflag:$0xA], $0x80, v5, vm15, $0xb8;
	[tilespmem:$0x1D500] =	vst v63  }
0x272: {  	s12 =	simm.s32 $0x10D00;
	s11 =	simm.s32 $0x5  }
0x273: {  	[hbm4b:s18+s4] =	stream.indirect_vreg.scatter [tilespmem:s12], [sflag:$0xA], $0x80, v5, vm15, $0xb8;
	[tilespmem:$0x1D500] =	vst v63  }
0x274: {  	_ =	swait.ge [sflag:s11], $0x4000  }
0x275: {  	[sflag:s11] =	ssyncset.done $0x0  }
0x276: {  	[sflag:s11] =	ssyncadd.s32 $0xFFFFC000  }
0x277: {  	v5 =	vld [tilespmem:$0x1300];
	_ =	sdelay $0x4  }
0x278: {  	v6 =	vshll.u32 v5, $0x3  }
0x279: {  	v5 =	vand.u32 $0x7, v5;
	v6 =	vand.u32 $0xFFFFFFC0, v6  }
0x27a: {  	v5 =	vor.u32 v5, v6  }
0x27b: {  	v6 =	vperm.xlane v5, v2;
	_ =	sdelay $0x1  }
0x27c: {  	v6 =	vadd.s32 v3, v6;
	_ =	sdelay $0x3  }
0x27d: {  	s11 =	simm.s32 $0x11500  }
0x27e: {  	[hbm4b:s3+s4] =	stream.indirect_vreg.scatter [tilespmem:s11], [sflag:$0xB], $0x80, v6, vm15, $0xb8;
	[tilespmem:$0x1D500] =	vst v63  }
0x27f: {  	s12 =	simm.s32 $0x11D00;
	v5 =	vperm.xlane v5, v4  }
0x280: {  	[hbm4b:s16+s4] =	stream.indirect_vreg.scatter [tilespmem:s12], [sflag:$0xB], $0x80, v6, vm15, $0xb8;
	[tilespmem:$0x1D500] =	vst v63  }
0x281: {  	v5 =	vadd.s32 v3, v5;
	s12 =	simm.s32 $0x12500  }
0x282: {  	[hbm4b:s17+s4] =	stream.indirect_vreg.scatter [tilespmem:s12], [sflag:$0xB], $0x80, v6, vm15, $0xb8;
	[tilespmem:$0x1D500] =	vst v63  }
0x283: {  	s12 =	simm.s32 $0x12D00  }
0x284: {  	[hbm4b:s18+s4] =	stream.indirect_vreg.scatter [tilespmem:s12], [sflag:$0xB], $0x80, v6, vm15, $0xb8;
	[tilespmem:$0x1D500] =	vst v63  }
0x285: {  	s12 =	simm.s32 $0x13500  }
0x286: {  	[hbm4b:s3+s4] =	stream.indirect_vreg.scatter [tilespmem:s12], [sflag:$0xB], $0x80, v5, vm15, $0xb8;
	[tilespmem:$0x1D500] =	vst v63  }
0x287: {  	s12 =	simm.s32 $0x13D00  }
0x288: {  	[hbm4b:s16+s4] =	stream.indirect_vreg.scatter [tilespmem:s12], [sflag:$0xB], $0x80, v5, vm15, $0xb8;
	[tilespmem:$0x1D500] =	vst v63  }
0x289: {  	s12 =	simm.s32 $0x14500  }
0x28a: {  	[hbm4b:s17+s4] =	stream.indirect_vreg.scatter [tilespmem:s12], [sflag:$0xB], $0x80, v5, vm15, $0xb8;
	[tilespmem:$0x1D500] =	vst v63  }
0x28b: {  	s12 =	simm.s32 $0x14D00  }
0x28c: {  	[hbm4b:s18+s4] =	stream.indirect_vreg.scatter [tilespmem:s12], [sflag:$0xB], $0x80, v5, vm15, $0xb8;
	[tilespmem:$0x1D500] =	vst v63  }
0x28d: {  	s12 =	simm.s32 $0x6  }
0x28e: {  	_ =	swait.ge [sflag:s12], $0x4000  }
0x28f: {  	[sflag:s12] =	ssyncset.done $0x0  }
0x290: {  	[sflag:s12] =	ssyncadd.s32 $0xFFFFC000  }
0x291: {  	v5 =	vld [tilespmem:$0x1380];
	_ =	sdelay $0x4  }
0x292: {  	v6 =	vshll.u32 v5, $0x3  }
0x293: {  	v5 =	vand.u32 $0x7, v5;
	v6 =	vand.u32 $0xFFFFFFC0, v6  }
0x294: {  	v5 =	vor.u32 v5, v6  }
0x295: {  	v6 =	vperm.xlane v5, v2;
	_ =	sdelay $0x1  }
0x296: {  	v6 =	vadd.s32 v3, v6;
	_ =	sdelay $0x3  }
0x297: {  	s12 =	simm.s32 $0x15500  }
0x298: {  	[hbm4b:s3+s4] =	stream.indirect_vreg.scatter [tilespmem:s12], [sflag:$0xC], $0x80, v6, vm15, $0xb8;
	[tilespmem:$0x1D500] =	vst v63  }
0x299: {  	s0 =	simm.s32 $0x15D00;
	v5 =	vperm.xlane v5, v4  }
0x29a: {  	[hbm4b:s16+s4] =	stream.indirect_vreg.scatter [tilespmem:s0], [sflag:$0xC], $0x80, v6, vm15, $0xb8;
	[tilespmem:$0x1D500] =	vst v63  }
0x29b: {  	v5 =	vadd.s32 v3, v5;
	s0 =	simm.s32 $0x16500  }
0x29c: {  	[hbm4b:s17+s4] =	stream.indirect_vreg.scatter [tilespmem:s0], [sflag:$0xC], $0x80, v6, vm15, $0xb8;
	[tilespmem:$0x1D500] =	vst v63  }
0x29d: {  	s0 =	simm.s32 $0x16D00  }
0x29e: {  	[hbm4b:s18+s4] =	stream.indirect_vreg.scatter [tilespmem:s0], [sflag:$0xC], $0x80, v6, vm15, $0xb8;
	[tilespmem:$0x1D500] =	vst v63  }
0x29f: {  	s0 =	simm.s32 $0x17500  }
0x2a0: {  	[hbm4b:s3+s4] =	stream.indirect_vreg.scatter [tilespmem:s0], [sflag:$0xC], $0x80, v5, vm15, $0xb8;
	[tilespmem:$0x1D500] =	vst v63  }
0x2a1: {  	s0 =	simm.s32 $0x17D00  }
0x2a2: {  	[hbm4b:s16+s4] =	stream.indirect_vreg.scatter [tilespmem:s0], [sflag:$0xC], $0x80, v5, vm15, $0xb8;
	[tilespmem:$0x1D500] =	vst v63  }
0x2a3: {  	s0 =	simm.s32 $0x18500  }
0x2a4: {  	[hbm4b:s17+s4] =	stream.indirect_vreg.scatter [tilespmem:s0], [sflag:$0xC], $0x80, v5, vm15, $0xb8;
	[tilespmem:$0x1D500] =	vst v63  }
0x2a5: {  	s0 =	simm.s32 $0x18D00  }
0x2a6: {  	[hbm4b:s18+s4] =	stream.indirect_vreg.scatter [tilespmem:s0], [sflag:$0xC], $0x80, v5, vm15, $0xb8;
	[tilespmem:$0x1D500] =	vst v63  }
0x2a7: {  	_ =	swait.ge [sflag:s28], $0x4000  }
0x2a8: {  	[sflag:s28] =	ssyncset.done $0x0  }
0x2a9: {  	[sflag:s28] =	ssyncadd.s32 $0xFFFFC000  }
0x2aa: {  	v5 =	vld [tilespmem:$0x1400];
	_ =	sdelay $0x4  }
0x2ab: {  	v6 =	vshll.u32 v5, $0x3  }
0x2ac: {  	v5 =	vand.u32 $0x7, v5;
	v6 =	vand.u32 $0xFFFFFFC0, v6  }
0x2ad: {  	v5 =	vor.u32 v5, v6  }
0x2ae: {  	v6 =	vperm.xlane v5, v2;
	_ =	sdelay $0x1  }
0x2af: {  	v6 =	vadd.s32 v3, v6;
	_ =	sdelay $0x4  }
0x2b0: {  	[hbm4b:s3+s4] =	stream.indirect_vreg.scatter [tilespmem:s15], [sflag:$0x7], $0x80, v6, vm15, $0xb8;
	[tilespmem:$0x1D500] =	vst v63  }
0x2b1: {  	v5 =	vperm.xlane v5, v4;
	s15 =	simm.s32 $0x1D00  }
0x2b2: {  	[hbm4b:s16+s4] =	stream.indirect_vreg.scatter [tilespmem:s15], [sflag:$0x7], $0x80, v6, vm15, $0xb8;
	[tilespmem:$0x1D500] =	vst v63  }
0x2b3: {  	v5 =	vadd.s32 v3, v5  }
0x2b4: {  	[hbm4b:s17+s4] =	stream.indirect_vreg.scatter [tilespmem:s13], [sflag:$0x7], $0x80, v6, vm15, $0xb8;
	[tilespmem:$0x1D500] =	vst v63  }
0x2b5: {  	_ = 	snop  }
0x2b6: {  	[hbm4b:s18+s4] =	stream.indirect_vreg.scatter [tilespmem:s24], [sflag:$0x7], $0x80, v6, vm15, $0xb8;
	[tilespmem:$0x1D500] =	vst v63  }
0x2b7: {  	_ = 	snop  }
0x2b8: {  	[hbm4b:s3+s4] =	stream.indirect_vreg.scatter [tilespmem:s25], [sflag:$0x7], $0x80, v5, vm15, $0xb8;
	[tilespmem:$0x1D500] =	vst v63  }
0x2b9: {  	_ = 	snop  }
0x2ba: {  	[hbm4b:s16+s4] =	stream.indirect_vreg.scatter [tilespmem:s19], [sflag:$0x7], $0x80, v5, vm15, $0xb8;
	[tilespmem:$0x1D500] =	vst v63  }
0x2bb: {  	_ = 	snop  }
0x2bc: {  	[hbm4b:s17+s4] =	stream.indirect_vreg.scatter [tilespmem:s20], [sflag:$0x7], $0x80, v5, vm15, $0xb8;
	[tilespmem:$0x1D500] =	vst v63  }
0x2bd: {  	_ = 	snop  }
0x2be: {  	[hbm4b:s18+s4] =	stream.indirect_vreg.scatter [tilespmem:s26], [sflag:$0x7], $0x80, v5, vm15, $0xb8;
	[tilespmem:$0x1D500] =	vst v63  }
0x2bf: {  	_ =	swait.ge [sflag:s10], $0x4000  }
0x2c0: {  	[sflag:s10] =	ssyncset.done $0x0  }
0x2c1: {  	[sflag:s10] =	ssyncadd.s32 $0xFFFFC000  }
0x2c2: {  	v5 =	vld [tilespmem:$0x1480];
	_ =	sdelay $0x4  }
0x2c3: {  	v6 =	vshll.u32 v5, $0x3  }
0x2c4: {  	v5 =	vand.u32 $0x7, v5;
	v6 =	vand.u32 $0xFFFFFFC0, v6  }
0x2c5: {  	v5 =	vor.u32 v5, v6  }
0x2c6: {  	v6 =	vperm.xlane v5, v2;
	_ =	sdelay $0x1  }
0x2c7: {  	v6 =	vadd.s32 v3, v6;
	_ =	sdelay $0x4  }
0x2c8: {  	[hbm4b:s3+s4] =	stream.indirect_vreg.scatter [tilespmem:s31], [sflag:$0x8], $0x80, v6, vm15, $0xb8;
	[tilespmem:$0x1D500] =	vst v63  }
0x2c9: {  	v5 =	vperm.xlane v5, v4  }
0x2ca: {  	[hbm4b:s16+s4] =	stream.indirect_vreg.scatter [tilespmem:s2], [sflag:$0x8], $0x80, v6, vm15, $0xb8;
	[tilespmem:$0x1D500] =	vst v63  }
0x2cb: {  	v5 =	vadd.s32 v3, v5  }
0x2cc: {  	[hbm4b:s17+s4] =	stream.indirect_vreg.scatter [tilespmem:s22], [sflag:$0x8], $0x80, v6, vm15, $0xb8;
	[tilespmem:$0x1D500] =	vst v63  }
0x2cd: {  	_ = 	snop  }
0x2ce: {  	[hbm4b:s18+s4] =	stream.indirect_vreg.scatter [tilespmem:s29], [sflag:$0x8], $0x80, v6, vm15, $0xb8;
	[tilespmem:$0x1D500] =	vst v63  }
0x2cf: {  	_ = 	snop  }
0x2d0: {  	[hbm4b:s3+s4] =	stream.indirect_vreg.scatter [tilespmem:s23], [sflag:$0x8], $0x80, v5, vm15, $0xb8;
	[tilespmem:$0x1D500] =	vst v63  }
0x2d1: {  	_ = 	snop  }
0x2d2: {  	[hbm4b:s16+s4] =	stream.indirect_vreg.scatter [tilespmem:s5], [sflag:$0x8], $0x80, v5, vm15, $0xb8;
	[tilespmem:$0x1D500] =	vst v63  }
0x2d3: {  	_ = 	snop  }
0x2d4: {  	[hbm4b:s17+s4] =	stream.indirect_vreg.scatter [tilespmem:s7], [sflag:$0x8], $0x80, v5, vm15, $0xb8;
	[tilespmem:$0x1D500] =	vst v63  }
0x2d5: {  	_ = 	snop  }
0x2d6: {  	[hbm4b:s18+s4] =	stream.indirect_vreg.scatter [tilespmem:s9], [sflag:$0x8], $0x80, v5, vm15, $0xb8;
	[tilespmem:$0x1D500] =	vst v63  }
0x2d7: {  	s9 =	simm.s32 $0x9  }
0x2d8: {  	_ =	swait.ge [sflag:s9], $0x4000  }
0x2d9: {  	[sflag:s9] =	ssyncset.done $0x0  }
0x2da: {  	s15 =	simm.s32 $0xA;
	[sflag:s9] =	ssyncadd.s32 $0xFFFFC000  }
0x2db: {  	_ =	swait.ge [sflag:s15], $0x4000  }
0x2dc: {  	[sflag:s15] =	ssyncset.done $0x0  }
0x2dd: {  	s24 =	simm.s32 $0xB;
	[sflag:s15] =	ssyncadd.s32 $0xFFFFC000  }
0x2de: {  	_ =	swait.ge [sflag:s24], $0x4000  }
0x2df: {  	[sflag:s24] =	ssyncset.done $0x0  }
0x2e0: {  	s25 =	simm.s32 $0xC;
	[sflag:s24] =	ssyncadd.s32 $0xFFFFC000  }
0x2e1: {  	_ =	swait.ge [sflag:s25], $0x4000  }
0x2e2: {  	[sflag:s25] =	ssyncset.done $0x0  }
0x2e3: {  	[sflag:s25] =	ssyncadd.s32 $0xFFFFC000  }
0x2e4: {  	_ =	swait.ge [sflag:s30], $0x4000  }
0x2e5: {  	s31 =	rddreg [dreg:$0x17]  }
0x2e6: {  	s0 =	sadd.s32 s31, s8  }
0x2e7: {  	p4 =	slt.s32 s0, $0x1  }
.Ltmp31:
0x2e8: {  	[sflag:s30] =	ssyncset.done $0x0;
	(pc) =	sbr.rel @p4 .LBB2_54-.Ltmp31, $4  }
0x2e9: {  	[sflag:s30] =	ssyncadd.s32 $0xFFFFC000  }
0x2ea: {  	_ =	swait.ge [sflag:s1], $0x4000  }
0x2eb: {  	s28 =	simm.s32 $0x1500;
	[sflag:s1] =	ssyncset.done $0x0  }
0x2ec: {  	s13 =	simm.s32 $0x5500;
	[sflag:s1] =	ssyncadd.s32 $0xFFFFC000;
	s1 =	rddreg [dreg:$0x16]  }
0x2ed: {  	p4 =	sne.s32 s0, $0x1  }
.Ltmp32:
0x2ee: {  	_ = 	snop;
	(pc) =	sbr.rel @!p4 .LBB2_53-.Ltmp32, $3  }
0x2ef: {  	_ =	sdelay $0x1  }
0x2f0: {  	_ =	swait.ge [sflag:s21], $0x4000  }
0x2f1: {  	s2 =	sadd.s32 $0xFFFFFFFF, s0;
	[sflag:s21] =	ssyncset.done $0x0  }
.LBB2_52:
0x2f2: {  	p4 =	sne.s32 s2, $0x1;
	s2 =	sadd.s32 $0xFFFFFFFF, s2;
	[sflag:s21] =	ssyncadd.s32 $0xFFFFC000  }
.Ltmp33:
0x2f3: {  	(pc) =	sbr.rel @p4 .LBB2_52-.Ltmp33, $3  }
0x2f4: {  	_ =	sdelay $0x1  }
0x2f5: {  	_ =	swait.ge [sflag:s21], $0x4000  }
0x2f6: {  	[sflag:s21] =	ssyncset.done $0x0  }
.Ltmp34:
0x2f7: {  	_ = 	snop;
	(pc) =	sbr.rel .LBB2_53-.Ltmp34, $1  }
0x2f8: {  	_ =	sdelay $0x3  }
.LBB2_55:
0x2f9: {  	_ =	sfence.sel $0x180000  }
0x2fa: {  	[bflag:$0x0] =	sbarrier.arrive $0xFFFF  }
0x2fb: {  	_ =	strace $0x90000047  }
0x2fc: {  	s0 =	stileid.u32;
	[bflag:$0x2] =	sbarrier.arrive $0xFFFF  }
0x2fd: {  	p0 =	sne.s32 s0, $0x0;
	s0 =	rddreg [dreg:$0x4]  }
0x2fe: {  	s0 =	sadd.s32 @!p0 $0x100000, s0  }
0x2ff: {  	[sflag:s0] =	ssyncadd.tile.s32 @!p0 $0x1;
	_ =	shalt  }
.Lfunc_end2:
_tile_overlayer_lowered:
.L_overlay_start_2:
0x300: {  	(tag) =	ssettag $0x2  }
0x301: {  	s0 =	rddreg [dreg:$0x0];
	s2 =	stileid.u32  }
0x302: {  	s1 =	rddreg [dreg:$0x1];
	p0 =	sne.s32 s2, $0x0  }
0x303: {  	s3 =	rddreg [dreg:$0x2];
	[bflag:$0x3] =	sbarrier.arrive $0xFFFF;
	s2 =	simm.s32 @!p0 $0x1C0F  }
0x304: {  	[timem:s3], [sflag:s2] =	dma.local @!p0 [hbm:s0], s1  }
0x305: {  	s0 =	simm.s32 @!p0 $0xF  }
0x306: {  	_ =	swait.ge @!p0 [sflag:s0], s1  }
0x307: {  	s1 =	ssub.s32 @!p0 $0x0, s1;
	[sflag:s0] =	ssyncset.done @!p0 $0x0  }
0x308: {  	[sflag:s0] =	ssyncadd.s32 @!p0 s1  }
0x309: {  	[bflag:$0x3] =	sbarrier.arrive $0xFFFF  }
0x30a: {  	_ =	shalt  }

</sc_bundles>
